<compile_context>
chip_gen: v7x
topology: tpu7x:2x2x1
jax: 0.10.2.dev20260603
libtpu: 0.0.44.dev20260713+nightly
codegen_flags: <defaults>
</compile_context>

<pallas_src>
import functools

import jax
import jax.numpy as jnp
from jax import lax
from jax.experimental import pallas as pl
from jax.experimental.pallas import tpu as pltpu
from jax.experimental.pallas import tpu_sc as plsc

_LANE = 128


def kernel(x, embedding):
    B, S = x.shape
    V, D = embedding.shape
    N = B * S
    NC, NS = 2, 16
    NW = NC * NS
    rows = N // _LANE
    rows_w = rows // NW
    R = 16
    n_g = rows_w // R

    mesh = plsc.VectorSubcoreMesh(core_axis_name="c", subcore_axis_name="s")

    @functools.partial(
        pl.kernel,
        mesh=mesh,
        out_type=(
            jax.ShapeDtypeStruct((rows, _LANE), jnp.float32),
            jax.ShapeDtypeStruct((rows, _LANE), jnp.float32),
        ),
        scratch_types=[
            pltpu.VMEM((R, _LANE), jnp.int32),
            pltpu.VMEM((R, _LANE), jnp.int32),
            pltpu.VMEM((R, _LANE), jnp.float32),
            pltpu.VMEM((R, _LANE), jnp.float32),
            pltpu.VMEM((R, _LANE), jnp.float32),
            pltpu.VMEM((R, _LANE), jnp.float32),
            pltpu.SemaphoreType.DMA,
            pltpu.SemaphoreType.DMA,
            pltpu.SemaphoreType.DMA,
            pltpu.SemaphoreType.DMA,
            pltpu.SemaphoreType.DMA,
            pltpu.SemaphoreType.DMA,
        ],
    )
    def gather_k(idx_hbm, cos_hbm, sin_hbm, cos_out, sin_out,
                 i0, i1, c0, c1, s0, s1,
                 gs0, gs1, ws0, ws1, is0, is1):
        ibuf = (i0, i1)
        cbuf = (c0, c1)
        sbuf = (s0, s1)
        gsem = (gs0, gs1)
        wsem = (ws0, ws1)
        isem = (is0, is1)
        wid = lax.axis_index("s") * NC + lax.axis_index("c")
        base = wid * rows_w

        def stage(g, b):
            pltpu.async_copy(idx_hbm.at[pl.ds(base + g * R, R)],
                             ibuf[b], isem[b])

        def wait_idx(b):
            pltpu.make_async_copy(idx_hbm.at[pl.ds(0, R)],
                                  ibuf[b], isem[b]).wait()

        def fire(b):
            for j in range(R):
                pltpu.async_copy(cos_hbm.at[ibuf[b].at[j]],
                                 cbuf[b].at[j], gsem[b])
                pltpu.async_copy(sin_hbm.at[ibuf[b].at[j]],
                                 sbuf[b].at[j], gsem[b])

        def wait_gather(b):
            pltpu.make_async_copy(cos_out.at[pl.ds(0, R)],
                                  cbuf[b], gsem[b]).wait()
            pltpu.make_async_copy(sin_out.at[pl.ds(0, R)],
                                  sbuf[b], gsem[b]).wait()

        def writeback(g, b):
            off = base + g * R
            pltpu.async_copy(cbuf[b], cos_out.at[pl.ds(off, R)], wsem[b])
            pltpu.async_copy(sbuf[b], sin_out.at[pl.ds(off, R)], wsem[b])

        def wait_wb(b):
            pltpu.make_async_copy(cbuf[b], cos_out.at[pl.ds(0, R)],
                                  wsem[b]).wait()
            pltpu.make_async_copy(sbuf[b], sin_out.at[pl.ds(0, R)],
                                  wsem[b]).wait()

        def step(k, b, do_wait_wb, do_stage):
            nb = 1 - b
            if do_wait_wb:
                wait_wb(nb)
            wait_idx(nb)
            fire(nb)
            wait_gather(b)
            writeback(k, b)
            if do_stage:
                stage_guarded(k + 2, b)

        def stage_guarded(g, b):
            @pl.when(g < n_g)
            def _():
                stage(g, b)

        stage(0, 0)
        wait_idx(0)
        fire(0)
        stage(1, 1)
        step(0, 0, do_wait_wb=False, do_stage=True)

        def body(k2, carry):
            step(2 * k2 + 1, 1, do_wait_wb=True, do_stage=True)
            step(2 * k2 + 2, 0, do_wait_wb=True, do_stage=True)
            return carry

        lax.fori_loop(0, (n_g - 2) // 2, body, 0)

        if (n_g - 2) % 2:
            step(n_g - 2, (n_g - 2) % 2, do_wait_wb=True, do_stage=True)

        b_last = (n_g - 1) % 2
        wait_gather(b_last)
        writeback(n_g - 1, b_last)
        wait_wb(1 - b_last)
        wait_wb(b_last)

    cos_t = jax.lax.slice_in_dim(embedding, 0, 1, axis=1).reshape(V)
    sin_t = jax.lax.slice_in_dim(embedding, 1, 2, axis=1).reshape(V)
    cos_p, sin_p = gather_k(x.reshape(rows, _LANE), cos_t, sin_t)
    out = jnp.stack([cos_p.reshape(N), sin_p.reshape(N)], axis=-1)
    return out.reshape(B, S, D)

# --- scband reference (transcript-rebuilt; emitter-appended) ---
"""Pipeline reference for scband-spiral-phase-encoder-50122268344506 (READ-ONLY COPY).

The authoritative reference and input builder live on the scoring server;
editing this copy changes nothing except your own understanding.
"""

import jax, jax.numpy as jnp
import numpy as np

PHI = (1 + 5 ** 0.5) / 2
VOCAB_SIZE = 1000000
BATCH = 16384
SEQ_LEN = 200


def _generate_embeddings(vocab_size: int) -> jnp.ndarray:
    # Faithful to torch reference: theta computed in double precision
    # (Python floats), stored as float32.
    v = np.arange(vocab_size, dtype=np.float64)
    theta = 2.0 * np.pi * ((PHI * v) % 1.0)
    emb = np.stack([np.cos(theta), np.sin(theta)], axis=1).astype(np.float32)
    return jnp.asarray(emb)


def setup_inputs(seed: int = 0) -> dict:
    key = jax.random.key(seed)
    x = jax.random.randint(key, (BATCH, SEQ_LEN), 0, VOCAB_SIZE, dtype=jnp.int32)
    embedding = _generate_embeddings(VOCAB_SIZE)
    return {"x": x, "embedding": embedding}


def reference(x, embedding):
    # SpiralPhaseEncoder.forward: self.embedding[x]
    return jnp.take(embedding, x, axis=0)

if __name__ == "__main__":
    import jax
    _d = setup_inputs()
    print(jax.jit(kernel)(*tuple(_d.values())))

</pallas_src>

<mosaic_0001>
#map = affine_map<(d0, d1) -> (0, 0)>
#map1 = affine_map<(d0, d1) -> (0)>
module attributes {stable_mosaic.version = 14 : i64} {
  func.func @gather_k(%arg0: i32, %arg1: i32, %arg2: memref<25600x128xi32, #tpu.memory_space<hbm>>, %arg3: memref<1000000xf32, #tpu.memory_space<hbm>>, %arg4: memref<1000000xf32, #tpu.memory_space<hbm>>, %arg5: memref<25600x128xf32, #tpu.memory_space<hbm>>, %arg6: memref<25600x128xf32, #tpu.memory_space<hbm>>, %arg7: memref<16x128xi32, #tpu.memory_space<vmem>>, %arg8: memref<16x128xi32, #tpu.memory_space<vmem>>, %arg9: memref<16x128xf32, #tpu.memory_space<vmem>>, %arg10: memref<16x128xf32, #tpu.memory_space<vmem>>, %arg11: memref<16x128xf32, #tpu.memory_space<vmem>>, %arg12: memref<16x128xf32, #tpu.memory_space<vmem>>, %arg13: memref<!tpu.dma_semaphore, #tpu.memory_space<semaphore_mem>>, %arg14: memref<!tpu.dma_semaphore, #tpu.memory_space<semaphore_mem>>, %arg15: memref<!tpu.dma_semaphore, #tpu.memory_space<semaphore_mem>>, %arg16: memref<!tpu.dma_semaphore, #tpu.memory_space<semaphore_mem>>, %arg17: memref<!tpu.dma_semaphore, #tpu.memory_space<semaphore_mem>>, %arg18: memref<!tpu.dma_semaphore, #tpu.memory_space<semaphore_mem>>) attributes {dimension_semantics = [#tpu.dimension_semantics<core_parallel>, #tpu.dimension_semantics<subcore_parallel>], iteration_bounds = array<i64: 2, 16>, scalar_prefetch = 0 : i64, scratch_operands = 12 : i64, tpu.core_type = #tpu.core_type<sc_vector_subcore>, window_params = [{transform_indices = #map}, {transform_indices = #map1}, {transform_indices = #map1}, {transform_indices = #map}, {transform_indices = #map}]} {
    %mul3A = arith.constant 2 : i32
    %mul3A_0 = arith.muli %arg1, %mul3A : i32
    %add3A = arith.addi %mul3A_0, %arg0 : i32
    %mul3A_1 = arith.constant 800 : i32
    %mul3A_2 = arith.muli %add3A, %mul3A_1 : i32
    %add3A_3 = arith.constant 0 : i32
    %add3A_4 = arith.addi %mul3A_2, %add3A_3 : i32
    %dma_start3A = arith.constant 0 : i32
    %dma_start3A_5 = tpu.memref_slice %arg2[%add3A_4, %dma_start3A] : memref<25600x128xi32, #tpu.memory_space<hbm>> -> memref<16x128xi32, #tpu.memory_space<hbm>>
    %dma_start3A_6 = arith.constant 0 : i32
    %dma_start3A_7 = tpu.memref_slice %arg2[%add3A_4, %dma_start3A_6] : memref<25600x128xi32, #tpu.memory_space<hbm>> -> memref<16x128xi32, #tpu.memory_space<hbm>>
    tpu.enqueue_dma source(%dma_start3A_7 : memref<16x128xi32, #tpu.memory_space<hbm>>) target(%arg7 : memref<16x128xi32, #tpu.memory_space<vmem>>) target_semaphore(%arg17 : memref<!tpu.dma_semaphore, #tpu.memory_space<semaphore_mem>>)
    %dma_wait3A = arith.constant 0 : i32
    %dma_wait3A_8 = arith.constant 0 : i32
    %dma_wait3A_9 = tpu.memref_slice %arg2[%dma_wait3A, %dma_wait3A_8] : memref<25600x128xi32, #tpu.memory_space<hbm>> -> memref<16x128xi32, #tpu.memory_space<hbm>>
    %dma_wait3A_10 = arith.constant 0 : i32
    %dma_wait3A_11 = arith.constant 0 : i32
    %dma_wait3A_12 = tpu.memref_slice %arg2[%dma_wait3A_10, %dma_wait3A_11] : memref<25600x128xi32, #tpu.memory_space<hbm>> -> memref<16x128xi32, #tpu.memory_space<hbm>>
    tpu.wait_dma2 semaphore(%arg17 : memref<!tpu.dma_semaphore, #tpu.memory_space<semaphore_mem>>) src(%dma_wait3A_12 : memref<16x128xi32, #tpu.memory_space<hbm>>) dst(%arg7 : memref<16x128xi32, #tpu.memory_space<vmem>>)
    %dma_start3A_13 = arith.constant 0 : i32
    %dma_start3A_14 = arith.constant 0 : i32
    %dma_start3A_15 = arith.constant 0 : i32
    %dma_start3A_16 = tpu.memref_slice %arg9[%dma_start3A_14, %dma_start3A_15] : memref<16x128xf32, #tpu.memory_space<vmem>> -> memref<1x128xf32, #tpu.memory_space<vmem>>
    %dma_start3A_17 = tpu.memref_squeeze %dma_start3A_16 : memref<1x128xf32, #tpu.memory_space<vmem>> -> memref<128xf32, #tpu.memory_space<vmem>>
    %dma_start3A_18 = arith.constant 0 : i32
    %dma_start3A_19 = tpu.memref_slice %arg7[%dma_start3A_13, %dma_start3A_18] : memref<16x128xi32, #tpu.memory_space<vmem>> -> memref<1x128xi32, #tpu.memory_space<vmem>>
    %dma_start3A_20 = tpu.memref_squeeze %dma_start3A_19 : memref<1x128xi32, #tpu.memory_space<vmem>> -> memref<128xi32, #tpu.memory_space<vmem>>
    %dma_start3A_21 = arith.constant 0 : i32
    %dma_start3A_22 = tpu.memref_slice %arg3[%dma_start3A_21] : memref<1000000xf32, #tpu.memory_space<hbm>> -> memref<1000000xf32, #tpu.memory_space<hbm>>
    tpu.enqueue_indirect_dma source(%dma_start3A_22 : memref<1000000xf32, #tpu.memory_space<hbm>>) target(%dma_start3A_17 : memref<128xf32, #tpu.memory_space<vmem>>) offsets(%dma_start3A_20 : memref<128xi32, #tpu.memory_space<vmem>>) semaphore(%arg13 : memref<!tpu.dma_semaphore, #tpu.memory_space<semaphore_mem>>)
    %dma_start3A_23 = arith.constant 0 : i32
    %dma_start3A_24 = arith.constant 0 : i32
    %dma_start3A_25 = arith.constant 0 : i32
    %dma_start3A_26 = tpu.memref_slice %arg11[%dma_start3A_24, %dma_start3A_25] : memref<16x128xf32, #tpu.memory_space<vmem>> -> memref<1x128xf32, #tpu.memory_space<vmem>>
    %dma_start3A_27 = tpu.memref_squeeze %dma_start3A_26 : memref<1x128xf32, #tpu.memory_space<vmem>> -> memref<128xf32, #tpu.memory_space<vmem>>
    %dma_start3A_28 = arith.constant 0 : i32
    %dma_start3A_29 = tpu.memref_slice %arg7[%dma_start3A_23, %dma_start3A_28] : memref<16x128xi32, #tpu.memory_space<vmem>> -> memref<1x128xi32, #tpu.memory_space<vmem>>
    %dma_start3A_30 = tpu.memref_squeeze %dma_start3A_29 : memref<1x128xi32, #tpu.memory_space<vmem>> -> memref<128xi32, #tpu.memory_space<vmem>>
    %dma_start3A_31 = arith.constant 0 : i32
    %dma_start3A_32 = tpu.memref_slice %arg4[%dma_start3A_31] : memref<1000000xf32, #tpu.memory_space<hbm>> -> memref<1000000xf32, #tpu.memory_space<hbm>>
    tpu.enqueue_indirect_dma source(%dma_start3A_32 : memref<1000000xf32, #tpu.memory_space<hbm>>) target(%dma_start3A_27 : memref<128xf32, #tpu.memory_space<vmem>>) offsets(%dma_start3A_30 : memref<128xi32, #tpu.memory_space<vmem>>) semaphore(%arg13 : memref<!tpu.dma_semaphore, #tpu.memory_space<semaphore_mem>>)
    %dma_start3A_33 = arith.constant 1 : i32
    %dma_start3A_34 = arith.constant 1 : i32
    %dma_start3A_35 = arith.constant 0 : i32
    %dma_start3A_36 = tpu.memref_slice %arg9[%dma_start3A_34, %dma_start3A_35] : memref<16x128xf32, #tpu.memory_space<vmem>> -> memref<1x128xf32, #tpu.memory_space<vmem>>
    %dma_start3A_37 = tpu.memref_squeeze %dma_start3A_36 : memref<1x128xf32, #tpu.memory_space<vmem>> -> memref<128xf32, #tpu.memory_space<vmem>>
    %dma_start3A_38 = arith.constant 0 : i32
    %dma_start3A_39 = tpu.memref_slice %arg7[%dma_start3A_33, %dma_start3A_38] : memref<16x128xi32, #tpu.memory_space<vmem>> -> memref<1x128xi32, #tpu.memory_space<vmem>>
    %dma_start3A_40 = tpu.memref_squeeze %dma_start3A_39 : memref<1x128xi32, #tpu.memory_space<vmem>> -> memref<128xi32, #tpu.memory_space<vmem>>
    %dma_start3A_41 = arith.constant 0 : i32
    %dma_start3A_42 = tpu.memref_slice %arg3[%dma_start3A_41] : memref<1000000xf32, #tpu.memory_space<hbm>> -> memref<1000000xf32, #tpu.memory_space<hbm>>
    tpu.enqueue_indirect_dma source(%dma_start3A_42 : memref<1000000xf32, #tpu.memory_space<hbm>>) target(%dma_start3A_37 : memref<128xf32, #tpu.memory_space<vmem>>) offsets(%dma_start3A_40 : memref<128xi32, #tpu.memory_space<vmem>>) semaphore(%arg13 : memref<!tpu.dma_semaphore, #tpu.memory_space<semaphore_mem>>)
    %dma_start3A_43 = arith.constant 1 : i32
    %dma_start3A_44 = arith.constant 1 : i32
    %dma_start3A_45 = arith.constant 0 : i32
    %dma_start3A_46 = tpu.memref_slice %arg11[%dma_start3A_44, %dma_start3A_45] : memref<16x128xf32, #tpu.memory_space<vmem>> -> memref<1x128xf32, #tpu.memory_space<vmem>>
    %dma_start3A_47 = tpu.memref_squeeze %dma_start3A_46 : memref<1x128xf32, #tpu.memory_space<vmem>> -> memref<128xf32, #tpu.memory_space<vmem>>
    %dma_start3A_48 = arith.constant 0 : i32
    %dma_start3A_49 = tpu.memref_slice %arg7[%dma_start3A_43, %dma_start3A_48] : memref<16x128xi32, #tpu.memory_space<vmem>> -> memref<1x128xi32, #tpu.memory_space<vmem>>
    %dma_start3A_50 = tpu.memref_squeeze %dma_start3A_49 : memref<1x128xi32, #tpu.memory_space<vmem>> -> memref<128xi32, #tpu.memory_space<vmem>>
    %dma_start3A_51 = arith.constant 0 : i32
    %dma_start3A_52 = tpu.memref_slice %arg4[%dma_start3A_51] : memref<1000000xf32, #tpu.memory_space<hbm>> -> memref<1000000xf32, #tpu.memory_space<hbm>>
    tpu.enqueue_indirect_dma source(%dma_start3A_52 : memref<1000000xf32, #tpu.memory_space<hbm>>) target(%dma_start3A_47 : memref<128xf32, #tpu.memory_space<vmem>>) offsets(%dma_start3A_50 : memref<128xi32, #tpu.memory_space<vmem>>) semaphore(%arg13 : memref<!tpu.dma_semaphore, #tpu.memory_space<semaphore_mem>>)
    %dma_start3A_53 = arith.constant 2 : i32
    %dma_start3A_54 = arith.constant 2 : i32
    %dma_start3A_55 = arith.constant 0 : i32
    %dma_start3A_56 = tpu.memref_slice %arg9[%dma_start3A_54, %dma_start3A_55] : memref<16x128xf32, #tpu.memory_space<vmem>> -> memref<1x128xf32, #tpu.memory_space<vmem>>
    %dma_start3A_57 = tpu.memref_squeeze %dma_start3A_56 : memref<1x128xf32, #tpu.memory_space<vmem>> -> memref<128xf32, #tpu.memory_space<vmem>>
    %dma_start3A_58 = arith.constant 0 : i32
    %dma_start3A_59 = tpu.memref_slice %arg7[%dma_start3A_53, %dma_start3A_58] : memref<16x128xi32, #tpu.memory_space<vmem>> -> memref<1x128xi32, #tpu.memory_space<vmem>>
    %dma_start3A_60 = tpu.memref_squeeze %dma_start3A_59 : memref<1x128xi32, #tpu.memory_space<vmem>> -> memref<128xi32, #tpu.memory_space<vmem>>
    %dma_start3A_61 = arith.constant 0 : i32
    %dma_start3A_62 = tpu.memref_slice %arg3[%dma_start3A_61] : memref<1000000xf32, #tpu.memory_space<hbm>> -> memref<1000000xf32, #tpu.memory_space<hbm>>
    tpu.enqueue_indirect_dma source(%dma_start3A_62 : memref<1000000xf32, #tpu.memory_space<hbm>>) target(%dma_start3A_57 : memref<128xf32, #tpu.memory_space<vmem>>) offsets(%dma_start3A_60 : memref<128xi32, #tpu.memory_space<vmem>>) semaphore(%arg13 : memref<!tpu.dma_semaphore, #tpu.memory_space<semaphore_mem>>)
    %dma_start3A_63 = arith.constant 2 : i32
    %dma_start3A_64 = arith.constant 2 : i32
    %dma_start3A_65 = arith.constant 0 : i32
    %dma_start3A_66 = tpu.memref_slice %arg11[%dma_start3A_64, %dma_start3A_65] : memref<16x128xf32, #tpu.memory_space<vmem>> -> memref<1x128xf32, #tpu.memory_space<vmem>>
    %dma_start3A_67 = tpu.memref_squeeze %dma_start3A_66 : memref<1x128xf32, #tpu.memory_space<vmem>> -> memref<128xf32, #tpu.memory_space<vmem>>
    %dma_start3A_68 = arith.constant 0 : i32
    %dma_start3A_69 = tpu.memref_slice %arg7[%dma_start3A_63, %dma_start3A_68] : memref<16x128xi32, #tpu.memory_space<vmem>> -> memref<1x128xi32, #tpu.memory_space<vmem>>
    %dma_start3A_70 = tpu.memref_squeeze %dma_start3A_69 : memref<1x128xi32, #tpu.memory_space<vmem>> -> memref<128xi32, #tpu.memory_space<vmem>>
    %dma_start3A_71 = arith.constant 0 : i32
    %dma_start3A_72 = tpu.memref_slice %arg4[%dma_start3A_71] : memref<1000000xf32, #tpu.memory_space<hbm>> -> memref<1000000xf32, #tpu.memory_space<hbm>>
    tpu.enqueue_indirect_dma source(%dma_start3A_72 : memref<1000000xf32, #tpu.memory_space<hbm>>) target(%dma_start3A_67 : memref<128xf32, #tpu.memory_space<vmem>>) offsets(%dma_start3A_70 : memref<128xi32, #tpu.memory_space<vmem>>) semaphore(%arg13 : memref<!tpu.dma_semaphore, #tpu.memory_space<semaphore_mem>>)
    %dma_start3A_73 = arith.constant 3 : i32
    %dma_start3A_74 = arith.constant 3 : i32
    %dma_start3A_75 = arith.constant 0 : i32
    %dma_start3A_76 = tpu.memref_slice %arg9[%dma_start3A_74, %dma_start3A_75] : memref<16x128xf32, #tpu.memory_space<vmem>> -> memref<1x128xf32, #tpu.memory_space<vmem>>
    %dma_start3A_77 = tpu.memref_squeeze %dma_start3A_76 : memref<1x128xf32, #tpu.memory_space<vmem>> -> memref<128xf32, #tpu.memory_space<vmem>>
    %dma_start3A_78 = arith.constant 0 : i32
    %dma_start3A_79 = tpu.memref_slice %arg7[%dma_start3A_73, %dma_start3A_78] : memref<16x128xi32, #tpu.memory_space<vmem>> -> memref<1x128xi32, #tpu.memory_space<vmem>>
    %dma_start3A_80 = tpu.memref_squeeze %dma_start3A_79 : memref<1x128xi32, #tpu.memory_space<vmem>> -> memref<128xi32, #tpu.memory_space<vmem>>
    %dma_start3A_81 = arith.constant 0 : i32
    %dma_start3A_82 = tpu.memref_slice %arg3[%dma_start3A_81] : memref<1000000xf32, #tpu.memory_space<hbm>> -> memref<1000000xf32, #tpu.memory_space<hbm>>
    tpu.enqueue_indirect_dma source(%dma_start3A_82 : memref<1000000xf32, #tpu.memory_space<hbm>>) target(%dma_start3A_77 : memref<128xf32, #tpu.memory_space<vmem>>) offsets(%dma_start3A_80 : memref<128xi32, #tpu.memory_space<vmem>>) semaphore(%arg13 : memref<!tpu.dma_semaphore, #tpu.memory_space<semaphore_mem>>)
    %dma_start3A_83 = arith.constant 3 : i32
    %dma_start3A_84 = arith.constant 3 : i32
    %dma_start3A_85 = arith.constant 0 : i32
    %dma_start3A_86 = tpu.memref_slice %arg11[%dma_start3A_84, %dma_start3A_85] : memref<16x128xf32, #tpu.memory_space<vmem>> -> memref<1x128xf32, #tpu.memory_space<vmem>>
    %dma_start3A_87 = tpu.memref_squeeze %dma_start3A_86 : memref<1x128xf32, #tpu.memory_space<vmem>> -> memref<128xf32, #tpu.memory_space<vmem>>
    %dma_start3A_88 = arith.constant 0 : i32
    %dma_start3A_89 = tpu.memref_slice %arg7[%dma_start3A_83, %dma_start3A_88] : memref<16x128xi32, #tpu.memory_space<vmem>> -> memref<1x128xi32, #tpu.memory_space<vmem>>
    %dma_start3A_90 = tpu.memref_squeeze %dma_start3A_89 : memref<1x128xi32, #tpu.memory_space<vmem>> -> memref<128xi32, #tpu.memory_space<vmem>>
    %dma_start3A_91 = arith.constant 0 : i32
    %dma_start3A_92 = tpu.memref_slice %arg4[%dma_start3A_91] : memref<1000000xf32, #tpu.memory_space<hbm>> -> memref<1000000xf32, #tpu.memory_space<hbm>>
    tpu.enqueue_indirect_dma source(%dma_start3A_92 : memref<1000000xf32, #tpu.memory_space<hbm>>) target(%dma_start3A_87 : memref<128xf32, #tpu.memory_space<vmem>>) offsets(%dma_start3A_90 : memref<128xi32, #tpu.memory_space<vmem>>) semaphore(%arg13 : memref<!tpu.dma_semaphore, #tpu.memory_space<semaphore_mem>>)
    %dma_start3A_93 = arith.constant 4 : i32
    %dma_start3A_94 = arith.constant 4 : i32
    %dma_start3A_95 = arith.constant 0 : i32
    %dma_start3A_96 = tpu.memref_slice %arg9[%dma_start3A_94, %dma_start3A_95] : memref<16x128xf32, #tpu.memory_space<vmem>> -> memref<1x128xf32, #tpu.memory_space<vmem>>
    %dma_start3A_97 = tpu.memref_squeeze %dma_start3A_96 : memref<1x128xf32, #tpu.memory_space<vmem>> -> memref<128xf32, #tpu.memory_space<vmem>>
    %dma_start3A_98 = arith.constant 0 : i32
    %dma_start3A_99 = tpu.memref_slice %arg7[%dma_start3A_93, %dma_start3A_98] : memref<16x128xi32, #tpu.memory_space<vmem>> -> memref<1x128xi32, #tpu.memory_space<vmem>>
    %dma_start3A_100 = tpu.memref_squeeze %dma_start3A_99 : memref<1x128xi32, #tpu.memory_space<vmem>> -> memref<128xi32, #tpu.memory_space<vmem>>
    %dma_start3A_101 = arith.constant 0 : i32
    %dma_start3A_102 = tpu.memref_slice %arg3[%dma_start3A_101] : memref<1000000xf32, #tpu.memory_space<hbm>> -> memref<1000000xf32, #tpu.memory_space<hbm>>
    tpu.enqueue_indirect_dma source(%dma_start3A_102 : memref<1000000xf32, #tpu.memory_space<hbm>>) target(%dma_start3A_97 : memref<128xf32, #tpu.memory_space<vmem>>) offsets(%dma_start3A_100 : memref<128xi32, #tpu.memory_space<vmem>>) semaphore(%arg13 : memref<!tpu.dma_semaphore, #tpu.memory_space<semaphore_mem>>)
    %dma_start3A_103 = arith.constant 4 : i32
    %dma_start3A_104 = arith.constant 4 : i32
    %dma_start3A_105 = arith.constant 0 : i32
    %dma_start3A_106 = tpu.memref_slice %arg11[%dma_start3A_104, %dma_start3A_105] : memref<16x128xf32, #tpu.memory_space<vmem>> -> memref<1x128xf32, #tpu.memory_space<vmem>>
    %dma_start3A_107 = tpu.memref_squeeze %dma_start3A_106 : memref<1x128xf32, #tpu.memory_space<vmem>> -> memref<128xf32, #tpu.memory_space<vmem>>
    %dma_start3A_108 = arith.constant 0 : i32
    %dma_start3A_109 = tpu.memref_slice %arg7[%dma_start3A_103, %dma_start3A_108] : memref<16x128xi32, #tpu.memory_space<vmem>> -> memref<1x128xi32, #tpu.memory_space<vmem>>
    %dma_start3A_110 = tpu.memref_squeeze %dma_start3A_109 : memref<1x128xi32, #tpu.memory_space<vmem>> -> memref<128xi32, #tpu.memory_space<vmem>>
    %dma_start3A_111 = arith.constant 0 : i32
    %dma_start3A_112 = tpu.memref_slice %arg4[%dma_start3A_111] : memref<1000000xf32, #tpu.memory_space<hbm>> -> memref<1000000xf32, #tpu.memory_space<hbm>>
    tpu.enqueue_indirect_dma source(%dma_start3A_112 : memref<1000000xf32, #tpu.memory_space<hbm>>) target(%dma_start3A_107 : memref<128xf32, #tpu.memory_space<vmem>>) offsets(%dma_start3A_110 : memref<128xi32, #tpu.memory_space<vmem>>) semaphore(%arg13 : memref<!tpu.dma_semaphore, #tpu.memory_space<semaphore_mem>>)
    %dma_start3A_113 = arith.constant 5 : i32
    %dma_start3A_114 = arith.constant 5 : i32
    %dma_start3A_115 = arith.constant 0 : i32
    %dma_start3A_116 = tpu.memref_slice %arg9[%dma_start3A_114, %dma_start3A_115] : memref<16x128xf32, #tpu.memory_space<vmem>> -> memref<1x128xf32, #tpu.memory_space<vmem>>
    %dma_start3A_117 = tpu.memref_squeeze %dma_start3A_116 : memref<1x128xf32, #tpu.memory_space<vmem>> -> memref<128xf32, #tpu.memory_space<vmem>>
    %dma_start3A_118 = arith.constant 0 : i32
    %dma_start3A_119 = tpu.memref_slice %arg7[%dma_start3A_113, %dma_start3A_118] : memref<16x128xi32, #tpu.memory_space<vmem>> -> memref<1x128xi32, #tpu.memory_space<vmem>>
    %dma_start3A_120 = tpu.memref_squeeze %dma_start3A_119 : memref<1x128xi32, #tpu.memory_space<vmem>> -> memref<128xi32, #tpu.memory_space<vmem>>
    %dma_start3A_121 = arith.constant 0 : i32
    %dma_start3A_122 = tpu.memref_slice %arg3[%dma_start3A_121] : memref<1000000xf32, #tpu.memory_space<hbm>> -> memref<1000000xf32, #tpu.memory_space<hbm>>
    tpu.enqueue_indirect_dma source(%dma_start3A_122 : memref<1000000xf32, #tpu.memory_space<hbm>>) target(%dma_start3A_117 : memref<128xf32, #tpu.memory_space<vmem>>) offsets(%dma_start3A_120 : memref<128xi32, #tpu.memory_space<vmem>>) semaphore(%arg13 : memref<!tpu.dma_semaphore, #tpu.memory_space<semaphore_mem>>)
    %dma_start3A_123 = arith.constant 5 : i32
    %dma_start3A_124 = arith.constant 5 : i32
    %dma_start3A_125 = arith.constant 0 : i32
    %dma_start3A_126 = tpu.memref_slice %arg11[%dma_start3A_124, %dma_start3A_125] : memref<16x128xf32, #tpu.memory_space<vmem>> -> memref<1x128xf32, #tpu.memory_space<vmem>>
    %dma_start3A_127 = tpu.memref_squeeze %dma_start3A_126 : memref<1x128xf32, #tpu.memory_space<vmem>> -> memref<128xf32, #tpu.memory_space<vmem>>
    %dma_start3A_128 = arith.constant 0 : i32
    %dma_start3A_129 = tpu.memref_slice %arg7[%dma_start3A_123, %dma_start3A_128] : memref<16x128xi32, #tpu.memory_space<vmem>> -> memref<1x128xi32, #tpu.memory_space<vmem>>
    %dma_start3A_130 = tpu.memref_squeeze %dma_start3A_129 : memref<1x128xi32, #tpu.memory_space<vmem>> -> memref<128xi32, #tpu.memory_space<vmem>>
    %dma_start3A_131 = arith.constant 0 : i32
    %dma_start3A_132 = tpu.memref_slice %arg4[%dma_start3A_131] : memref<1000000xf32, #tpu.memory_space<hbm>> -> memref<1000000xf32, #tpu.memory_space<hbm>>
    tpu.enqueue_indirect_dma source(%dma_start3A_132 : memref<1000000xf32, #tpu.memory_space<hbm>>) target(%dma_start3A_127 : memref<128xf32, #tpu.memory_space<vmem>>) offsets(%dma_start3A_130 : memref<128xi32, #tpu.memory_space<vmem>>) semaphore(%arg13 : memref<!tpu.dma_semaphore, #tpu.memory_space<semaphore_mem>>)
    %dma_start3A_133 = arith.constant 6 : i32
    %dma_start3A_134 = arith.constant 6 : i32
    %dma_start3A_135 = arith.constant 0 : i32
    %dma_start3A_136 = tpu.memref_slice %arg9[%dma_start3A_134, %dma_start3A_135] : memref<16x128xf32, #tpu.memory_space<vmem>> -> memref<1x128xf32, #tpu.memory_space<vmem>>
    %dma_start3A_137 = tpu.memref_squeeze %dma_start3A_136 : memref<1x128xf32, #tpu.memory_space<vmem>> -> memref<128xf32, #tpu.memory_space<vmem>>
    %dma_start3A_138 = arith.constant 0 : i32
    %dma_start3A_139 = tpu.memref_slice %arg7[%dma_start3A_133, %dma_start3A_138] : memref<16x128xi32, #tpu.memory_space<vmem>> -> memref<1x128xi32, #tpu.memory_space<vmem>>
    %dma_start3A_140 = tpu.memref_squeeze %dma_start3A_139 : memref<1x128xi32, #tpu.memory_space<vmem>> -> memref<128xi32, #tpu.memory_space<vmem>>
    %dma_start3A_141 = arith.constant 0 : i32
    %dma_start3A_142 = tpu.memref_slice %arg3[%dma_start3A_141] : memref<1000000xf32, #tpu.memory_space<hbm>> -> memref<1000000xf32, #tpu.memory_space<hbm>>
    tpu.enqueue_indirect_dma source(%dma_start3A_142 : memref<1000000xf32, #tpu.memory_space<hbm>>) target(%dma_start3A_137 : memref<128xf32, #tpu.memory_space<vmem>>) offsets(%dma_start3A_140 : memref<128xi32, #tpu.memory_space<vmem>>) semaphore(%arg13 : memref<!tpu.dma_semaphore, #tpu.memory_space<semaphore_mem>>)
    %dma_start3A_143 = arith.constant 6 : i32
    %dma_start3A_144 = arith.constant 6 : i32
    %dma_start3A_145 = arith.constant 0 : i32
    %dma_start3A_146 = tpu.memref_slice %arg11[%dma_start3A_144, %dma_start3A_145] : memref<16x128xf32, #tpu.memory_space<vmem>> -> memref<1x128xf32, #tpu.memory_space<vmem>>
    %dma_start3A_147 = tpu.memref_squeeze %dma_start3A_146 : memref<1x128xf32, #tpu.memory_space<vmem>> -> memref<128xf32, #tpu.memory_space<vmem>>
    %dma_start3A_148 = arith.constant 0 : i32
    %dma_start3A_149 = tpu.memref_slice %arg7[%dma_start3A_143, %dma_start3A_148] : memref<16x128xi32, #tpu.memory_space<vmem>> -> memref<1x128xi32, #tpu.memory_space<vmem>>
    %dma_start3A_150 = tpu.memref_squeeze %dma_start3A_149 : memref<1x128xi32, #tpu.memory_space<vmem>> -> memref<128xi32, #tpu.memory_space<vmem>>
    %dma_start3A_151 = arith.constant 0 : i32
    %dma_start3A_152 = tpu.memref_slice %arg4[%dma_start3A_151] : memref<1000000xf32, #tpu.memory_space<hbm>> -> memref<1000000xf32, #tpu.memory_space<hbm>>
    tpu.enqueue_indirect_dma source(%dma_start3A_152 : memref<1000000xf32, #tpu.memory_space<hbm>>) target(%dma_start3A_147 : memref<128xf32, #tpu.memory_space<vmem>>) offsets(%dma_start3A_150 : memref<128xi32, #tpu.memory_space<vmem>>) semaphore(%arg13 : memref<!tpu.dma_semaphore, #tpu.memory_space<semaphore_mem>>)
    %dma_start3A_153 = arith.constant 7 : i32
    %dma_start3A_154 = arith.constant 7 : i32
    %dma_start3A_155 = arith.constant 0 : i32
    %dma_start3A_156 = tpu.memref_slice %arg9[%dma_start3A_154, %dma_start3A_155] : memref<16x128xf32, #tpu.memory_space<vmem>> -> memref<1x128xf32, #tpu.memory_space<vmem>>
    %dma_start3A_157 = tpu.memref_squeeze %dma_start3A_156 : memref<1x128xf32, #tpu.memory_space<vmem>> -> memref<128xf32, #tpu.memory_space<vmem>>
    %dma_start3A_158 = arith.constant 0 : i32
    %dma_start3A_159 = tpu.memref_slice %arg7[%dma_start3A_153, %dma_start3A_158] : memref<16x128xi32, #tpu.memory_space<vmem>> -> memref<1x128xi32, #tpu.memory_space<vmem>>
    %dma_start3A_160 = tpu.memref_squeeze %dma_start3A_159 : memref<1x128xi32, #tpu.memory_space<vmem>> -> memref<128xi32, #tpu.memory_space<vmem>>
    %dma_start3A_161 = arith.constant 0 : i32
    %dma_start3A_162 = tpu.memref_slice %arg3[%dma_start3A_161] : memref<1000000xf32, #tpu.memory_space<hbm>> -> memref<1000000xf32, #tpu.memory_space<hbm>>
    tpu.enqueue_indirect_dma source(%dma_start3A_162 : memref<1000000xf32, #tpu.memory_space<hbm>>) target(%dma_start3A_157 : memref<128xf32, #tpu.memory_space<vmem>>) offsets(%dma_start3A_160 : memref<128xi32, #tpu.memory_space<vmem>>) semaphore(%arg13 : memref<!tpu.dma_semaphore, #tpu.memory_space<semaphore_mem>>)
    %dma_start3A_163 = arith.constant 7 : i32
    %dma_start3A_164 = arith.constant 7 : i32
    %dma_start3A_165 = arith.constant 0 : i32
    %dma_start3A_166 = tpu.memref_slice %arg11[%dma_start3A_164, %dma_start3A_165] : memref<16x128xf32, #tpu.memory_space<vmem>> -> memref<1x128xf32, #tpu.memory_space<vmem>>
    %dma_start3A_167 = tpu.memref_squeeze %dma_start3A_166 : memref<1x128xf32, #tpu.memory_space<vmem>> -> memref<128xf32, #tpu.memory_space<vmem>>
    %dma_start3A_168 = arith.constant 0 : i32
    %dma_start3A_169 = tpu.memref_slice %arg7[%dma_start3A_163, %dma_start3A_168] : memref<16x128xi32, #tpu.memory_space<vmem>> -> memref<1x128xi32, #tpu.memory_space<vmem>>
    %dma_start3A_170 = tpu.memref_squeeze %dma_start3A_169 : memref<1x128xi32, #tpu.memory_space<vmem>> -> memref<128xi32, #tpu.memory_space<vmem>>
    %dma_start3A_171 = arith.constant 0 : i32
    %dma_start3A_172 = tpu.memref_slice %arg4[%dma_start3A_171] : memref<1000000xf32, #tpu.memory_space<hbm>> -> memref<1000000xf32, #tpu.memory_space<hbm>>
    tpu.enqueue_indirect_dma source(%dma_start3A_172 : memref<1000000xf32, #tpu.memory_space<hbm>>) target(%dma_start3A_167 : memref<128xf32, #tpu.memory_space<vmem>>) offsets(%dma_start3A_170 : memref<128xi32, #tpu.memory_space<vmem>>) semaphore(%arg13 : memref<!tpu.dma_semaphore, #tpu.memory_space<semaphore_mem>>)
    %dma_start3A_173 = arith.constant 8 : i32
    %dma_start3A_174 = arith.constant 8 : i32
    %dma_start3A_175 = arith.constant 0 : i32
    %dma_start3A_176 = tpu.memref_slice %arg9[%dma_start3A_174, %dma_start3A_175] : memref<16x128xf32, #tpu.memory_space<vmem>> -> memref<1x128xf32, #tpu.memory_space<vmem>>
    %dma_start3A_177 = tpu.memref_squeeze %dma_start3A_176 : memref<1x128xf32, #tpu.memory_space<vmem>> -> memref<128xf32, #tpu.memory_space<vmem>>
    %dma_start3A_178 = arith.constant 0 : i32
    %dma_start3A_179 = tpu.memref_slice %arg7[%dma_start3A_173, %dma_start3A_178] : memref<16x128xi32, #tpu.memory_space<vmem>> -> memref<1x128xi32, #tpu.memory_space<vmem>>
    %dma_start3A_180 = tpu.memref_squeeze %dma_start3A_179 : memref<1x128xi32, #tpu.memory_space<vmem>> -> memref<128xi32, #tpu.memory_space<vmem>>
    %dma_start3A_181 = arith.constant 0 : i32
    %dma_start3A_182 = tpu.memref_slice %arg3[%dma_start3A_181] : memref<1000000xf32, #tpu.memory_space<hbm>> -> memref<1000000xf32, #tpu.memory_space<hbm>>
    tpu.enqueue_indirect_dma source(%dma_start3A_182 : memref<1000000xf32, #tpu.memory_space<hbm>>) target(%dma_start3A_177 : memref<128xf32, #tpu.memory_space<vmem>>) offsets(%dma_start3A_180 : memref<128xi32, #tpu.memory_space<vmem>>) semaphore(%arg13 : memref<!tpu.dma_semaphore, #tpu.memory_space<semaphore_mem>>)
    %dma_start3A_183 = arith.constant 8 : i32
    %dma_start3A_184 = arith.constant 8 : i32
    %dma_start3A_185 = arith.constant 0 : i32
    %dma_start3A_186 = tpu.memref_slice %arg11[%dma_start3A_184, %dma_start3A_185] : memref<16x128xf32, #tpu.memory_space<vmem>> -> memref<1x128xf32, #tpu.memory_space<vmem>>
    %dma_start3A_187 = tpu.memref_squeeze %dma_start3A_186 : memref<1x128xf32, #tpu.memory_space<vmem>> -> memref<128xf32, #tpu.memory_space<vmem>>
    %dma_start3A_188 = arith.constant 0 : i32
    %dma_start3A_189 = tpu.memref_slice %arg7[%dma_start3A_183, %dma_start3A_188] : memref<16x128xi32, #tpu.memory_space<vmem>> -> memref<1x128xi32, #tpu.memory_space<vmem>>
    %dma_start3A_190 = tpu.memref_squeeze %dma_start3A_189 : memref<1x128xi32, #tpu.memory_space<vmem>> -> memref<128xi32, #tpu.memory_space<vmem>>
    %dma_start3A_191 = arith.constant 0 : i32
    %dma_start3A_192 = tpu.memref_slice %arg4[%dma_start3A_191] : memref<1000000xf32, #tpu.memory_space<hbm>> -> memref<1000000xf32, #tpu.memory_space<hbm>>
    tpu.enqueue_indirect_dma source(%dma_start3A_192 : memref<1000000xf32, #tpu.memory_space<hbm>>) target(%dma_start3A_187 : memref<128xf32, #tpu.memory_space<vmem>>) offsets(%dma_start3A_190 : memref<128xi32, #tpu.memory_space<vmem>>) semaphore(%arg13 : memref<!tpu.dma_semaphore, #tpu.memory_space<semaphore_mem>>)
    %dma_start3A_193 = arith.constant 9 : i32
    %dma_start3A_194 = arith.constant 9 : i32
    %dma_start3A_195 = arith.constant 0 : i32
    %dma_start3A_196 = tpu.memref_slice %arg9[%dma_start3A_194, %dma_start3A_195] : memref<16x128xf32, #tpu.memory_space<vmem>> -> memref<1x128xf32, #tpu.memory_space<vmem>>
    %dma_start3A_197 = tpu.memref_squeeze %dma_start3A_196 : memref<1x128xf32, #tpu.memory_space<vmem>> -> memref<128xf32, #tpu.memory_space<vmem>>
    %dma_start3A_198 = arith.constant 0 : i32
    %dma_start3A_199 = tpu.memref_slice %arg7[%dma_start3A_193, %dma_start3A_198] : memref<16x128xi32, #tpu.memory_space<vmem>> -> memref<1x128xi32, #tpu.memory_space<vmem>>
    %dma_start3A_200 = tpu.memref_squeeze %dma_start3A_199 : memref<1x128xi32, #tpu.memory_space<vmem>> -> memref<128xi32, #tpu.memory_space<vmem>>
    %dma_start3A_201 = arith.constant 0 : i32
    %dma_start3A_202 = tpu.memref_slice %arg3[%dma_start3A_201] : memref<1000000xf32, #tpu.memory_space<hbm>> -> memref<1000000xf32, #tpu.memory_space<hbm>>
    tpu.enqueue_indirect_dma source(%dma_start3A_202 : memref<1000000xf32, #tpu.memory_space<hbm>>) target(%dma_start3A_197 : memref<128xf32, #tpu.memory_space<vmem>>) offsets(%dma_start3A_200 : memref<128xi32, #tpu.memory_space<vmem>>) semaphore(%arg13 : memref<!tpu.dma_semaphore, #tpu.memory_space<semaphore_mem>>)
    %dma_start3A_203 = arith.constant 9 : i32
    %dma_start3A_204 = arith.constant 9 : i32
    %dma_start3A_205 = arith.constant 0 : i32
    %dma_start3A_206 = tpu.memref_slice %arg11[%dma_start3A_204, %dma_start3A_205] : memref<16x128xf32, #tpu.memory_space<vmem>> -> memref<1x128xf32, #tpu.memory_space<vmem>>
    %dma_start3A_207 = tpu.memref_squeeze %dma_start3A_206 : memref<1x128xf32, #tpu.memory_space<vmem>> -> memref<128xf32, #tpu.memory_space<vmem>>
    %dma_start3A_208 = arith.constant 0 : i32
    %dma_start3A_209 = tpu.memref_slice %arg7[%dma_start3A_203, %dma_start3A_208] : memref<16x128xi32, #tpu.memory_space<vmem>> -> memref<1x128xi32, #tpu.memory_space<vmem>>
    %dma_start3A_210 = tpu.memref_squeeze %dma_start3A_209 : memref<1x128xi32, #tpu.memory_space<vmem>> -> memref<128xi32, #tpu.memory_space<vmem>>
    %dma_start3A_211 = arith.constant 0 : i32
    %dma_start3A_212 = tpu.memref_slice %arg4[%dma_start3A_211] : memref<1000000xf32, #tpu.memory_space<hbm>> -> memref<1000000xf32, #tpu.memory_space<hbm>>
    tpu.enqueue_indirect_dma source(%dma_start3A_212 : memref<1000000xf32, #tpu.memory_space<hbm>>) target(%dma_start3A_207 : memref<128xf32, #tpu.memory_space<vmem>>) offsets(%dma_start3A_210 : memref<128xi32, #tpu.memory_space<vmem>>) semaphore(%arg13 : memref<!tpu.dma_semaphore, #tpu.memory_space<semaphore_mem>>)
    %dma_start3A_213 = arith.constant 10 : i32
    %dma_start3A_214 = arith.constant 10 : i32
    %dma_start3A_215 = arith.constant 0 : i32
    %dma_start3A_216 = tpu.memref_slice %arg9[%dma_start3A_214, %dma_start3A_215] : memref<16x128xf32, #tpu.memory_space<vmem>> -> memref<1x128xf32, #tpu.memory_space<vmem>>
    %dma_start3A_217 = tpu.memref_squeeze %dma_start3A_216 : memref<1x128xf32, #tpu.memory_space<vmem>> -> memref<128xf32, #tpu.memory_space<vmem>>
    %dma_start3A_218 = arith.constant 0 : i32
    %dma_start3A_219 = tpu.memref_slice %arg7[%dma_start3A_213, %dma_start3A_218] : memref<16x128xi32, #tpu.memory_space<vmem>> -> memref<1x128xi32, #tpu.memory_space<vmem>>
    %dma_start3A_220 = tpu.memref_squeeze %dma_start3A_219 : memref<1x128xi32, #tpu.memory_space<vmem>> -> memref<128xi32, #tpu.memory_space<vmem>>
    %dma_start3A_221 = arith.constant 0 : i32
    %dma_start3A_222 = tpu.memref_slice %arg3[%dma_start3A_221] : memref<1000000xf32, #tpu.memory_space<hbm>> -> memref<1000000xf32, #tpu.memory_space<hbm>>
    tpu.enqueue_indirect_dma source(%dma_start3A_222 : memref<1000000xf32, #tpu.memory_space<hbm>>) target(%dma_start3A_217 : memref<128xf32, #tpu.memory_space<vmem>>) offsets(%dma_start3A_220 : memref<128xi32, #tpu.memory_space<vmem>>) semaphore(%arg13 : memref<!tpu.dma_semaphore, #tpu.memory_space<semaphore_mem>>)
    %dma_start3A_223 = arith.constant 10 : i32
    %dma_start3A_224 = arith.constant 10 : i32
    %dma_start3A_225 = arith.constant 0 : i32
    %dma_start3A_226 = tpu.memref_slice %arg11[%dma_start3A_224, %dma_start3A_225] : memref<16x128xf32, #tpu.memory_space<vmem>> -> memref<1x128xf32, #tpu.memory_space<vmem>>
    %dma_start3A_227 = tpu.memref_squeeze %dma_start3A_226 : memref<1x128xf32, #tpu.memory_space<vmem>> -> memref<128xf32, #tpu.memory_space<vmem>>
    %dma_start3A_228 = arith.constant 0 : i32
    %dma_start3A_229 = tpu.memref_slice %arg7[%dma_start3A_223, %dma_start3A_228] : memref<16x128xi32, #tpu.memory_space<vmem>> -> memref<1x128xi32, #tpu.memory_space<vmem>>
    %dma_start3A_230 = tpu.memref_squeeze %dma_start3A_229 : memref<1x128xi32, #tpu.memory_space<vmem>> -> memref<128xi32, #tpu.memory_space<vmem>>
    %dma_start3A_231 = arith.constant 0 : i32
    %dma_start3A_232 = tpu.memref_slice %arg4[%dma_start3A_231] : memref<1000000xf32, #tpu.memory_space<hbm>> -> memref<1000000xf32, #tpu.memory_space<hbm>>
    tpu.enqueue_indirect_dma source(%dma_start3A_232 : memref<1000000xf32, #tpu.memory_space<hbm>>) target(%dma_start3A_227 : memref<128xf32, #tpu.memory_space<vmem>>) offsets(%dma_start3A_230 : memref<128xi32, #tpu.memory_space<vmem>>) semaphore(%arg13 : memref<!tpu.dma_semaphore, #tpu.memory_space<semaphore_mem>>)
    %dma_start3A_233 = arith.constant 11 : i32
    %dma_start3A_234 = arith.constant 11 : i32
    %dma_start3A_235 = arith.constant 0 : i32
    %dma_start3A_236 = tpu.memref_slice %arg9[%dma_start3A_234, %dma_start3A_235] : memref<16x128xf32, #tpu.memory_space<vmem>> -> memref<1x128xf32, #tpu.memory_space<vmem>>
    %dma_start3A_237 = tpu.memref_squeeze %dma_start3A_236 : memref<1x128xf32, #tpu.memory_space<vmem>> -> memref<128xf32, #tpu.memory_space<vmem>>
    %dma_start3A_238 = arith.constant 0 : i32
    %dma_start3A_239 = tpu.memref_slice %arg7[%dma_start3A_233, %dma_start3A_238] : memref<16x128xi32, #tpu.memory_space<vmem>> -> memref<1x128xi32, #tpu.memory_space<vmem>>
    %dma_start3A_240 = tpu.memref_squeeze %dma_start3A_239 : memref<1x128xi32, #tpu.memory_space<vmem>> -> memref<128xi32, #tpu.memory_space<vmem>>
    %dma_start3A_241 = arith.constant 0 : i32
    %dma_start3A_242 = tpu.memref_slice %arg3[%dma_start3A_241] : memref<1000000xf32, #tpu.memory_space<hbm>> -> memref<1000000xf32, #tpu.memory_space<hbm>>
    tpu.enqueue_indirect_dma source(%dma_start3A_242 : memref<1000000xf32, #tpu.memory_space<hbm>>) target(%dma_start3A_237 : memref<128xf32, #tpu.memory_space<vmem>>) offsets(%dma_start3A_240 : memref<128xi32, #tpu.memory_space<vmem>>) semaphore(%arg13 : memref<!tpu.dma_semaphore, #tpu.memory_space<semaphore_mem>>)
    %dma_start3A_243 = arith.constant 11 : i32
    %dma_start3A_244 = arith.constant 11 : i32
    %dma_start3A_245 = arith.constant 0 : i32
    %dma_start3A_246 = tpu.memref_slice %arg11[%dma_start3A_244, %dma_start3A_245] : memref<16x128xf32, #tpu.memory_space<vmem>> -> memref<1x128xf32, #tpu.memory_space<vmem>>
    %dma_start3A_247 = tpu.memref_squeeze %dma_start3A_246 : memref<1x128xf32, #tpu.memory_space<vmem>> -> memref<128xf32, #tpu.memory_space<vmem>>
    %dma_start3A_248 = arith.constant 0 : i32
    %dma_start3A_249 = tpu.memref_slice %arg7[%dma_start3A_243, %dma_start3A_248] : memref<16x128xi32, #tpu.memory_space<vmem>> -> memref<1x128xi32, #tpu.memory_space<vmem>>
    %dma_start3A_250 = tpu.memref_squeeze %dma_start3A_249 : memref<1x128xi32, #tpu.memory_space<vmem>> -> memref<128xi32, #tpu.memory_space<vmem>>
    %dma_start3A_251 = arith.constant 0 : i32
    %dma_start3A_252 = tpu.memref_slice %arg4[%dma_start3A_251] : memref<1000000xf32, #tpu.memory_space<hbm>> -> memref<1000000xf32, #tpu.memory_space<hbm>>
    tpu.enqueue_indirect_dma source(%dma_start3A_252 : memref<1000000xf32, #tpu.memory_space<hbm>>) target(%dma_start3A_247 : memref<128xf32, #tpu.memory_space<vmem>>) offsets(%dma_start3A_250 : memref<128xi32, #tpu.memory_space<vmem>>) semaphore(%arg13 : memref<!tpu.dma_semaphore, #tpu.memory_space<semaphore_mem>>)
    %dma_start3A_253 = arith.constant 12 : i32
    %dma_start3A_254 = arith.constant 12 : i32
    %dma_start3A_255 = arith.constant 0 : i32
    %dma_start3A_256 = tpu.memref_slice %arg9[%dma_start3A_254, %dma_start3A_255] : memref<16x128xf32, #tpu.memory_space<vmem>> -> memref<1x128xf32, #tpu.memory_space<vmem>>
    %dma_start3A_257 = tpu.memref_squeeze %dma_start3A_256 : memref<1x128xf32, #tpu.memory_space<vmem>> -> memref<128xf32, #tpu.memory_space<vmem>>
    %dma_start3A_258 = arith.constant 0 : i32
    %dma_start3A_259 = tpu.memref_slice %arg7[%dma_start3A_253, %dma_start3A_258] : memref<16x128xi32, #tpu.memory_space<vmem>> -> memref<1x128xi32, #tpu.memory_space<vmem>>
    %dma_start3A_260 = tpu.memref_squeeze %dma_start3A_259 : memref<1x128xi32, #tpu.memory_space<vmem>> -> memref<128xi32, #tpu.memory_space<vmem>>
    %dma_start3A_261 = arith.constant 0 : i32
    %dma_start3A_262 = tpu.memref_slice %arg3[%dma_start3A_261] : memref<1000000xf32, #tpu.memory_space<hbm>> -> memref<1000000xf32, #tpu.memory_space<hbm>>
    tpu.enqueue_indirect_dma source(%dma_start3A_262 : memref<1000000xf32, #tpu.memory_space<hbm>>) target(%dma_start3A_257 : memref<128xf32, #tpu.memory_space<vmem>>) offsets(%dma_start3A_260 : memref<128xi32, #tpu.memory_space<vmem>>) semaphore(%arg13 : memref<!tpu.dma_semaphore, #tpu.memory_space<semaphore_mem>>)
    %dma_start3A_263 = arith.constant 12 : i32
    %dma_start3A_264 = arith.constant 12 : i32
    %dma_start3A_265 = arith.constant 0 : i32
    %dma_start3A_266 = tpu.memref_slice %arg11[%dma_start3A_264, %dma_start3A_265] : memref<16x128xf32, #tpu.memory_space<vmem>> -> memref<1x128xf32, #tpu.memory_space<vmem>>
    %dma_start3A_267 = tpu.memref_squeeze %dma_start3A_266 : memref<1x128xf32, #tpu.memory_space<vmem>> -> memref<128xf32, #tpu.memory_space<vmem>>
    %dma_start3A_268 = arith.constant 0 : i32
    %dma_start3A_269 = tpu.memref_slice %arg7[%dma_start3A_263, %dma_start3A_268] : memref<16x128xi32, #tpu.memory_space<vmem>> -> memref<1x128xi32, #tpu.memory_space<vmem>>
    %dma_start3A_270 = tpu.memref_squeeze %dma_start3A_269 : memref<1x128xi32, #tpu.memory_space<vmem>> -> memref<128xi32, #tpu.memory_space<vmem>>
    %dma_start3A_271 = arith.constant 0 : i32
    %dma_start3A_272 = tpu.memref_slice %arg4[%dma_start3A_271] : memref<1000000xf32, #tpu.memory_space<hbm>> -> memref<1000000xf32, #tpu.memory_space<hbm>>
    tpu.enqueue_indirect_dma source(%dma_start3A_272 : memref<1000000xf32, #tpu.memory_space<hbm>>) target(%dma_start3A_267 : memref<128xf32, #tpu.memory_space<vmem>>) offsets(%dma_start3A_270 : memref<128xi32, #tpu.memory_space<vmem>>) semaphore(%arg13 : memref<!tpu.dma_semaphore, #tpu.memory_space<semaphore_mem>>)
    %dma_start3A_273 = arith.constant 13 : i32
    %dma_start3A_274 = arith.constant 13 : i32
    %dma_start3A_275 = arith.constant 0 : i32
    %dma_start3A_276 = tpu.memref_slice %arg9[%dma_start3A_274, %dma_start3A_275] : memref<16x128xf32, #tpu.memory_space<vmem>> -> memref<1x128xf32, #tpu.memory_space<vmem>>
    %dma_start3A_277 = tpu.memref_squeeze %dma_start3A_276 : memref<1x128xf32, #tpu.memory_space<vmem>> -> memref<128xf32, #tpu.memory_space<vmem>>
    %dma_start3A_278 = arith.constant 0 : i32
    %dma_start3A_279 = tpu.memref_slice %arg7[%dma_start3A_273, %dma_start3A_278] : memref<16x128xi32, #tpu.memory_space<vmem>> -> memref<1x128xi32, #tpu.memory_space<vmem>>
    %dma_start3A_280 = tpu.memref_squeeze %dma_start3A_279 : memref<1x128xi32, #tpu.memory_space<vmem>> -> memref<128xi32, #tpu.memory_space<vmem>>
    %dma_start3A_281 = arith.constant 0 : i32
    %dma_start3A_282 = tpu.memref_slice %arg3[%dma_start3A_281] : memref<1000000xf32, #tpu.memory_space<hbm>> -> memref<1000000xf32, #tpu.memory_space<hbm>>
    tpu.enqueue_indirect_dma source(%dma_start3A_282 : memref<1000000xf32, #tpu.memory_space<hbm>>) target(%dma_start3A_277 : memref<128xf32, #tpu.memory_space<vmem>>) offsets(%dma_start3A_280 : memref<128xi32, #tpu.memory_space<vmem>>) semaphore(%arg13 : memref<!tpu.dma_semaphore, #tpu.memory_space<semaphore_mem>>)
    %dma_start3A_283 = arith.constant 13 : i32
    %dma_start3A_284 = arith.constant 13 : i32
    %dma_start3A_285 = arith.constant 0 : i32
    %dma_start3A_286 = tpu.memref_slice %arg11[%dma_start3A_284, %dma_start3A_285] : memref<16x128xf32, #tpu.memory_space<vmem>> -> memref<1x128xf32, #tpu.memory_space<vmem>>
    %dma_start3A_287 = tpu.memref_squeeze %dma_start3A_286 : memref<1x128xf32, #tpu.memory_space<vmem>> -> memref<128xf32, #tpu.memory_space<vmem>>
    %dma_start3A_288 = arith.constant 0 : i32
    %dma_start3A_289 = tpu.memref_slice %arg7[%dma_start3A_283, %dma_start3A_288] : memref<16x128xi32, #tpu.memory_space<vmem>> -> memref<1x128xi32, #tpu.memory_space<vmem>>
    %dma_start3A_290 = tpu.memref_squeeze %dma_start3A_289 : memref<1x128xi32, #tpu.memory_space<vmem>> -> memref<128xi32, #tpu.memory_space<vmem>>
    %dma_start3A_291 = arith.constant 0 : i32
    %dma_start3A_292 = tpu.memref_slice %arg4[%dma_start3A_291] : memref<1000000xf32, #tpu.memory_space<hbm>> -> memref<1000000xf32, #tpu.memory_space<hbm>>
    tpu.enqueue_indirect_dma source(%dma_start3A_292 : memref<1000000xf32, #tpu.memory_space<hbm>>) target(%dma_start3A_287 : memref<128xf32, #tpu.memory_space<vmem>>) offsets(%dma_start3A_290 : memref<128xi32, #tpu.memory_space<vmem>>) semaphore(%arg13 : memref<!tpu.dma_semaphore, #tpu.memory_space<semaphore_mem>>)
    %dma_start3A_293 = arith.constant 14 : i32
    %dma_start3A_294 = arith.constant 14 : i32
    %dma_start3A_295 = arith.constant 0 : i32
    %dma_start3A_296 = tpu.memref_slice %arg9[%dma_start3A_294, %dma_start3A_295] : memref<16x128xf32, #tpu.memory_space<vmem>> -> memref<1x128xf32, #tpu.memory_space<vmem>>
    %dma_start3A_297 = tpu.memref_squeeze %dma_start3A_296 : memref<1x128xf32, #tpu.memory_space<vmem>> -> memref<128xf32, #tpu.memory_space<vmem>>
    %dma_start3A_298 = arith.constant 0 : i32
    %dma_start3A_299 = tpu.memref_slice %arg7[%dma_start3A_293, %dma_start3A_298] : memref<16x128xi32, #tpu.memory_space<vmem>> -> memref<1x128xi32, #tpu.memory_space<vmem>>
    %dma_start3A_300 = tpu.memref_squeeze %dma_start3A_299 : memref<1x128xi32, #tpu.memory_space<vmem>> -> memref<128xi32, #tpu.memory_space<vmem>>
    %dma_start3A_301 = arith.constant 0 : i32
    %dma_start3A_302 = tpu.memref_slice %arg3[%dma_start3A_301] : memref<1000000xf32, #tpu.memory_space<hbm>> -> memref<1000000xf32, #tpu.memory_space<hbm>>
    tpu.enqueue_indirect_dma source(%dma_start3A_302 : memref<1000000xf32, #tpu.memory_space<hbm>>) target(%dma_start3A_297 : memref<128xf32, #tpu.memory_space<vmem>>) offsets(%dma_start3A_300 : memref<128xi32, #tpu.memory_space<vmem>>) semaphore(%arg13 : memref<!tpu.dma_semaphore, #tpu.memory_space<semaphore_mem>>)
    %dma_start3A_303 = arith.constant 14 : i32
    %dma_start3A_304 = arith.constant 14 : i32
    %dma_start3A_305 = arith.constant 0 : i32
    %dma_start3A_306 = tpu.memref_slice %arg11[%dma_start3A_304, %dma_start3A_305] : memref<16x128xf32, #tpu.memory_space<vmem>> -> memref<1x128xf32, #tpu.memory_space<vmem>>
    %dma_start3A_307 = tpu.memref_squeeze %dma_start3A_306 : memref<1x128xf32, #tpu.memory_space<vmem>> -> memref<128xf32, #tpu.memory_space<vmem>>
    %dma_start3A_308 = arith.constant 0 : i32
    %dma_start3A_309 = tpu.memref_slice %arg7[%dma_start3A_303, %dma_start3A_308] : memref<16x128xi32, #tpu.memory_space<vmem>> -> memref<1x128xi32, #tpu.memory_space<vmem>>
    %dma_start3A_310 = tpu.memref_squeeze %dma_start3A_309 : memref<1x128xi32, #tpu.memory_space<vmem>> -> memref<128xi32, #tpu.memory_space<vmem>>
    %dma_start3A_311 = arith.constant 0 : i32
    %dma_start3A_312 = tpu.memref_slice %arg4[%dma_start3A_311] : memref<1000000xf32, #tpu.memory_space<hbm>> -> memref<1000000xf32, #tpu.memory_space<hbm>>
    tpu.enqueue_indirect_dma source(%dma_start3A_312 : memref<1000000xf32, #tpu.memory_space<hbm>>) target(%dma_start3A_307 : memref<128xf32, #tpu.memory_space<vmem>>) offsets(%dma_start3A_310 : memref<128xi32, #tpu.memory_space<vmem>>) semaphore(%arg13 : memref<!tpu.dma_semaphore, #tpu.memory_space<semaphore_mem>>)
    %dma_start3A_313 = arith.constant 15 : i32
    %dma_start3A_314 = arith.constant 15 : i32
    %dma_start3A_315 = arith.constant 0 : i32
    %dma_start3A_316 = tpu.memref_slice %arg9[%dma_start3A_314, %dma_start3A_315] : memref<16x128xf32, #tpu.memory_space<vmem>> -> memref<1x128xf32, #tpu.memory_space<vmem>>
    %dma_start3A_317 = tpu.memref_squeeze %dma_start3A_316 : memref<1x128xf32, #tpu.memory_space<vmem>> -> memref<128xf32, #tpu.memory_space<vmem>>
    %dma_start3A_318 = arith.constant 0 : i32
    %dma_start3A_319 = tpu.memref_slice %arg7[%dma_start3A_313, %dma_start3A_318] : memref<16x128xi32, #tpu.memory_space<vmem>> -> memref<1x128xi32, #tpu.memory_space<vmem>>
    %dma_start3A_320 = tpu.memref_squeeze %dma_start3A_319 : memref<1x128xi32, #tpu.memory_space<vmem>> -> memref<128xi32, #tpu.memory_space<vmem>>
    %dma_start3A_321 = arith.constant 0 : i32
    %dma_start3A_322 = tpu.memref_slice %arg3[%dma_start3A_321] : memref<1000000xf32, #tpu.memory_space<hbm>> -> memref<1000000xf32, #tpu.memory_space<hbm>>
    tpu.enqueue_indirect_dma source(%dma_start3A_322 : memref<1000000xf32, #tpu.memory_space<hbm>>) target(%dma_start3A_317 : memref<128xf32, #tpu.memory_space<vmem>>) offsets(%dma_start3A_320 : memref<128xi32, #tpu.memory_space<vmem>>) semaphore(%arg13 : memref<!tpu.dma_semaphore, #tpu.memory_space<semaphore_mem>>)
    %dma_start3A_323 = arith.constant 15 : i32
    %dma_start3A_324 = arith.constant 15 : i32
    %dma_start3A_325 = arith.constant 0 : i32
    %dma_start3A_326 = tpu.memref_slice %arg11[%dma_start3A_324, %dma_start3A_325] : memref<16x128xf32, #tpu.memory_space<vmem>> -> memref<1x128xf32, #tpu.memory_space<vmem>>
    %dma_start3A_327 = tpu.memref_squeeze %dma_start3A_326 : memref<1x128xf32, #tpu.memory_space<vmem>> -> memref<128xf32, #tpu.memory_space<vmem>>
    %dma_start3A_328 = arith.constant 0 : i32
    %dma_start3A_329 = tpu.memref_slice %arg7[%dma_start3A_323, %dma_start3A_328] : memref<16x128xi32, #tpu.memory_space<vmem>> -> memref<1x128xi32, #tpu.memory_space<vmem>>
    %dma_start3A_330 = tpu.memref_squeeze %dma_start3A_329 : memref<1x128xi32, #tpu.memory_space<vmem>> -> memref<128xi32, #tpu.memory_space<vmem>>
    %dma_start3A_331 = arith.constant 0 : i32
    %dma_start3A_332 = tpu.memref_slice %arg4[%dma_start3A_331] : memref<1000000xf32, #tpu.memory_space<hbm>> -> memref<1000000xf32, #tpu.memory_space<hbm>>
    tpu.enqueue_indirect_dma source(%dma_start3A_332 : memref<1000000xf32, #tpu.memory_space<hbm>>) target(%dma_start3A_327 : memref<128xf32, #tpu.memory_space<vmem>>) offsets(%dma_start3A_330 : memref<128xi32, #tpu.memory_space<vmem>>) semaphore(%arg13 : memref<!tpu.dma_semaphore, #tpu.memory_space<semaphore_mem>>)
    %add3A_333 = arith.constant 16 : i32
    %add3A_334 = arith.addi %mul3A_2, %add3A_333 : i32
    %dma_start3A_335 = arith.constant 0 : i32
    %dma_start3A_336 = tpu.memref_slice %arg2[%add3A_334, %dma_start3A_335] : memref<25600x128xi32, #tpu.memory_space<hbm>> -> memref<16x128xi32, #tpu.memory_space<hbm>>
    %dma_start3A_337 = arith.constant 0 : i32
    %dma_start3A_338 = tpu.memref_slice %arg2[%add3A_334, %dma_start3A_337] : memref<25600x128xi32, #tpu.memory_space<hbm>> -> memref<16x128xi32, #tpu.memory_space<hbm>>
    tpu.enqueue_dma source(%dma_start3A_338 : memref<16x128xi32, #tpu.memory_space<hbm>>) target(%arg8 : memref<16x128xi32, #tpu.memory_space<vmem>>) target_semaphore(%arg18 : memref<!tpu.dma_semaphore, #tpu.memory_space<semaphore_mem>>)
    %dma_wait3A_339 = arith.constant 0 : i32
    %dma_wait3A_340 = arith.constant 0 : i32
    %dma_wait3A_341 = tpu.memref_slice %arg2[%dma_wait3A_339, %dma_wait3A_340] : memref<25600x128xi32, #tpu.memory_space<hbm>> -> memref<16x128xi32, #tpu.memory_space<hbm>>
    %dma_wait3A_342 = arith.constant 0 : i32
    %dma_wait3A_343 = arith.constant 0 : i32
    %dma_wait3A_344 = tpu.memref_slice %arg2[%dma_wait3A_342, %dma_wait3A_343] : memref<25600x128xi32, #tpu.memory_space<hbm>> -> memref<16x128xi32, #tpu.memory_space<hbm>>
    tpu.wait_dma2 semaphore(%arg18 : memref<!tpu.dma_semaphore, #tpu.memory_space<semaphore_mem>>) src(%dma_wait3A_344 : memref<16x128xi32, #tpu.memory_space<hbm>>) dst(%arg8 : memref<16x128xi32, #tpu.memory_space<vmem>>)
    %dma_start3A_345 = arith.constant 0 : i32
    %dma_start3A_346 = arith.constant 0 : i32
    %dma_start3A_347 = arith.constant 0 : i32
    %dma_start3A_348 = tpu.memref_slice %arg10[%dma_start3A_346, %dma_start3A_347] : memref<16x128xf32, #tpu.memory_space<vmem>> -> memref<1x128xf32, #tpu.memory_space<vmem>>
    %dma_start3A_349 = tpu.memref_squeeze %dma_start3A_348 : memref<1x128xf32, #tpu.memory_space<vmem>> -> memref<128xf32, #tpu.memory_space<vmem>>
    %dma_start3A_350 = arith.constant 0 : i32
    %dma_start3A_351 = tpu.memref_slice %arg8[%dma_start3A_345, %dma_start3A_350] : memref<16x128xi32, #tpu.memory_space<vmem>> -> memref<1x128xi32, #tpu.memory_space<vmem>>
    %dma_start3A_352 = tpu.memref_squeeze %dma_start3A_351 : memref<1x128xi32, #tpu.memory_space<vmem>> -> memref<128xi32, #tpu.memory_space<vmem>>
    %dma_start3A_353 = arith.constant 0 : i32
    %dma_start3A_354 = tpu.memref_slice %arg3[%dma_start3A_353] : memref<1000000xf32, #tpu.memory_space<hbm>> -> memref<1000000xf32, #tpu.memory_space<hbm>>
    tpu.enqueue_indirect_dma source(%dma_start3A_354 : memref<1000000xf32, #tpu.memory_space<hbm>>) target(%dma_start3A_349 : memref<128xf32, #tpu.memory_space<vmem>>) offsets(%dma_start3A_352 : memref<128xi32, #tpu.memory_space<vmem>>) semaphore(%arg14 : memref<!tpu.dma_semaphore, #tpu.memory_space<semaphore_mem>>)
    %dma_start3A_355 = arith.constant 0 : i32
    %dma_start3A_356 = arith.constant 0 : i32
    %dma_start3A_357 = arith.constant 0 : i32
    %dma_start3A_358 = tpu.memref_slice %arg12[%dma_start3A_356, %dma_start3A_357] : memref<16x128xf32, #tpu.memory_space<vmem>> -> memref<1x128xf32, #tpu.memory_space<vmem>>
    %dma_start3A_359 = tpu.memref_squeeze %dma_start3A_358 : memref<1x128xf32, #tpu.memory_space<vmem>> -> memref<128xf32, #tpu.memory_space<vmem>>
    %dma_start3A_360 = arith.constant 0 : i32
    %dma_start3A_361 = tpu.memref_slice %arg8[%dma_start3A_355, %dma_start3A_360] : memref<16x128xi32, #tpu.memory_space<vmem>> -> memref<1x128xi32, #tpu.memory_space<vmem>>
    %dma_start3A_362 = tpu.memref_squeeze %dma_start3A_361 : memref<1x128xi32, #tpu.memory_space<vmem>> -> memref<128xi32, #tpu.memory_space<vmem>>
    %dma_start3A_363 = arith.constant 0 : i32
    %dma_start3A_364 = tpu.memref_slice %arg4[%dma_start3A_363] : memref<1000000xf32, #tpu.memory_space<hbm>> -> memref<1000000xf32, #tpu.memory_space<hbm>>
    tpu.enqueue_indirect_dma source(%dma_start3A_364 : memref<1000000xf32, #tpu.memory_space<hbm>>) target(%dma_start3A_359 : memref<128xf32, #tpu.memory_space<vmem>>) offsets(%dma_start3A_362 : memref<128xi32, #tpu.memory_space<vmem>>) semaphore(%arg14 : memref<!tpu.dma_semaphore, #tpu.memory_space<semaphore_mem>>)
    %dma_start3A_365 = arith.constant 1 : i32
    %dma_start3A_366 = arith.constant 1 : i32
    %dma_start3A_367 = arith.constant 0 : i32
    %dma_start3A_368 = tpu.memref_slice %arg10[%dma_start3A_366, %dma_start3A_367] : memref<16x128xf32, #tpu.memory_space<vmem>> -> memref<1x128xf32, #tpu.memory_space<vmem>>
    %dma_start3A_369 = tpu.memref_squeeze %dma_start3A_368 : memref<1x128xf32, #tpu.memory_space<vmem>> -> memref<128xf32, #tpu.memory_space<vmem>>
    %dma_start3A_370 = arith.constant 0 : i32
    %dma_start3A_371 = tpu.memref_slice %arg8[%dma_start3A_365, %dma_start3A_370] : memref<16x128xi32, #tpu.memory_space<vmem>> -> memref<1x128xi32, #tpu.memory_space<vmem>>
    %dma_start3A_372 = tpu.memref_squeeze %dma_start3A_371 : memref<1x128xi32, #tpu.memory_space<vmem>> -> memref<128xi32, #tpu.memory_space<vmem>>
    %dma_start3A_373 = arith.constant 0 : i32
    %dma_start3A_374 = tpu.memref_slice %arg3[%dma_start3A_373] : memref<1000000xf32, #tpu.memory_space<hbm>> -> memref<1000000xf32, #tpu.memory_space<hbm>>
    tpu.enqueue_indirect_dma source(%dma_start3A_374 : memref<1000000xf32, #tpu.memory_space<hbm>>) target(%dma_start3A_369 : memref<128xf32, #tpu.memory_space<vmem>>) offsets(%dma_start3A_372 : memref<128xi32, #tpu.memory_space<vmem>>) semaphore(%arg14 : memref<!tpu.dma_semaphore, #tpu.memory_space<semaphore_mem>>)
    %dma_start3A_375 = arith.constant 1 : i32
    %dma_start3A_376 = arith.constant 1 : i32
    %dma_start3A_377 = arith.constant 0 : i32
    %dma_start3A_378 = tpu.memref_slice %arg12[%dma_start3A_376, %dma_start3A_377] : memref<16x128xf32, #tpu.memory_space<vmem>> -> memref<1x128xf32, #tpu.memory_space<vmem>>
    %dma_start3A_379 = tpu.memref_squeeze %dma_start3A_378 : memref<1x128xf32, #tpu.memory_space<vmem>> -> memref<128xf32, #tpu.memory_space<vmem>>
    %dma_start3A_380 = arith.constant 0 : i32
    %dma_start3A_381 = tpu.memref_slice %arg8[%dma_start3A_375, %dma_start3A_380] : memref<16x128xi32, #tpu.memory_space<vmem>> -> memref<1x128xi32, #tpu.memory_space<vmem>>
    %dma_start3A_382 = tpu.memref_squeeze %dma_start3A_381 : memref<1x128xi32, #tpu.memory_space<vmem>> -> memref<128xi32, #tpu.memory_space<vmem>>
    %dma_start3A_383 = arith.constant 0 : i32
    %dma_start3A_384 = tpu.memref_slice %arg4[%dma_start3A_383] : memref<1000000xf32, #tpu.memory_space<hbm>> -> memref<1000000xf32, #tpu.memory_space<hbm>>
    tpu.enqueue_indirect_dma source(%dma_start3A_384 : memref<1000000xf32, #tpu.memory_space<hbm>>) target(%dma_start3A_379 : memref<128xf32, #tpu.memory_space<vmem>>) offsets(%dma_start3A_382 : memref<128xi32, #tpu.memory_space<vmem>>) semaphore(%arg14 : memref<!tpu.dma_semaphore, #tpu.memory_space<semaphore_mem>>)
    %dma_start3A_385 = arith.constant 2 : i32
    %dma_start3A_386 = arith.constant 2 : i32
    %dma_start3A_387 = arith.constant 0 : i32
    %dma_start3A_388 = tpu.memref_slice %arg10[%dma_start3A_386, %dma_start3A_387] : memref<16x128xf32, #tpu.memory_space<vmem>> -> memref<1x128xf32, #tpu.memory_space<vmem>>
    %dma_start3A_389 = tpu.memref_squeeze %dma_start3A_388 : memref<1x128xf32, #tpu.memory_space<vmem>> -> memref<128xf32, #tpu.memory_space<vmem>>
    %dma_start3A_390 = arith.constant 0 : i32
    %dma_start3A_391 = tpu.memref_slice %arg8[%dma_start3A_385, %dma_start3A_390] : memref<16x128xi32, #tpu.memory_space<vmem>> -> memref<1x128xi32, #tpu.memory_space<vmem>>
    %dma_start3A_392 = tpu.memref_squeeze %dma_start3A_391 : memref<1x128xi32, #tpu.memory_space<vmem>> -> memref<128xi32, #tpu.memory_space<vmem>>
    %dma_start3A_393 = arith.constant 0 : i32
    %dma_start3A_394 = tpu.memref_slice %arg3[%dma_start3A_393] : memref<1000000xf32, #tpu.memory_space<hbm>> -> memref<1000000xf32, #tpu.memory_space<hbm>>
    tpu.enqueue_indirect_dma source(%dma_start3A_394 : memref<1000000xf32, #tpu.memory_space<hbm>>) target(%dma_start3A_389 : memref<128xf32, #tpu.memory_space<vmem>>) offsets(%dma_start3A_392 : memref<128xi32, #tpu.memory_space<vmem>>) semaphore(%arg14 : memref<!tpu.dma_semaphore, #tpu.memory_space<semaphore_mem>>)
    %dma_start3A_395 = arith.constant 2 : i32
    %dma_start3A_396 = arith.constant 2 : i32
    %dma_start3A_397 = arith.constant 0 : i32
    %dma_start3A_398 = tpu.memref_slice %arg12[%dma_start3A_396, %dma_start3A_397] : memref<16x128xf32, #tpu.memory_space<vmem>> -> memref<1x128xf32, #tpu.memory_space<vmem>>
    %dma_start3A_399 = tpu.memref_squeeze %dma_start3A_398 : memref<1x128xf32, #tpu.memory_space<vmem>> -> memref<128xf32, #tpu.memory_space<vmem>>
    %dma_start3A_400 = arith.constant 0 : i32
    %dma_start3A_401 = tpu.memref_slice %arg8[%dma_start3A_395, %dma_start3A_400] : memref<16x128xi32, #tpu.memory_space<vmem>> -> memref<1x128xi32, #tpu.memory_space<vmem>>
    %dma_start3A_402 = tpu.memref_squeeze %dma_start3A_401 : memref<1x128xi32, #tpu.memory_space<vmem>> -> memref<128xi32, #tpu.memory_space<vmem>>
    %dma_start3A_403 = arith.constant 0 : i32
    %dma_start3A_404 = tpu.memref_slice %arg4[%dma_start3A_403] : memref<1000000xf32, #tpu.memory_space<hbm>> -> memref<1000000xf32, #tpu.memory_space<hbm>>
    tpu.enqueue_indirect_dma source(%dma_start3A_404 : memref<1000000xf32, #tpu.memory_space<hbm>>) target(%dma_start3A_399 : memref<128xf32, #tpu.memory_space<vmem>>) offsets(%dma_start3A_402 : memref<128xi32, #tpu.memory_space<vmem>>) semaphore(%arg14 : memref<!tpu.dma_semaphore, #tpu.memory_space<semaphore_mem>>)
    %dma_start3A_405 = arith.constant 3 : i32
    %dma_start3A_406 = arith.constant 3 : i32
    %dma_start3A_407 = arith.constant 0 : i32
    %dma_start3A_408 = tpu.memref_slice %arg10[%dma_start3A_406, %dma_start3A_407] : memref<16x128xf32, #tpu.memory_space<vmem>> -> memref<1x128xf32, #tpu.memory_space<vmem>>
    %dma_start3A_409 = tpu.memref_squeeze %dma_start3A_408 : memref<1x128xf32, #tpu.memory_space<vmem>> -> memref<128xf32, #tpu.memory_space<vmem>>
    %dma_start3A_410 = arith.constant 0 : i32
    %dma_start3A_411 = tpu.memref_slice %arg8[%dma_start3A_405, %dma_start3A_410] : memref<16x128xi32, #tpu.memory_space<vmem>> -> memref<1x128xi32, #tpu.memory_space<vmem>>
    %dma_start3A_412 = tpu.memref_squeeze %dma_start3A_411 : memref<1x128xi32, #tpu.memory_space<vmem>> -> memref<128xi32, #tpu.memory_space<vmem>>
    %dma_start3A_413 = arith.constant 0 : i32
    %dma_start3A_414 = tpu.memref_slice %arg3[%dma_start3A_413] : memref<1000000xf32, #tpu.memory_space<hbm>> -> memref<1000000xf32, #tpu.memory_space<hbm>>
    tpu.enqueue_indirect_dma source(%dma_start3A_414 : memref<1000000xf32, #tpu.memory_space<hbm>>) target(%dma_start3A_409 : memref<128xf32, #tpu.memory_space<vmem>>) offsets(%dma_start3A_412 : memref<128xi32, #tpu.memory_space<vmem>>) semaphore(%arg14 : memref<!tpu.dma_semaphore, #tpu.memory_space<semaphore_mem>>)
    %dma_start3A_415 = arith.constant 3 : i32
    %dma_start3A_416 = arith.constant 3 : i32
    %dma_start3A_417 = arith.constant 0 : i32
    %dma_start3A_418 = tpu.memref_slice %arg12[%dma_start3A_416, %dma_start3A_417] : memref<16x128xf32, #tpu.memory_space<vmem>> -> memref<1x128xf32, #tpu.memory_space<vmem>>
    %dma_start3A_419 = tpu.memref_squeeze %dma_start3A_418 : memref<1x128xf32, #tpu.memory_space<vmem>> -> memref<128xf32, #tpu.memory_space<vmem>>
    %dma_start3A_420 = arith.constant 0 : i32
    %dma_start3A_421 = tpu.memref_slice %arg8[%dma_start3A_415, %dma_start3A_420] : memref<16x128xi32, #tpu.memory_space<vmem>> -> memref<1x128xi32, #tpu.memory_space<vmem>>
    %dma_start3A_422 = tpu.memref_squeeze %dma_start3A_421 : memref<1x128xi32, #tpu.memory_space<vmem>> -> memref<128xi32, #tpu.memory_space<vmem>>
    %dma_start3A_423 = arith.constant 0 : i32
    %dma_start3A_424 = tpu.memref_slice %arg4[%dma_start3A_423] : memref<1000000xf32, #tpu.memory_space<hbm>> -> memref<1000000xf32, #tpu.memory_space<hbm>>
    tpu.enqueue_indirect_dma source(%dma_start3A_424 : memref<1000000xf32, #tpu.memory_space<hbm>>) target(%dma_start3A_419 : memref<128xf32, #tpu.memory_space<vmem>>) offsets(%dma_start3A_422 : memref<128xi32, #tpu.memory_space<vmem>>) semaphore(%arg14 : memref<!tpu.dma_semaphore, #tpu.memory_space<semaphore_mem>>)
    %dma_start3A_425 = arith.constant 4 : i32
    %dma_start3A_426 = arith.constant 4 : i32
    %dma_start3A_427 = arith.constant 0 : i32
    %dma_start3A_428 = tpu.memref_slice %arg10[%dma_start3A_426, %dma_start3A_427] : memref<16x128xf32, #tpu.memory_space<vmem>> -> memref<1x128xf32, #tpu.memory_space<vmem>>
    %dma_start3A_429 = tpu.memref_squeeze %dma_start3A_428 : memref<1x128xf32, #tpu.memory_space<vmem>> -> memref<128xf32, #tpu.memory_space<vmem>>
    %dma_start3A_430 = arith.constant 0 : i32
    %dma_start3A_431 = tpu.memref_slice %arg8[%dma_start3A_425, %dma_start3A_430] : memref<16x128xi32, #tpu.memory_space<vmem>> -> memref<1x128xi32, #tpu.memory_space<vmem>>
    %dma_start3A_432 = tpu.memref_squeeze %dma_start3A_431 : memref<1x128xi32, #tpu.memory_space<vmem>> -> memref<128xi32, #tpu.memory_space<vmem>>
    %dma_start3A_433 = arith.constant 0 : i32
    %dma_start3A_434 = tpu.memref_slice %arg3[%dma_start3A_433] : memref<1000000xf32, #tpu.memory_space<hbm>> -> memref<1000000xf32, #tpu.memory_space<hbm>>
    tpu.enqueue_indirect_dma source(%dma_start3A_434 : memref<1000000xf32, #tpu.memory_space<hbm>>) target(%dma_start3A_429 : memref<128xf32, #tpu.memory_space<vmem>>) offsets(%dma_start3A_432 : memref<128xi32, #tpu.memory_space<vmem>>) semaphore(%arg14 : memref<!tpu.dma_semaphore, #tpu.memory_space<semaphore_mem>>)
    %dma_start3A_435 = arith.constant 4 : i32
    %dma_start3A_436 = arith.constant 4 : i32
    %dma_start3A_437 = arith.constant 0 : i32
    %dma_start3A_438 = tpu.memref_slice %arg12[%dma_start3A_436, %dma_start3A_437] : memref<16x128xf32, #tpu.memory_space<vmem>> -> memref<1x128xf32, #tpu.memory_space<vmem>>
    %dma_start3A_439 = tpu.memref_squeeze %dma_start3A_438 : memref<1x128xf32, #tpu.memory_space<vmem>> -> memref<128xf32, #tpu.memory_space<vmem>>
    %dma_start3A_440 = arith.constant 0 : i32
    %dma_start3A_441 = tpu.memref_slice %arg8[%dma_start3A_435, %dma_start3A_440] : memref<16x128xi32, #tpu.memory_space<vmem>> -> memref<1x128xi32, #tpu.memory_space<vmem>>
    %dma_start3A_442 = tpu.memref_squeeze %dma_start3A_441 : memref<1x128xi32, #tpu.memory_space<vmem>> -> memref<128xi32, #tpu.memory_space<vmem>>
    %dma_start3A_443 = arith.constant 0 : i32
    %dma_start3A_444 = tpu.memref_slice %arg4[%dma_start3A_443] : memref<1000000xf32, #tpu.memory_space<hbm>> -> memref<1000000xf32, #tpu.memory_space<hbm>>
    tpu.enqueue_indirect_dma source(%dma_start3A_444 : memref<1000000xf32, #tpu.memory_space<hbm>>) target(%dma_start3A_439 : memref<128xf32, #tpu.memory_space<vmem>>) offsets(%dma_start3A_442 : memref<128xi32, #tpu.memory_space<vmem>>) semaphore(%arg14 : memref<!tpu.dma_semaphore, #tpu.memory_space<semaphore_mem>>)
    %dma_start3A_445 = arith.constant 5 : i32
    %dma_start3A_446 = arith.constant 5 : i32
    %dma_start3A_447 = arith.constant 0 : i32
    %dma_start3A_448 = tpu.memref_slice %arg10[%dma_start3A_446, %dma_start3A_447] : memref<16x128xf32, #tpu.memory_space<vmem>> -> memref<1x128xf32, #tpu.memory_space<vmem>>
    %dma_start3A_449 = tpu.memref_squeeze %dma_start3A_448 : memref<1x128xf32, #tpu.memory_space<vmem>> -> memref<128xf32, #tpu.memory_space<vmem>>
    %dma_start3A_450 = arith.constant 0 : i32
    %dma_start3A_451 = tpu.memref_slice %arg8[%dma_start3A_445, %dma_start3A_450] : memref<16x128xi32, #tpu.memory_space<vmem>> -> memref<1x128xi32, #tpu.memory_space<vmem>>
    %dma_start3A_452 = tpu.memref_squeeze %dma_start3A_451 : memref<1x128xi32, #tpu.memory_space<vmem>> -> memref<128xi32, #tpu.memory_space<vmem>>
    %dma_start3A_453 = arith.constant 0 : i32
    %dma_start3A_454 = tpu.memref_slice %arg3[%dma_start3A_453] : memref<1000000xf32, #tpu.memory_space<hbm>> -> memref<1000000xf32, #tpu.memory_space<hbm>>
    tpu.enqueue_indirect_dma source(%dma_start3A_454 : memref<1000000xf32, #tpu.memory_space<hbm>>) target(%dma_start3A_449 : memref<128xf32, #tpu.memory_space<vmem>>) offsets(%dma_start3A_452 : memref<128xi32, #tpu.memory_space<vmem>>) semaphore(%arg14 : memref<!tpu.dma_semaphore, #tpu.memory_space<semaphore_mem>>)
    %dma_start3A_455 = arith.constant 5 : i32
    %dma_start3A_456 = arith.constant 5 : i32
    %dma_start3A_457 = arith.constant 0 : i32
    %dma_start3A_458 = tpu.memref_slice %arg12[%dma_start3A_456, %dma_start3A_457] : memref<16x128xf32, #tpu.memory_space<vmem>> -> memref<1x128xf32, #tpu.memory_space<vmem>>
    %dma_start3A_459 = tpu.memref_squeeze %dma_start3A_458 : memref<1x128xf32, #tpu.memory_space<vmem>> -> memref<128xf32, #tpu.memory_space<vmem>>
    %dma_start3A_460 = arith.constant 0 : i32
    %dma_start3A_461 = tpu.memref_slice %arg8[%dma_start3A_455, %dma_start3A_460] : memref<16x128xi32, #tpu.memory_space<vmem>> -> memref<1x128xi32, #tpu.memory_space<vmem>>
    %dma_start3A_462 = tpu.memref_squeeze %dma_start3A_461 : memref<1x128xi32, #tpu.memory_space<vmem>> -> memref<128xi32, #tpu.memory_space<vmem>>
    %dma_start3A_463 = arith.constant 0 : i32
    %dma_start3A_464 = tpu.memref_slice %arg4[%dma_start3A_463] : memref<1000000xf32, #tpu.memory_space<hbm>> -> memref<1000000xf32, #tpu.memory_space<hbm>>
    tpu.enqueue_indirect_dma source(%dma_start3A_464 : memref<1000000xf32, #tpu.memory_space<hbm>>) target(%dma_start3A_459 : memref<128xf32, #tpu.memory_space<vmem>>) offsets(%dma_start3A_462 : memref<128xi32, #tpu.memory_space<vmem>>) semaphore(%arg14 : memref<!tpu.dma_semaphore, #tpu.memory_space<semaphore_mem>>)
    %dma_start3A_465 = arith.constant 6 : i32
    %dma_start3A_466 = arith.constant 6 : i32
    %dma_start3A_467 = arith.constant 0 : i32
    %dma_start3A_468 = tpu.memref_slice %arg10[%dma_start3A_466, %dma_start3A_467] : memref<16x128xf32, #tpu.memory_space<vmem>> -> memref<1x128xf32, #tpu.memory_space<vmem>>
    %dma_start3A_469 = tpu.memref_squeeze %dma_start3A_468 : memref<1x128xf32, #tpu.memory_space<vmem>> -> memref<128xf32, #tpu.memory_space<vmem>>
    %dma_start3A_470 = arith.constant 0 : i32
    %dma_start3A_471 = tpu.memref_slice %arg8[%dma_start3A_465, %dma_start3A_470] : memref<16x128xi32, #tpu.memory_space<vmem>> -> memref<1x128xi32, #tpu.memory_space<vmem>>
    %dma_start3A_472 = tpu.memref_squeeze %dma_start3A_471 : memref<1x128xi32, #tpu.memory_space<vmem>> -> memref<128xi32, #tpu.memory_space<vmem>>
    %dma_start3A_473 = arith.constant 0 : i32
    %dma_start3A_474 = tpu.memref_slice %arg3[%dma_start3A_473] : memref<1000000xf32, #tpu.memory_space<hbm>> -> memref<1000000xf32, #tpu.memory_space<hbm>>
    tpu.enqueue_indirect_dma source(%dma_start3A_474 : memref<1000000xf32, #tpu.memory_space<hbm>>) target(%dma_start3A_469 : memref<128xf32, #tpu.memory_space<vmem>>) offsets(%dma_start3A_472 : memref<128xi32, #tpu.memory_space<vmem>>) semaphore(%arg14 : memref<!tpu.dma_semaphore, #tpu.memory_space<semaphore_mem>>)
    %dma_start3A_475 = arith.constant 6 : i32
    %dma_start3A_476 = arith.constant 6 : i32
    %dma_start3A_477 = arith.constant 0 : i32
    %dma_start3A_478 = tpu.memref_slice %arg12[%dma_start3A_476, %dma_start3A_477] : memref<16x128xf32, #tpu.memory_space<vmem>> -> memref<1x128xf32, #tpu.memory_space<vmem>>
    %dma_start3A_479 = tpu.memref_squeeze %dma_start3A_478 : memref<1x128xf32, #tpu.memory_space<vmem>> -> memref<128xf32, #tpu.memory_space<vmem>>
    %dma_start3A_480 = arith.constant 0 : i32
    %dma_start3A_481 = tpu.memref_slice %arg8[%dma_start3A_475, %dma_start3A_480] : memref<16x128xi32, #tpu.memory_space<vmem>> -> memref<1x128xi32, #tpu.memory_space<vmem>>
    %dma_start3A_482 = tpu.memref_squeeze %dma_start3A_481 : memref<1x128xi32, #tpu.memory_space<vmem>> -> memref<128xi32, #tpu.memory_space<vmem>>
    %dma_start3A_483 = arith.constant 0 : i32
    %dma_start3A_484 = tpu.memref_slice %arg4[%dma_start3A_483] : memref<1000000xf32, #tpu.memory_space<hbm>> -> memref<1000000xf32, #tpu.memory_space<hbm>>
    tpu.enqueue_indirect_dma source(%dma_start3A_484 : memref<1000000xf32, #tpu.memory_space<hbm>>) target(%dma_start3A_479 : memref<128xf32, #tpu.memory_space<vmem>>) offsets(%dma_start3A_482 : memref<128xi32, #tpu.memory_space<vmem>>) semaphore(%arg14 : memref<!tpu.dma_semaphore, #tpu.memory_space<semaphore_mem>>)
    %dma_start3A_485 = arith.constant 7 : i32
    %dma_start3A_486 = arith.constant 7 : i32
    %dma_start3A_487 = arith.constant 0 : i32
    %dma_start3A_488 = tpu.memref_slice %arg10[%dma_start3A_486, %dma_start3A_487] : memref<16x128xf32, #tpu.memory_space<vmem>> -> memref<1x128xf32, #tpu.memory_space<vmem>>
    %dma_start3A_489 = tpu.memref_squeeze %dma_start3A_488 : memref<1x128xf32, #tpu.memory_space<vmem>> -> memref<128xf32, #tpu.memory_space<vmem>>
    %dma_start3A_490 = arith.constant 0 : i32
    %dma_start3A_491 = tpu.memref_slice %arg8[%dma_start3A_485, %dma_start3A_490] : memref<16x128xi32, #tpu.memory_space<vmem>> -> memref<1x128xi32, #tpu.memory_space<vmem>>
    %dma_start3A_492 = tpu.memref_squeeze %dma_start3A_491 : memref<1x128xi32, #tpu.memory_space<vmem>> -> memref<128xi32, #tpu.memory_space<vmem>>
    %dma_start3A_493 = arith.constant 0 : i32
    %dma_start3A_494 = tpu.memref_slice %arg3[%dma_start3A_493] : memref<1000000xf32, #tpu.memory_space<hbm>> -> memref<1000000xf32, #tpu.memory_space<hbm>>
    tpu.enqueue_indirect_dma source(%dma_start3A_494 : memref<1000000xf32, #tpu.memory_space<hbm>>) target(%dma_start3A_489 : memref<128xf32, #tpu.memory_space<vmem>>) offsets(%dma_start3A_492 : memref<128xi32, #tpu.memory_space<vmem>>) semaphore(%arg14 : memref<!tpu.dma_semaphore, #tpu.memory_space<semaphore_mem>>)
    %dma_start3A_495 = arith.constant 7 : i32
    %dma_start3A_496 = arith.constant 7 : i32
    %dma_start3A_497 = arith.constant 0 : i32
    %dma_start3A_498 = tpu.memref_slice %arg12[%dma_start3A_496, %dma_start3A_497] : memref<16x128xf32, #tpu.memory_space<vmem>> -> memref<1x128xf32, #tpu.memory_space<vmem>>
    %dma_start3A_499 = tpu.memref_squeeze %dma_start3A_498 : memref<1x128xf32, #tpu.memory_space<vmem>> -> memref<128xf32, #tpu.memory_space<vmem>>
    %dma_start3A_500 = arith.constant 0 : i32
    %dma_start3A_501 = tpu.memref_slice %arg8[%dma_start3A_495, %dma_start3A_500] : memref<16x128xi32, #tpu.memory_space<vmem>> -> memref<1x128xi32, #tpu.memory_space<vmem>>
    %dma_start3A_502 = tpu.memref_squeeze %dma_start3A_501 : memref<1x128xi32, #tpu.memory_space<vmem>> -> memref<128xi32, #tpu.memory_space<vmem>>
    %dma_start3A_503 = arith.constant 0 : i32
    %dma_start3A_504 = tpu.memref_slice %arg4[%dma_start3A_503] : memref<1000000xf32, #tpu.memory_space<hbm>> -> memref<1000000xf32, #tpu.memory_space<hbm>>
    tpu.enqueue_indirect_dma source(%dma_start3A_504 : memref<1000000xf32, #tpu.memory_space<hbm>>) target(%dma_start3A_499 : memref<128xf32, #tpu.memory_space<vmem>>) offsets(%dma_start3A_502 : memref<128xi32, #tpu.memory_space<vmem>>) semaphore(%arg14 : memref<!tpu.dma_semaphore, #tpu.memory_space<semaphore_mem>>)
    %dma_start3A_505 = arith.constant 8 : i32
    %dma_start3A_506 = arith.constant 8 : i32
    %dma_start3A_507 = arith.constant 0 : i32
    %dma_start3A_508 = tpu.memref_slice %arg10[%dma_start3A_506, %dma_start3A_507] : memref<16x128xf32, #tpu.memory_space<vmem>> -> memref<1x128xf32, #tpu.memory_space<vmem>>
    %dma_start3A_509 = tpu.memref_squeeze %dma_start3A_508 : memref<1x128xf32, #tpu.memory_space<vmem>> -> memref<128xf32, #tpu.memory_space<vmem>>
    %dma_start3A_510 = arith.constant 0 : i32
    %dma_start3A_511 = tpu.memref_slice %arg8[%dma_start3A_505, %dma_start3A_510] : memref<16x128xi32, #tpu.memory_space<vmem>> -> memref<1x128xi32, #tpu.memory_space<vmem>>
    %dma_start3A_512 = tpu.memref_squeeze %dma_start3A_511 : memref<1x128xi32, #tpu.memory_space<vmem>> -> memref<128xi32, #tpu.memory_space<vmem>>
    %dma_start3A_513 = arith.constant 0 : i32
    %dma_start3A_514 = tpu.memref_slice %arg3[%dma_start3A_513] : memref<1000000xf32, #tpu.memory_space<hbm>> -> memref<1000000xf32, #tpu.memory_space<hbm>>
    tpu.enqueue_indirect_dma source(%dma_start3A_514 : memref<1000000xf32, #tpu.memory_space<hbm>>) target(%dma_start3A_509 : memref<128xf32, #tpu.memory_space<vmem>>) offsets(%dma_start3A_512 : memref<128xi32, #tpu.memory_space<vmem>>) semaphore(%arg14 : memref<!tpu.dma_semaphore, #tpu.memory_space<semaphore_mem>>)
    %dma_start3A_515 = arith.constant 8 : i32
    %dma_start3A_516 = arith.constant 8 : i32
    %dma_start3A_517 = arith.constant 0 : i32
    %dma_start3A_518 = tpu.memref_slice %arg12[%dma_start3A_516, %dma_start3A_517] : memref<16x128xf32, #tpu.memory_space<vmem>> -> memref<1x128xf32, #tpu.memory_space<vmem>>
    %dma_start3A_519 = tpu.memref_squeeze %dma_start3A_518 : memref<1x128xf32, #tpu.memory_space<vmem>> -> memref<128xf32, #tpu.memory_space<vmem>>
    %dma_start3A_520 = arith.constant 0 : i32
    %dma_start3A_521 = tpu.memref_slice %arg8[%dma_start3A_515, %dma_start3A_520] : memref<16x128xi32, #tpu.memory_space<vmem>> -> memref<1x128xi32, #tpu.memory_space<vmem>>
    %dma_start3A_522 = tpu.memref_squeeze %dma_start3A_521 : memref<1x128xi32, #tpu.memory_space<vmem>> -> memref<128xi32, #tpu.memory_space<vmem>>
    %dma_start3A_523 = arith.constant 0 : i32
    %dma_start3A_524 = tpu.memref_slice %arg4[%dma_start3A_523] : memref<1000000xf32, #tpu.memory_space<hbm>> -> memref<1000000xf32, #tpu.memory_space<hbm>>
    tpu.enqueue_indirect_dma source(%dma_start3A_524 : memref<1000000xf32, #tpu.memory_space<hbm>>) target(%dma_start3A_519 : memref<128xf32, #tpu.memory_space<vmem>>) offsets(%dma_start3A_522 : memref<128xi32, #tpu.memory_space<vmem>>) semaphore(%arg14 : memref<!tpu.dma_semaphore, #tpu.memory_space<semaphore_mem>>)
    %dma_start3A_525 = arith.constant 9 : i32
    %dma_start3A_526 = arith.constant 9 : i32
    %dma_start3A_527 = arith.constant 0 : i32
    %dma_start3A_528 = tpu.memref_slice %arg10[%dma_start3A_526, %dma_start3A_527] : memref<16x128xf32, #tpu.memory_space<vmem>> -> memref<1x128xf32, #tpu.memory_space<vmem>>
    %dma_start3A_529 = tpu.memref_squeeze %dma_start3A_528 : memref<1x128xf32, #tpu.memory_space<vmem>> -> memref<128xf32, #tpu.memory_space<vmem>>
    %dma_start3A_530 = arith.constant 0 : i32
    %dma_start3A_531 = tpu.memref_slice %arg8[%dma_start3A_525, %dma_start3A_530] : memref<16x128xi32, #tpu.memory_space<vmem>> -> memref<1x128xi32, #tpu.memory_space<vmem>>
    %dma_start3A_532 = tpu.memref_squeeze %dma_start3A_531 : memref<1x128xi32, #tpu.memory_space<vmem>> -> memref<128xi32, #tpu.memory_space<vmem>>
    %dma_start3A_533 = arith.constant 0 : i32
    %dma_start3A_534 = tpu.memref_slice %arg3[%dma_start3A_533] : memref<1000000xf32, #tpu.memory_space<hbm>> -> memref<1000000xf32, #tpu.memory_space<hbm>>
    tpu.enqueue_indirect_dma source(%dma_start3A_534 : memref<1000000xf32, #tpu.memory_space<hbm>>) target(%dma_start3A_529 : memref<128xf32, #tpu.memory_space<vmem>>) offsets(%dma_start3A_532 : memref<128xi32, #tpu.memory_space<vmem>>) semaphore(%arg14 : memref<!tpu.dma_semaphore, #tpu.memory_space<semaphore_mem>>)
    %dma_start3A_535 = arith.constant 9 : i32
    %dma_start3A_536 = arith.constant 9 : i32
    %dma_start3A_537 = arith.constant 0 : i32
    %dma_start3A_538 = tpu.memref_slice %arg12[%dma_start3A_536, %dma_start3A_537] : memref<16x128xf32, #tpu.memory_space<vmem>> -> memref<1x128xf32, #tpu.memory_space<vmem>>
    %dma_start3A_539 = tpu.memref_squeeze %dma_start3A_538 : memref<1x128xf32, #tpu.memory_space<vmem>> -> memref<128xf32, #tpu.memory_space<vmem>>
    %dma_start3A_540 = arith.constant 0 : i32
    %dma_start3A_541 = tpu.memref_slice %arg8[%dma_start3A_535, %dma_start3A_540] : memref<16x128xi32, #tpu.memory_space<vmem>> -> memref<1x128xi32, #tpu.memory_space<vmem>>
    %dma_start3A_542 = tpu.memref_squeeze %dma_start3A_541 : memref<1x128xi32, #tpu.memory_space<vmem>> -> memref<128xi32, #tpu.memory_space<vmem>>
    %dma_start3A_543 = arith.constant 0 : i32
    %dma_start3A_544 = tpu.memref_slice %arg4[%dma_start3A_543] : memref<1000000xf32, #tpu.memory_space<hbm>> -> memref<1000000xf32, #tpu.memory_space<hbm>>
    tpu.enqueue_indirect_dma source(%dma_start3A_544 : memref<1000000xf32, #tpu.memory_space<hbm>>) target(%dma_start3A_539 : memref<128xf32, #tpu.memory_space<vmem>>) offsets(%dma_start3A_542 : memref<128xi32, #tpu.memory_space<vmem>>) semaphore(%arg14 : memref<!tpu.dma_semaphore, #tpu.memory_space<semaphore_mem>>)
    %dma_start3A_545 = arith.constant 10 : i32
    %dma_start3A_546 = arith.constant 10 : i32
    %dma_start3A_547 = arith.constant 0 : i32
    %dma_start3A_548 = tpu.memref_slice %arg10[%dma_start3A_546, %dma_start3A_547] : memref<16x128xf32, #tpu.memory_space<vmem>> -> memref<1x128xf32, #tpu.memory_space<vmem>>
    %dma_start3A_549 = tpu.memref_squeeze %dma_start3A_548 : memref<1x128xf32, #tpu.memory_space<vmem>> -> memref<128xf32, #tpu.memory_space<vmem>>
    %dma_start3A_550 = arith.constant 0 : i32
    %dma_start3A_551 = tpu.memref_slice %arg8[%dma_start3A_545, %dma_start3A_550] : memref<16x128xi32, #tpu.memory_space<vmem>> -> memref<1x128xi32, #tpu.memory_space<vmem>>
    %dma_start3A_552 = tpu.memref_squeeze %dma_start3A_551 : memref<1x128xi32, #tpu.memory_space<vmem>> -> memref<128xi32, #tpu.memory_space<vmem>>
    %dma_start3A_553 = arith.constant 0 : i32
    %dma_start3A_554 = tpu.memref_slice %arg3[%dma_start3A_553] : memref<1000000xf32, #tpu.memory_space<hbm>> -> memref<1000000xf32, #tpu.memory_space<hbm>>
    tpu.enqueue_indirect_dma source(%dma_start3A_554 : memref<1000000xf32, #tpu.memory_space<hbm>>) target(%dma_start3A_549 : memref<128xf32, #tpu.memory_space<vmem>>) offsets(%dma_start3A_552 : memref<128xi32, #tpu.memory_space<vmem>>) semaphore(%arg14 : memref<!tpu.dma_semaphore, #tpu.memory_space<semaphore_mem>>)
    %dma_start3A_555 = arith.constant 10 : i32
    %dma_start3A_556 = arith.constant 10 : i32
    %dma_start3A_557 = arith.constant 0 : i32
    %dma_start3A_558 = tpu.memref_slice %arg12[%dma_start3A_556, %dma_start3A_557] : memref<16x128xf32, #tpu.memory_space<vmem>> -> memref<1x128xf32, #tpu.memory_space<vmem>>
    %dma_start3A_559 = tpu.memref_squeeze %dma_start3A_558 : memref<1x128xf32, #tpu.memory_space<vmem>> -> memref<128xf32, #tpu.memory_space<vmem>>
    %dma_start3A_560 = arith.constant 0 : i32
    %dma_start3A_561 = tpu.memref_slice %arg8[%dma_start3A_555, %dma_start3A_560] : memref<16x128xi32, #tpu.memory_space<vmem>> -> memref<1x128xi32, #tpu.memory_space<vmem>>
    %dma_start3A_562 = tpu.memref_squeeze %dma_start3A_561 : memref<1x128xi32, #tpu.memory_space<vmem>> -> memref<128xi32, #tpu.memory_space<vmem>>
    %dma_start3A_563 = arith.constant 0 : i32
    %dma_start3A_564 = tpu.memref_slice %arg4[%dma_start3A_563] : memref<1000000xf32, #tpu.memory_space<hbm>> -> memref<1000000xf32, #tpu.memory_space<hbm>>
    tpu.enqueue_indirect_dma source(%dma_start3A_564 : memref<1000000xf32, #tpu.memory_space<hbm>>) target(%dma_start3A_559 : memref<128xf32, #tpu.memory_space<vmem>>) offsets(%dma_start3A_562 : memref<128xi32, #tpu.memory_space<vmem>>) semaphore(%arg14 : memref<!tpu.dma_semaphore, #tpu.memory_space<semaphore_mem>>)
    %dma_start3A_565 = arith.constant 11 : i32
    %dma_start3A_566 = arith.constant 11 : i32
    %dma_start3A_567 = arith.constant 0 : i32
    %dma_start3A_568 = tpu.memref_slice %arg10[%dma_start3A_566, %dma_start3A_567] : memref<16x128xf32, #tpu.memory_space<vmem>> -> memref<1x128xf32, #tpu.memory_space<vmem>>
    %dma_start3A_569 = tpu.memref_squeeze %dma_start3A_568 : memref<1x128xf32, #tpu.memory_space<vmem>> -> memref<128xf32, #tpu.memory_space<vmem>>
    %dma_start3A_570 = arith.constant 0 : i32
    %dma_start3A_571 = tpu.memref_slice %arg8[%dma_start3A_565, %dma_start3A_570] : memref<16x128xi32, #tpu.memory_space<vmem>> -> memref<1x128xi32, #tpu.memory_space<vmem>>
    %dma_start3A_572 = tpu.memref_squeeze %dma_start3A_571 : memref<1x128xi32, #tpu.memory_space<vmem>> -> memref<128xi32, #tpu.memory_space<vmem>>
    %dma_start3A_573 = arith.constant 0 : i32
    %dma_start3A_574 = tpu.memref_slice %arg3[%dma_start3A_573] : memref<1000000xf32, #tpu.memory_space<hbm>> -> memref<1000000xf32, #tpu.memory_space<hbm>>
    tpu.enqueue_indirect_dma source(%dma_start3A_574 : memref<1000000xf32, #tpu.memory_space<hbm>>) target(%dma_start3A_569 : memref<128xf32, #tpu.memory_space<vmem>>) offsets(%dma_start3A_572 : memref<128xi32, #tpu.memory_space<vmem>>) semaphore(%arg14 : memref<!tpu.dma_semaphore, #tpu.memory_space<semaphore_mem>>)
    %dma_start3A_575 = arith.constant 11 : i32
    %dma_start3A_576 = arith.constant 11 : i32
    %dma_start3A_577 = arith.constant 0 : i32
    %dma_start3A_578 = tpu.memref_slice %arg12[%dma_start3A_576, %dma_start3A_577] : memref<16x128xf32, #tpu.memory_space<vmem>> -> memref<1x128xf32, #tpu.memory_space<vmem>>
    %dma_start3A_579 = tpu.memref_squeeze %dma_start3A_578 : memref<1x128xf32, #tpu.memory_space<vmem>> -> memref<128xf32, #tpu.memory_space<vmem>>
    %dma_start3A_580 = arith.constant 0 : i32
    %dma_start3A_581 = tpu.memref_slice %arg8[%dma_start3A_575, %dma_start3A_580] : memref<16x128xi32, #tpu.memory_space<vmem>> -> memref<1x128xi32, #tpu.memory_space<vmem>>
    %dma_start3A_582 = tpu.memref_squeeze %dma_start3A_581 : memref<1x128xi32, #tpu.memory_space<vmem>> -> memref<128xi32, #tpu.memory_space<vmem>>
    %dma_start3A_583 = arith.constant 0 : i32
    %dma_start3A_584 = tpu.memref_slice %arg4[%dma_start3A_583] : memref<1000000xf32, #tpu.memory_space<hbm>> -> memref<1000000xf32, #tpu.memory_space<hbm>>
    tpu.enqueue_indirect_dma source(%dma_start3A_584 : memref<1000000xf32, #tpu.memory_space<hbm>>) target(%dma_start3A_579 : memref<128xf32, #tpu.memory_space<vmem>>) offsets(%dma_start3A_582 : memref<128xi32, #tpu.memory_space<vmem>>) semaphore(%arg14 : memref<!tpu.dma_semaphore, #tpu.memory_space<semaphore_mem>>)
    %dma_start3A_585 = arith.constant 12 : i32
    %dma_start3A_586 = arith.constant 12 : i32
    %dma_start3A_587 = arith.constant 0 : i32
    %dma_start3A_588 = tpu.memref_slice %arg10[%dma_start3A_586, %dma_start3A_587] : memref<16x128xf32, #tpu.memory_space<vmem>> -> memref<1x128xf32, #tpu.memory_space<vmem>>
    %dma_start3A_589 = tpu.memref_squeeze %dma_start3A_588 : memref<1x128xf32, #tpu.memory_space<vmem>> -> memref<128xf32, #tpu.memory_space<vmem>>
    %dma_start3A_590 = arith.constant 0 : i32
    %dma_start3A_591 = tpu.memref_slice %arg8[%dma_start3A_585, %dma_start3A_590] : memref<16x128xi32, #tpu.memory_space<vmem>> -> memref<1x128xi32, #tpu.memory_space<vmem>>
    %dma_start3A_592 = tpu.memref_squeeze %dma_start3A_591 : memref<1x128xi32, #tpu.memory_space<vmem>> -> memref<128xi32, #tpu.memory_space<vmem>>
    %dma_start3A_593 = arith.constant 0 : i32
    %dma_start3A_594 = tpu.memref_slice %arg3[%dma_start3A_593] : memref<1000000xf32, #tpu.memory_space<hbm>> -> memref<1000000xf32, #tpu.memory_space<hbm>>
    tpu.enqueue_indirect_dma source(%dma_start3A_594 : memref<1000000xf32, #tpu.memory_space<hbm>>) target(%dma_start3A_589 : memref<128xf32, #tpu.memory_space<vmem>>) offsets(%dma_start3A_592 : memref<128xi32, #tpu.memory_space<vmem>>) semaphore(%arg14 : memref<!tpu.dma_semaphore, #tpu.memory_space<semaphore_mem>>)
    %dma_start3A_595 = arith.constant 12 : i32
    %dma_start3A_596 = arith.constant 12 : i32
    %dma_start3A_597 = arith.constant 0 : i32
    %dma_start3A_598 = tpu.memref_slice %arg12[%dma_start3A_596, %dma_start3A_597] : memref<16x128xf32, #tpu.memory_space<vmem>> -> memref<1x128xf32, #tpu.memory_space<vmem>>
    %dma_start3A_599 = tpu.memref_squeeze %dma_start3A_598 : memref<1x128xf32, #tpu.memory_space<vmem>> -> memref<128xf32, #tpu.memory_space<vmem>>
    %dma_start3A_600 = arith.constant 0 : i32
    %dma_start3A_601 = tpu.memref_slice %arg8[%dma_start3A_595, %dma_start3A_600] : memref<16x128xi32, #tpu.memory_space<vmem>> -> memref<1x128xi32, #tpu.memory_space<vmem>>
    %dma_start3A_602 = tpu.memref_squeeze %dma_start3A_601 : memref<1x128xi32, #tpu.memory_space<vmem>> -> memref<128xi32, #tpu.memory_space<vmem>>
    %dma_start3A_603 = arith.constant 0 : i32
    %dma_start3A_604 = tpu.memref_slice %arg4[%dma_start3A_603] : memref<1000000xf32, #tpu.memory_space<hbm>> -> memref<1000000xf32, #tpu.memory_space<hbm>>
    tpu.enqueue_indirect_dma source(%dma_start3A_604 : memref<1000000xf32, #tpu.memory_space<hbm>>) target(%dma_start3A_599 : memref<128xf32, #tpu.memory_space<vmem>>) offsets(%dma_start3A_602 : memref<128xi32, #tpu.memory_space<vmem>>) semaphore(%arg14 : memref<!tpu.dma_semaphore, #tpu.memory_space<semaphore_mem>>)
    %dma_start3A_605 = arith.constant 13 : i32
    %dma_start3A_606 = arith.constant 13 : i32
    %dma_start3A_607 = arith.constant 0 : i32
    %dma_start3A_608 = tpu.memref_slice %arg10[%dma_start3A_606, %dma_start3A_607] : memref<16x128xf32, #tpu.memory_space<vmem>> -> memref<1x128xf32, #tpu.memory_space<vmem>>
    %dma_start3A_609 = tpu.memref_squeeze %dma_start3A_608 : memref<1x128xf32, #tpu.memory_space<vmem>> -> memref<128xf32, #tpu.memory_space<vmem>>
    %dma_start3A_610 = arith.constant 0 : i32
    %dma_start3A_611 = tpu.memref_slice %arg8[%dma_start3A_605, %dma_start3A_610] : memref<16x128xi32, #tpu.memory_space<vmem>> -> memref<1x128xi32, #tpu.memory_space<vmem>>
    %dma_start3A_612 = tpu.memref_squeeze %dma_start3A_611 : memref<1x128xi32, #tpu.memory_space<vmem>> -> memref<128xi32, #tpu.memory_space<vmem>>
    %dma_start3A_613 = arith.constant 0 : i32
    %dma_start3A_614 = tpu.memref_slice %arg3[%dma_start3A_613] : memref<1000000xf32, #tpu.memory_space<hbm>> -> memref<1000000xf32, #tpu.memory_space<hbm>>
    tpu.enqueue_indirect_dma source(%dma_start3A_614 : memref<1000000xf32, #tpu.memory_space<hbm>>) target(%dma_start3A_609 : memref<128xf32, #tpu.memory_space<vmem>>) offsets(%dma_start3A_612 : memref<128xi32, #tpu.memory_space<vmem>>) semaphore(%arg14 : memref<!tpu.dma_semaphore, #tpu.memory_space<semaphore_mem>>)
    %dma_start3A_615 = arith.constant 13 : i32
    %dma_start3A_616 = arith.constant 13 : i32
    %dma_start3A_617 = arith.constant 0 : i32
    %dma_start3A_618 = tpu.memref_slice %arg12[%dma_start3A_616, %dma_start3A_617] : memref<16x128xf32, #tpu.memory_space<vmem>> -> memref<1x128xf32, #tpu.memory_space<vmem>>
    %dma_start3A_619 = tpu.memref_squeeze %dma_start3A_618 : memref<1x128xf32, #tpu.memory_space<vmem>> -> memref<128xf32, #tpu.memory_space<vmem>>
    %dma_start3A_620 = arith.constant 0 : i32
    %dma_start3A_621 = tpu.memref_slice %arg8[%dma_start3A_615, %dma_start3A_620] : memref<16x128xi32, #tpu.memory_space<vmem>> -> memref<1x128xi32, #tpu.memory_space<vmem>>
    %dma_start3A_622 = tpu.memref_squeeze %dma_start3A_621 : memref<1x128xi32, #tpu.memory_space<vmem>> -> memref<128xi32, #tpu.memory_space<vmem>>
    %dma_start3A_623 = arith.constant 0 : i32
    %dma_start3A_624 = tpu.memref_slice %arg4[%dma_start3A_623] : memref<1000000xf32, #tpu.memory_space<hbm>> -> memref<1000000xf32, #tpu.memory_space<hbm>>
    tpu.enqueue_indirect_dma source(%dma_start3A_624 : memref<1000000xf32, #tpu.memory_space<hbm>>) target(%dma_start3A_619 : memref<128xf32, #tpu.memory_space<vmem>>) offsets(%dma_start3A_622 : memref<128xi32, #tpu.memory_space<vmem>>) semaphore(%arg14 : memref<!tpu.dma_semaphore, #tpu.memory_space<semaphore_mem>>)
    %dma_start3A_625 = arith.constant 14 : i32
    %dma_start3A_626 = arith.constant 14 : i32
    %dma_start3A_627 = arith.constant 0 : i32
    %dma_start3A_628 = tpu.memref_slice %arg10[%dma_start3A_626, %dma_start3A_627] : memref<16x128xf32, #tpu.memory_space<vmem>> -> memref<1x128xf32, #tpu.memory_space<vmem>>
    %dma_start3A_629 = tpu.memref_squeeze %dma_start3A_628 : memref<1x128xf32, #tpu.memory_space<vmem>> -> memref<128xf32, #tpu.memory_space<vmem>>
    %dma_start3A_630 = arith.constant 0 : i32
    %dma_start3A_631 = tpu.memref_slice %arg8[%dma_start3A_625, %dma_start3A_630] : memref<16x128xi32, #tpu.memory_space<vmem>> -> memref<1x128xi32, #tpu.memory_space<vmem>>
    %dma_start3A_632 = tpu.memref_squeeze %dma_start3A_631 : memref<1x128xi32, #tpu.memory_space<vmem>> -> memref<128xi32, #tpu.memory_space<vmem>>
    %dma_start3A_633 = arith.constant 0 : i32
    %dma_start3A_634 = tpu.memref_slice %arg3[%dma_start3A_633] : memref<1000000xf32, #tpu.memory_space<hbm>> -> memref<1000000xf32, #tpu.memory_space<hbm>>
    tpu.enqueue_indirect_dma source(%dma_start3A_634 : memref<1000000xf32, #tpu.memory_space<hbm>>) target(%dma_start3A_629 : memref<128xf32, #tpu.memory_space<vmem>>) offsets(%dma_start3A_632 : memref<128xi32, #tpu.memory_space<vmem>>) semaphore(%arg14 : memref<!tpu.dma_semaphore, #tpu.memory_space<semaphore_mem>>)
    %dma_start3A_635 = arith.constant 14 : i32
    %dma_start3A_636 = arith.constant 14 : i32
    %dma_start3A_637 = arith.constant 0 : i32
    %dma_start3A_638 = tpu.memref_slice %arg12[%dma_start3A_636, %dma_start3A_637] : memref<16x128xf32, #tpu.memory_space<vmem>> -> memref<1x128xf32, #tpu.memory_space<vmem>>
    %dma_start3A_639 = tpu.memref_squeeze %dma_start3A_638 : memref<1x128xf32, #tpu.memory_space<vmem>> -> memref<128xf32, #tpu.memory_space<vmem>>
    %dma_start3A_640 = arith.constant 0 : i32
    %dma_start3A_641 = tpu.memref_slice %arg8[%dma_start3A_635, %dma_start3A_640] : memref<16x128xi32, #tpu.memory_space<vmem>> -> memref<1x128xi32, #tpu.memory_space<vmem>>
    %dma_start3A_642 = tpu.memref_squeeze %dma_start3A_641 : memref<1x128xi32, #tpu.memory_space<vmem>> -> memref<128xi32, #tpu.memory_space<vmem>>
    %dma_start3A_643 = arith.constant 0 : i32
    %dma_start3A_644 = tpu.memref_slice %arg4[%dma_start3A_643] : memref<1000000xf32, #tpu.memory_space<hbm>> -> memref<1000000xf32, #tpu.memory_space<hbm>>
    tpu.enqueue_indirect_dma source(%dma_start3A_644 : memref<1000000xf32, #tpu.memory_space<hbm>>) target(%dma_start3A_639 : memref<128xf32, #tpu.memory_space<vmem>>) offsets(%dma_start3A_642 : memref<128xi32, #tpu.memory_space<vmem>>) semaphore(%arg14 : memref<!tpu.dma_semaphore, #tpu.memory_space<semaphore_mem>>)
    %dma_start3A_645 = arith.constant 15 : i32
    %dma_start3A_646 = arith.constant 15 : i32
    %dma_start3A_647 = arith.constant 0 : i32
    %dma_start3A_648 = tpu.memref_slice %arg10[%dma_start3A_646, %dma_start3A_647] : memref<16x128xf32, #tpu.memory_space<vmem>> -> memref<1x128xf32, #tpu.memory_space<vmem>>
    %dma_start3A_649 = tpu.memref_squeeze %dma_start3A_648 : memref<1x128xf32, #tpu.memory_space<vmem>> -> memref<128xf32, #tpu.memory_space<vmem>>
    %dma_start3A_650 = arith.constant 0 : i32
    %dma_start3A_651 = tpu.memref_slice %arg8[%dma_start3A_645, %dma_start3A_650] : memref<16x128xi32, #tpu.memory_space<vmem>> -> memref<1x128xi32, #tpu.memory_space<vmem>>
    %dma_start3A_652 = tpu.memref_squeeze %dma_start3A_651 : memref<1x128xi32, #tpu.memory_space<vmem>> -> memref<128xi32, #tpu.memory_space<vmem>>
    %dma_start3A_653 = arith.constant 0 : i32
    %dma_start3A_654 = tpu.memref_slice %arg3[%dma_start3A_653] : memref<1000000xf32, #tpu.memory_space<hbm>> -> memref<1000000xf32, #tpu.memory_space<hbm>>
    tpu.enqueue_indirect_dma source(%dma_start3A_654 : memref<1000000xf32, #tpu.memory_space<hbm>>) target(%dma_start3A_649 : memref<128xf32, #tpu.memory_space<vmem>>) offsets(%dma_start3A_652 : memref<128xi32, #tpu.memory_space<vmem>>) semaphore(%arg14 : memref<!tpu.dma_semaphore, #tpu.memory_space<semaphore_mem>>)
    %dma_start3A_655 = arith.constant 15 : i32
    %dma_start3A_656 = arith.constant 15 : i32
    %dma_start3A_657 = arith.constant 0 : i32
    %dma_start3A_658 = tpu.memref_slice %arg12[%dma_start3A_656, %dma_start3A_657] : memref<16x128xf32, #tpu.memory_space<vmem>> -> memref<1x128xf32, #tpu.memory_space<vmem>>
    %dma_start3A_659 = tpu.memref_squeeze %dma_start3A_658 : memref<1x128xf32, #tpu.memory_space<vmem>> -> memref<128xf32, #tpu.memory_space<vmem>>
    %dma_start3A_660 = arith.constant 0 : i32
    %dma_start3A_661 = tpu.memref_slice %arg8[%dma_start3A_655, %dma_start3A_660] : memref<16x128xi32, #tpu.memory_space<vmem>> -> memref<1x128xi32, #tpu.memory_space<vmem>>
    %dma_start3A_662 = tpu.memref_squeeze %dma_start3A_661 : memref<1x128xi32, #tpu.memory_space<vmem>> -> memref<128xi32, #tpu.memory_space<vmem>>
    %dma_start3A_663 = arith.constant 0 : i32
    %dma_start3A_664 = tpu.memref_slice %arg4[%dma_start3A_663] : memref<1000000xf32, #tpu.memory_space<hbm>> -> memref<1000000xf32, #tpu.memory_space<hbm>>
    tpu.enqueue_indirect_dma source(%dma_start3A_664 : memref<1000000xf32, #tpu.memory_space<hbm>>) target(%dma_start3A_659 : memref<128xf32, #tpu.memory_space<vmem>>) offsets(%dma_start3A_662 : memref<128xi32, #tpu.memory_space<vmem>>) semaphore(%arg14 : memref<!tpu.dma_semaphore, #tpu.memory_space<semaphore_mem>>)
    %dma_wait3A_665 = arith.constant 0 : i32
    %dma_wait3A_666 = arith.constant 0 : i32
    %dma_wait3A_667 = tpu.memref_slice %arg5[%dma_wait3A_665, %dma_wait3A_666] : memref<25600x128xf32, #tpu.memory_space<hbm>> -> memref<16x128xf32, #tpu.memory_space<hbm>>
    %dma_wait3A_668 = arith.constant 0 : i32
    %dma_wait3A_669 = arith.constant 0 : i32
    %dma_wait3A_670 = tpu.memref_slice %arg5[%dma_wait3A_668, %dma_wait3A_669] : memref<25600x128xf32, #tpu.memory_space<hbm>> -> memref<16x128xf32, #tpu.memory_space<hbm>>
    tpu.wait_dma2 semaphore(%arg13 : memref<!tpu.dma_semaphore, #tpu.memory_space<semaphore_mem>>) src(%dma_wait3A_670 : memref<16x128xf32, #tpu.memory_space<hbm>>) dst(%arg9 : memref<16x128xf32, #tpu.memory_space<vmem>>)
    %dma_wait3A_671 = arith.constant 0 : i32
    %dma_wait3A_672 = arith.constant 0 : i32
    %dma_wait3A_673 = tpu.memref_slice %arg6[%dma_wait3A_671, %dma_wait3A_672] : memref<25600x128xf32, #tpu.memory_space<hbm>> -> memref<16x128xf32, #tpu.memory_space<hbm>>
    %dma_wait3A_674 = arith.constant 0 : i32
    %dma_wait3A_675 = arith.constant 0 : i32
    %dma_wait3A_676 = tpu.memref_slice %arg6[%dma_wait3A_674, %dma_wait3A_675] : memref<25600x128xf32, #tpu.memory_space<hbm>> -> memref<16x128xf32, #tpu.memory_space<hbm>>
    tpu.wait_dma2 semaphore(%arg13 : memref<!tpu.dma_semaphore, #tpu.memory_space<semaphore_mem>>) src(%dma_wait3A_676 : memref<16x128xf32, #tpu.memory_space<hbm>>) dst(%arg11 : memref<16x128xf32, #tpu.memory_space<vmem>>)
    %add3A_677 = arith.constant 0 : i32
    %add3A_678 = arith.addi %mul3A_2, %add3A_677 : i32
    %dma_start3A_679 = arith.constant 0 : i32
    %dma_start3A_680 = tpu.memref_slice %arg5[%add3A_678, %dma_start3A_679] : memref<25600x128xf32, #tpu.memory_space<hbm>> -> memref<16x128xf32, #tpu.memory_space<hbm>>
    %dma_start3A_681 = arith.constant 0 : i32
    %dma_start3A_682 = tpu.memref_slice %arg5[%add3A_678, %dma_start3A_681] : memref<25600x128xf32, #tpu.memory_space<hbm>> -> memref<16x128xf32, #tpu.memory_space<hbm>>
    tpu.enqueue_dma source(%arg9 : memref<16x128xf32, #tpu.memory_space<vmem>>) target(%dma_start3A_682 : memref<16x128xf32, #tpu.memory_space<hbm>>) target_semaphore(%arg15 : memref<!tpu.dma_semaphore, #tpu.memory_space<semaphore_mem>>)
    %dma_start3A_683 = arith.constant 0 : i32
    %dma_start3A_684 = tpu.memref_slice %arg6[%add3A_678, %dma_start3A_683] : memref<25600x128xf32, #tpu.memory_space<hbm>> -> memref<16x128xf32, #tpu.memory_space<hbm>>
    %dma_start3A_685 = arith.constant 0 : i32
    %dma_start3A_686 = tpu.memref_slice %arg6[%add3A_678, %dma_start3A_685] : memref<25600x128xf32, #tpu.memory_space<hbm>> -> memref<16x128xf32, #tpu.memory_space<hbm>>
    tpu.enqueue_dma source(%arg11 : memref<16x128xf32, #tpu.memory_space<vmem>>) target(%dma_start3A_686 : memref<16x128xf32, #tpu.memory_space<hbm>>) target_semaphore(%arg15 : memref<!tpu.dma_semaphore, #tpu.memory_space<semaphore_mem>>)
    %add3A_687 = arith.constant 32 : i32
    %add3A_688 = arith.addi %mul3A_2, %add3A_687 : i32
    %dma_start3A_689 = arith.constant 0 : i32
    %dma_start3A_690 = tpu.memref_slice %arg2[%add3A_688, %dma_start3A_689] : memref<25600x128xi32, #tpu.memory_space<hbm>> -> memref<16x128xi32, #tpu.memory_space<hbm>>
    %dma_start3A_691 = arith.constant 0 : i32
    %dma_start3A_692 = tpu.memref_slice %arg2[%add3A_688, %dma_start3A_691] : memref<25600x128xi32, #tpu.memory_space<hbm>> -> memref<16x128xi32, #tpu.memory_space<hbm>>
    tpu.enqueue_dma source(%dma_start3A_692 : memref<16x128xi32, #tpu.memory_space<hbm>>) target(%arg7 : memref<16x128xi32, #tpu.memory_space<vmem>>) target_semaphore(%arg17 : memref<!tpu.dma_semaphore, #tpu.memory_space<semaphore_mem>>)
    %scan3A = arith.constant 0 : i32
    %scan3A_693 = arith.constant 0 : i32
    %scan3A_694 = arith.constant 24 : i32
    %scan3A_695 = arith.addi %scan3A_693, %scan3A_694 : i32
    %scan3A_696 = arith.constant 1 : i32
    scf.for %scan3A_744 = %scan3A_693 to %scan3A_695 step %scan3A_696  : i32 {
      %mul3A_745 = arith.constant 2 : i32
      %mul3A_746 = arith.muli %mul3A_745, %scan3A_744 : i32
      %add3A_747 = arith.constant 1 : i32
      %add3A_748 = arith.addi %mul3A_746, %add3A_747 : i32
      %dma_wait3A_749 = arith.constant 0 : i32
      %dma_wait3A_750 = arith.constant 0 : i32
      %dma_wait3A_751 = tpu.memref_slice %arg5[%dma_wait3A_749, %dma_wait3A_750] : memref<25600x128xf32, #tpu.memory_space<hbm>> -> memref<16x128xf32, #tpu.memory_space<hbm>>
      %dma_wait3A_752 = arith.constant 0 : i32
      %dma_wait3A_753 = arith.constant 0 : i32
      %dma_wait3A_754 = tpu.memref_slice %arg5[%dma_wait3A_752, %dma_wait3A_753] : memref<25600x128xf32, #tpu.memory_space<hbm>> -> memref<16x128xf32, #tpu.memory_space<hbm>>
      tpu.wait_dma2 semaphore(%arg15 : memref<!tpu.dma_semaphore, #tpu.memory_space<semaphore_mem>>) src(%arg9 : memref<16x128xf32, #tpu.memory_space<vmem>>) dst(%dma_wait3A_754 : memref<16x128xf32, #tpu.memory_space<hbm>>)
      %dma_wait3A_755 = arith.constant 0 : i32
      %dma_wait3A_756 = arith.constant 0 : i32
      %dma_wait3A_757 = tpu.memref_slice %arg6[%dma_wait3A_755, %dma_wait3A_756] : memref<25600x128xf32, #tpu.memory_space<hbm>> -> memref<16x128xf32, #tpu.memory_space<hbm>>
      %dma_wait3A_758 = arith.constant 0 : i32
      %dma_wait3A_759 = arith.constant 0 : i32
      %dma_wait3A_760 = tpu.memref_slice %arg6[%dma_wait3A_758, %dma_wait3A_759] : memref<25600x128xf32, #tpu.memory_space<hbm>> -> memref<16x128xf32, #tpu.memory_space<hbm>>
      tpu.wait_dma2 semaphore(%arg15 : memref<!tpu.dma_semaphore, #tpu.memory_space<semaphore_mem>>) src(%arg11 : memref<16x128xf32, #tpu.memory_space<vmem>>) dst(%dma_wait3A_760 : memref<16x128xf32, #tpu.memory_space<hbm>>)
      %dma_wait3A_761 = arith.constant 0 : i32
      %dma_wait3A_762 = arith.constant 0 : i32
      %dma_wait3A_763 = tpu.memref_slice %arg2[%dma_wait3A_761, %dma_wait3A_762] : memref<25600x128xi32, #tpu.memory_space<hbm>> -> memref<16x128xi32, #tpu.memory_space<hbm>>
      %dma_wait3A_764 = arith.constant 0 : i32
      %dma_wait3A_765 = arith.constant 0 : i32
      %dma_wait3A_766 = tpu.memref_slice %arg2[%dma_wait3A_764, %dma_wait3A_765] : memref<25600x128xi32, #tpu.memory_space<hbm>> -> memref<16x128xi32, #tpu.memory_space<hbm>>
      tpu.wait_dma2 semaphore(%arg17 : memref<!tpu.dma_semaphore, #tpu.memory_space<semaphore_mem>>) src(%dma_wait3A_766 : memref<16x128xi32, #tpu.memory_space<hbm>>) dst(%arg7 : memref<16x128xi32, #tpu.memory_space<vmem>>)
      %dma_start3A_767 = arith.constant 0 : i32
      %dma_start3A_768 = arith.constant 0 : i32
      %dma_start3A_769 = arith.constant 0 : i32
      %dma_start3A_770 = tpu.memref_slice %arg9[%dma_start3A_768, %dma_start3A_769] : memref<16x128xf32, #tpu.memory_space<vmem>> -> memref<1x128xf32, #tpu.memory_space<vmem>>
      %dma_start3A_771 = tpu.memref_squeeze %dma_start3A_770 : memref<1x128xf32, #tpu.memory_space<vmem>> -> memref<128xf32, #tpu.memory_space<vmem>>
      %dma_start3A_772 = arith.constant 0 : i32
      %dma_start3A_773 = tpu.memref_slice %arg7[%dma_start3A_767, %dma_start3A_772] : memref<16x128xi32, #tpu.memory_space<vmem>> -> memref<1x128xi32, #tpu.memory_space<vmem>>
      %dma_start3A_774 = tpu.memref_squeeze %dma_start3A_773 : memref<1x128xi32, #tpu.memory_space<vmem>> -> memref<128xi32, #tpu.memory_space<vmem>>
      %dma_start3A_775 = arith.constant 0 : i32
      %dma_start3A_776 = tpu.memref_slice %arg3[%dma_start3A_775] : memref<1000000xf32, #tpu.memory_space<hbm>> -> memref<1000000xf32, #tpu.memory_space<hbm>>
      tpu.enqueue_indirect_dma source(%dma_start3A_776 : memref<1000000xf32, #tpu.memory_space<hbm>>) target(%dma_start3A_771 : memref<128xf32, #tpu.memory_space<vmem>>) offsets(%dma_start3A_774 : memref<128xi32, #tpu.memory_space<vmem>>) semaphore(%arg13 : memref<!tpu.dma_semaphore, #tpu.memory_space<semaphore_mem>>)
      %dma_start3A_777 = arith.constant 0 : i32
      %dma_start3A_778 = arith.constant 0 : i32
      %dma_start3A_779 = arith.constant 0 : i32
      %dma_start3A_780 = tpu.memref_slice %arg11[%dma_start3A_778, %dma_start3A_779] : memref<16x128xf32, #tpu.memory_space<vmem>> -> memref<1x128xf32, #tpu.memory_space<vmem>>
      %dma_start3A_781 = tpu.memref_squeeze %dma_start3A_780 : memref<1x128xf32, #tpu.memory_space<vmem>> -> memref<128xf32, #tpu.memory_space<vmem>>
      %dma_start3A_782 = arith.constant 0 : i32
      %dma_start3A_783 = tpu.memref_slice %arg7[%dma_start3A_777, %dma_start3A_782] : memref<16x128xi32, #tpu.memory_space<vmem>> -> memref<1x128xi32, #tpu.memory_space<vmem>>
      %dma_start3A_784 = tpu.memref_squeeze %dma_start3A_783 : memref<1x128xi32, #tpu.memory_space<vmem>> -> memref<128xi32, #tpu.memory_space<vmem>>
      %dma_start3A_785 = arith.constant 0 : i32
      %dma_start3A_786 = tpu.memref_slice %arg4[%dma_start3A_785] : memref<1000000xf32, #tpu.memory_space<hbm>> -> memref<1000000xf32, #tpu.memory_space<hbm>>
      tpu.enqueue_indirect_dma source(%dma_start3A_786 : memref<1000000xf32, #tpu.memory_space<hbm>>) target(%dma_start3A_781 : memref<128xf32, #tpu.memory_space<vmem>>) offsets(%dma_start3A_784 : memref<128xi32, #tpu.memory_space<vmem>>) semaphore(%arg13 : memref<!tpu.dma_semaphore, #tpu.memory_space<semaphore_mem>>)
      %dma_start3A_787 = arith.constant 1 : i32
      %dma_start3A_788 = arith.constant 1 : i32
      %dma_start3A_789 = arith.constant 0 : i32
      %dma_start3A_790 = tpu.memref_slice %arg9[%dma_start3A_788, %dma_start3A_789] : memref<16x128xf32, #tpu.memory_space<vmem>> -> memref<1x128xf32, #tpu.memory_space<vmem>>
      %dma_start3A_791 = tpu.memref_squeeze %dma_start3A_790 : memref<1x128xf32, #tpu.memory_space<vmem>> -> memref<128xf32, #tpu.memory_space<vmem>>
      %dma_start3A_792 = arith.constant 0 : i32
      %dma_start3A_793 = tpu.memref_slice %arg7[%dma_start3A_787, %dma_start3A_792] : memref<16x128xi32, #tpu.memory_space<vmem>> -> memref<1x128xi32, #tpu.memory_space<vmem>>
      %dma_start3A_794 = tpu.memref_squeeze %dma_start3A_793 : memref<1x128xi32, #tpu.memory_space<vmem>> -> memref<128xi32, #tpu.memory_space<vmem>>
      %dma_start3A_795 = arith.constant 0 : i32
      %dma_start3A_796 = tpu.memref_slice %arg3[%dma_start3A_795] : memref<1000000xf32, #tpu.memory_space<hbm>> -> memref<1000000xf32, #tpu.memory_space<hbm>>
      tpu.enqueue_indirect_dma source(%dma_start3A_796 : memref<1000000xf32, #tpu.memory_space<hbm>>) target(%dma_start3A_791 : memref<128xf32, #tpu.memory_space<vmem>>) offsets(%dma_start3A_794 : memref<128xi32, #tpu.memory_space<vmem>>) semaphore(%arg13 : memref<!tpu.dma_semaphore, #tpu.memory_space<semaphore_mem>>)
      %dma_start3A_797 = arith.constant 1 : i32
      %dma_start3A_798 = arith.constant 1 : i32
      %dma_start3A_799 = arith.constant 0 : i32
      %dma_start3A_800 = tpu.memref_slice %arg11[%dma_start3A_798, %dma_start3A_799] : memref<16x128xf32, #tpu.memory_space<vmem>> -> memref<1x128xf32, #tpu.memory_space<vmem>>
      %dma_start3A_801 = tpu.memref_squeeze %dma_start3A_800 : memref<1x128xf32, #tpu.memory_space<vmem>> -> memref<128xf32, #tpu.memory_space<vmem>>
      %dma_start3A_802 = arith.constant 0 : i32
      %dma_start3A_803 = tpu.memref_slice %arg7[%dma_start3A_797, %dma_start3A_802] : memref<16x128xi32, #tpu.memory_space<vmem>> -> memref<1x128xi32, #tpu.memory_space<vmem>>
      %dma_start3A_804 = tpu.memref_squeeze %dma_start3A_803 : memref<1x128xi32, #tpu.memory_space<vmem>> -> memref<128xi32, #tpu.memory_space<vmem>>
      %dma_start3A_805 = arith.constant 0 : i32
      %dma_start3A_806 = tpu.memref_slice %arg4[%dma_start3A_805] : memref<1000000xf32, #tpu.memory_space<hbm>> -> memref<1000000xf32, #tpu.memory_space<hbm>>
      tpu.enqueue_indirect_dma source(%dma_start3A_806 : memref<1000000xf32, #tpu.memory_space<hbm>>) target(%dma_start3A_801 : memref<128xf32, #tpu.memory_space<vmem>>) offsets(%dma_start3A_804 : memref<128xi32, #tpu.memory_space<vmem>>) semaphore(%arg13 : memref<!tpu.dma_semaphore, #tpu.memory_space<semaphore_mem>>)
      %dma_start3A_807 = arith.constant 2 : i32
      %dma_start3A_808 = arith.constant 2 : i32
      %dma_start3A_809 = arith.constant 0 : i32
      %dma_start3A_810 = tpu.memref_slice %arg9[%dma_start3A_808, %dma_start3A_809] : memref<16x128xf32, #tpu.memory_space<vmem>> -> memref<1x128xf32, #tpu.memory_space<vmem>>
      %dma_start3A_811 = tpu.memref_squeeze %dma_start3A_810 : memref<1x128xf32, #tpu.memory_space<vmem>> -> memref<128xf32, #tpu.memory_space<vmem>>
      %dma_start3A_812 = arith.constant 0 : i32
      %dma_start3A_813 = tpu.memref_slice %arg7[%dma_start3A_807, %dma_start3A_812] : memref<16x128xi32, #tpu.memory_space<vmem>> -> memref<1x128xi32, #tpu.memory_space<vmem>>
      %dma_start3A_814 = tpu.memref_squeeze %dma_start3A_813 : memref<1x128xi32, #tpu.memory_space<vmem>> -> memref<128xi32, #tpu.memory_space<vmem>>
      %dma_start3A_815 = arith.constant 0 : i32
      %dma_start3A_816 = tpu.memref_slice %arg3[%dma_start3A_815] : memref<1000000xf32, #tpu.memory_space<hbm>> -> memref<1000000xf32, #tpu.memory_space<hbm>>
      tpu.enqueue_indirect_dma source(%dma_start3A_816 : memref<1000000xf32, #tpu.memory_space<hbm>>) target(%dma_start3A_811 : memref<128xf32, #tpu.memory_space<vmem>>) offsets(%dma_start3A_814 : memref<128xi32, #tpu.memory_space<vmem>>) semaphore(%arg13 : memref<!tpu.dma_semaphore, #tpu.memory_space<semaphore_mem>>)
      %dma_start3A_817 = arith.constant 2 : i32
      %dma_start3A_818 = arith.constant 2 : i32
      %dma_start3A_819 = arith.constant 0 : i32
      %dma_start3A_820 = tpu.memref_slice %arg11[%dma_start3A_818, %dma_start3A_819] : memref<16x128xf32, #tpu.memory_space<vmem>> -> memref<1x128xf32, #tpu.memory_space<vmem>>
      %dma_start3A_821 = tpu.memref_squeeze %dma_start3A_820 : memref<1x128xf32, #tpu.memory_space<vmem>> -> memref<128xf32, #tpu.memory_space<vmem>>
      %dma_start3A_822 = arith.constant 0 : i32
      %dma_start3A_823 = tpu.memref_slice %arg7[%dma_start3A_817, %dma_start3A_822] : memref<16x128xi32, #tpu.memory_space<vmem>> -> memref<1x128xi32, #tpu.memory_space<vmem>>
      %dma_start3A_824 = tpu.memref_squeeze %dma_start3A_823 : memref<1x128xi32, #tpu.memory_space<vmem>> -> memref<128xi32, #tpu.memory_space<vmem>>
      %dma_start3A_825 = arith.constant 0 : i32
      %dma_start3A_826 = tpu.memref_slice %arg4[%dma_start3A_825] : memref<1000000xf32, #tpu.memory_space<hbm>> -> memref<1000000xf32, #tpu.memory_space<hbm>>
      tpu.enqueue_indirect_dma source(%dma_start3A_826 : memref<1000000xf32, #tpu.memory_space<hbm>>) target(%dma_start3A_821 : memref<128xf32, #tpu.memory_space<vmem>>) offsets(%dma_start3A_824 : memref<128xi32, #tpu.memory_space<vmem>>) semaphore(%arg13 : memref<!tpu.dma_semaphore, #tpu.memory_space<semaphore_mem>>)
      %dma_start3A_827 = arith.constant 3 : i32
      %dma_start3A_828 = arith.constant 3 : i32
      %dma_start3A_829 = arith.constant 0 : i32
      %dma_start3A_830 = tpu.memref_slice %arg9[%dma_start3A_828, %dma_start3A_829] : memref<16x128xf32, #tpu.memory_space<vmem>> -> memref<1x128xf32, #tpu.memory_space<vmem>>
      %dma_start3A_831 = tpu.memref_squeeze %dma_start3A_830 : memref<1x128xf32, #tpu.memory_space<vmem>> -> memref<128xf32, #tpu.memory_space<vmem>>
      %dma_start3A_832 = arith.constant 0 : i32
      %dma_start3A_833 = tpu.memref_slice %arg7[%dma_start3A_827, %dma_start3A_832] : memref<16x128xi32, #tpu.memory_space<vmem>> -> memref<1x128xi32, #tpu.memory_space<vmem>>
      %dma_start3A_834 = tpu.memref_squeeze %dma_start3A_833 : memref<1x128xi32, #tpu.memory_space<vmem>> -> memref<128xi32, #tpu.memory_space<vmem>>
      %dma_start3A_835 = arith.constant 0 : i32
      %dma_start3A_836 = tpu.memref_slice %arg3[%dma_start3A_835] : memref<1000000xf32, #tpu.memory_space<hbm>> -> memref<1000000xf32, #tpu.memory_space<hbm>>
      tpu.enqueue_indirect_dma source(%dma_start3A_836 : memref<1000000xf32, #tpu.memory_space<hbm>>) target(%dma_start3A_831 : memref<128xf32, #tpu.memory_space<vmem>>) offsets(%dma_start3A_834 : memref<128xi32, #tpu.memory_space<vmem>>) semaphore(%arg13 : memref<!tpu.dma_semaphore, #tpu.memory_space<semaphore_mem>>)
      %dma_start3A_837 = arith.constant 3 : i32
      %dma_start3A_838 = arith.constant 3 : i32
      %dma_start3A_839 = arith.constant 0 : i32
      %dma_start3A_840 = tpu.memref_slice %arg11[%dma_start3A_838, %dma_start3A_839] : memref<16x128xf32, #tpu.memory_space<vmem>> -> memref<1x128xf32, #tpu.memory_space<vmem>>
      %dma_start3A_841 = tpu.memref_squeeze %dma_start3A_840 : memref<1x128xf32, #tpu.memory_space<vmem>> -> memref<128xf32, #tpu.memory_space<vmem>>
      %dma_start3A_842 = arith.constant 0 : i32
      %dma_start3A_843 = tpu.memref_slice %arg7[%dma_start3A_837, %dma_start3A_842] : memref<16x128xi32, #tpu.memory_space<vmem>> -> memref<1x128xi32, #tpu.memory_space<vmem>>
      %dma_start3A_844 = tpu.memref_squeeze %dma_start3A_843 : memref<1x128xi32, #tpu.memory_space<vmem>> -> memref<128xi32, #tpu.memory_space<vmem>>
      %dma_start3A_845 = arith.constant 0 : i32
      %dma_start3A_846 = tpu.memref_slice %arg4[%dma_start3A_845] : memref<1000000xf32, #tpu.memory_space<hbm>> -> memref<1000000xf32, #tpu.memory_space<hbm>>
      tpu.enqueue_indirect_dma source(%dma_start3A_846 : memref<1000000xf32, #tpu.memory_space<hbm>>) target(%dma_start3A_841 : memref<128xf32, #tpu.memory_space<vmem>>) offsets(%dma_start3A_844 : memref<128xi32, #tpu.memory_space<vmem>>) semaphore(%arg13 : memref<!tpu.dma_semaphore, #tpu.memory_space<semaphore_mem>>)
      %dma_start3A_847 = arith.constant 4 : i32
      %dma_start3A_848 = arith.constant 4 : i32
      %dma_start3A_849 = arith.constant 0 : i32
      %dma_start3A_850 = tpu.memref_slice %arg9[%dma_start3A_848, %dma_start3A_849] : memref<16x128xf32, #tpu.memory_space<vmem>> -> memref<1x128xf32, #tpu.memory_space<vmem>>
      %dma_start3A_851 = tpu.memref_squeeze %dma_start3A_850 : memref<1x128xf32, #tpu.memory_space<vmem>> -> memref<128xf32, #tpu.memory_space<vmem>>
      %dma_start3A_852 = arith.constant 0 : i32
      %dma_start3A_853 = tpu.memref_slice %arg7[%dma_start3A_847, %dma_start3A_852] : memref<16x128xi32, #tpu.memory_space<vmem>> -> memref<1x128xi32, #tpu.memory_space<vmem>>
      %dma_start3A_854 = tpu.memref_squeeze %dma_start3A_853 : memref<1x128xi32, #tpu.memory_space<vmem>> -> memref<128xi32, #tpu.memory_space<vmem>>
      %dma_start3A_855 = arith.constant 0 : i32
      %dma_start3A_856 = tpu.memref_slice %arg3[%dma_start3A_855] : memref<1000000xf32, #tpu.memory_space<hbm>> -> memref<1000000xf32, #tpu.memory_space<hbm>>
      tpu.enqueue_indirect_dma source(%dma_start3A_856 : memref<1000000xf32, #tpu.memory_space<hbm>>) target(%dma_start3A_851 : memref<128xf32, #tpu.memory_space<vmem>>) offsets(%dma_start3A_854 : memref<128xi32, #tpu.memory_space<vmem>>) semaphore(%arg13 : memref<!tpu.dma_semaphore, #tpu.memory_space<semaphore_mem>>)
      %dma_start3A_857 = arith.constant 4 : i32
      %dma_start3A_858 = arith.constant 4 : i32
      %dma_start3A_859 = arith.constant 0 : i32
      %dma_start3A_860 = tpu.memref_slice %arg11[%dma_start3A_858, %dma_start3A_859] : memref<16x128xf32, #tpu.memory_space<vmem>> -> memref<1x128xf32, #tpu.memory_space<vmem>>
      %dma_start3A_861 = tpu.memref_squeeze %dma_start3A_860 : memref<1x128xf32, #tpu.memory_space<vmem>> -> memref<128xf32, #tpu.memory_space<vmem>>
      %dma_start3A_862 = arith.constant 0 : i32
      %dma_start3A_863 = tpu.memref_slice %arg7[%dma_start3A_857, %dma_start3A_862] : memref<16x128xi32, #tpu.memory_space<vmem>> -> memref<1x128xi32, #tpu.memory_space<vmem>>
      %dma_start3A_864 = tpu.memref_squeeze %dma_start3A_863 : memref<1x128xi32, #tpu.memory_space<vmem>> -> memref<128xi32, #tpu.memory_space<vmem>>
      %dma_start3A_865 = arith.constant 0 : i32
      %dma_start3A_866 = tpu.memref_slice %arg4[%dma_start3A_865] : memref<1000000xf32, #tpu.memory_space<hbm>> -> memref<1000000xf32, #tpu.memory_space<hbm>>
      tpu.enqueue_indirect_dma source(%dma_start3A_866 : memref<1000000xf32, #tpu.memory_space<hbm>>) target(%dma_start3A_861 : memref<128xf32, #tpu.memory_space<vmem>>) offsets(%dma_start3A_864 : memref<128xi32, #tpu.memory_space<vmem>>) semaphore(%arg13 : memref<!tpu.dma_semaphore, #tpu.memory_space<semaphore_mem>>)
      %dma_start3A_867 = arith.constant 5 : i32
      %dma_start3A_868 = arith.constant 5 : i32
      %dma_start3A_869 = arith.constant 0 : i32
      %dma_start3A_870 = tpu.memref_slice %arg9[%dma_start3A_868, %dma_start3A_869] : memref<16x128xf32, #tpu.memory_space<vmem>> -> memref<1x128xf32, #tpu.memory_space<vmem>>
      %dma_start3A_871 = tpu.memref_squeeze %dma_start3A_870 : memref<1x128xf32, #tpu.memory_space<vmem>> -> memref<128xf32, #tpu.memory_space<vmem>>
      %dma_start3A_872 = arith.constant 0 : i32
      %dma_start3A_873 = tpu.memref_slice %arg7[%dma_start3A_867, %dma_start3A_872] : memref<16x128xi32, #tpu.memory_space<vmem>> -> memref<1x128xi32, #tpu.memory_space<vmem>>
      %dma_start3A_874 = tpu.memref_squeeze %dma_start3A_873 : memref<1x128xi32, #tpu.memory_space<vmem>> -> memref<128xi32, #tpu.memory_space<vmem>>
      %dma_start3A_875 = arith.constant 0 : i32
      %dma_start3A_876 = tpu.memref_slice %arg3[%dma_start3A_875] : memref<1000000xf32, #tpu.memory_space<hbm>> -> memref<1000000xf32, #tpu.memory_space<hbm>>
      tpu.enqueue_indirect_dma source(%dma_start3A_876 : memref<1000000xf32, #tpu.memory_space<hbm>>) target(%dma_start3A_871 : memref<128xf32, #tpu.memory_space<vmem>>) offsets(%dma_start3A_874 : memref<128xi32, #tpu.memory_space<vmem>>) semaphore(%arg13 : memref<!tpu.dma_semaphore, #tpu.memory_space<semaphore_mem>>)
      %dma_start3A_877 = arith.constant 5 : i32
      %dma_start3A_878 = arith.constant 5 : i32
      %dma_start3A_879 = arith.constant 0 : i32
      %dma_start3A_880 = tpu.memref_slice %arg11[%dma_start3A_878, %dma_start3A_879] : memref<16x128xf32, #tpu.memory_space<vmem>> -> memref<1x128xf32, #tpu.memory_space<vmem>>
      %dma_start3A_881 = tpu.memref_squeeze %dma_start3A_880 : memref<1x128xf32, #tpu.memory_space<vmem>> -> memref<128xf32, #tpu.memory_space<vmem>>
      %dma_start3A_882 = arith.constant 0 : i32
      %dma_start3A_883 = tpu.memref_slice %arg7[%dma_start3A_877, %dma_start3A_882] : memref<16x128xi32, #tpu.memory_space<vmem>> -> memref<1x128xi32, #tpu.memory_space<vmem>>
      %dma_start3A_884 = tpu.memref_squeeze %dma_start3A_883 : memref<1x128xi32, #tpu.memory_space<vmem>> -> memref<128xi32, #tpu.memory_space<vmem>>
      %dma_start3A_885 = arith.constant 0 : i32
      %dma_start3A_886 = tpu.memref_slice %arg4[%dma_start3A_885] : memref<1000000xf32, #tpu.memory_space<hbm>> -> memref<1000000xf32, #tpu.memory_space<hbm>>
      tpu.enqueue_indirect_dma source(%dma_start3A_886 : memref<1000000xf32, #tpu.memory_space<hbm>>) target(%dma_start3A_881 : memref<128xf32, #tpu.memory_space<vmem>>) offsets(%dma_start3A_884 : memref<128xi32, #tpu.memory_space<vmem>>) semaphore(%arg13 : memref<!tpu.dma_semaphore, #tpu.memory_space<semaphore_mem>>)
      %dma_start3A_887 = arith.constant 6 : i32
      %dma_start3A_888 = arith.constant 6 : i32
      %dma_start3A_889 = arith.constant 0 : i32
      %dma_start3A_890 = tpu.memref_slice %arg9[%dma_start3A_888, %dma_start3A_889] : memref<16x128xf32, #tpu.memory_space<vmem>> -> memref<1x128xf32, #tpu.memory_space<vmem>>
      %dma_start3A_891 = tpu.memref_squeeze %dma_start3A_890 : memref<1x128xf32, #tpu.memory_space<vmem>> -> memref<128xf32, #tpu.memory_space<vmem>>
      %dma_start3A_892 = arith.constant 0 : i32
      %dma_start3A_893 = tpu.memref_slice %arg7[%dma_start3A_887, %dma_start3A_892] : memref<16x128xi32, #tpu.memory_space<vmem>> -> memref<1x128xi32, #tpu.memory_space<vmem>>
      %dma_start3A_894 = tpu.memref_squeeze %dma_start3A_893 : memref<1x128xi32, #tpu.memory_space<vmem>> -> memref<128xi32, #tpu.memory_space<vmem>>
      %dma_start3A_895 = arith.constant 0 : i32
      %dma_start3A_896 = tpu.memref_slice %arg3[%dma_start3A_895] : memref<1000000xf32, #tpu.memory_space<hbm>> -> memref<1000000xf32, #tpu.memory_space<hbm>>
      tpu.enqueue_indirect_dma source(%dma_start3A_896 : memref<1000000xf32, #tpu.memory_space<hbm>>) target(%dma_start3A_891 : memref<128xf32, #tpu.memory_space<vmem>>) offsets(%dma_start3A_894 : memref<128xi32, #tpu.memory_space<vmem>>) semaphore(%arg13 : memref<!tpu.dma_semaphore, #tpu.memory_space<semaphore_mem>>)
      %dma_start3A_897 = arith.constant 6 : i32
      %dma_start3A_898 = arith.constant 6 : i32
      %dma_start3A_899 = arith.constant 0 : i32
      %dma_start3A_900 = tpu.memref_slice %arg11[%dma_start3A_898, %dma_start3A_899] : memref<16x128xf32, #tpu.memory_space<vmem>> -> memref<1x128xf32, #tpu.memory_space<vmem>>
      %dma_start3A_901 = tpu.memref_squeeze %dma_start3A_900 : memref<1x128xf32, #tpu.memory_space<vmem>> -> memref<128xf32, #tpu.memory_space<vmem>>
      %dma_start3A_902 = arith.constant 0 : i32
      %dma_start3A_903 = tpu.memref_slice %arg7[%dma_start3A_897, %dma_start3A_902] : memref<16x128xi32, #tpu.memory_space<vmem>> -> memref<1x128xi32, #tpu.memory_space<vmem>>
      %dma_start3A_904 = tpu.memref_squeeze %dma_start3A_903 : memref<1x128xi32, #tpu.memory_space<vmem>> -> memref<128xi32, #tpu.memory_space<vmem>>
      %dma_start3A_905 = arith.constant 0 : i32
      %dma_start3A_906 = tpu.memref_slice %arg4[%dma_start3A_905] : memref<1000000xf32, #tpu.memory_space<hbm>> -> memref<1000000xf32, #tpu.memory_space<hbm>>
      tpu.enqueue_indirect_dma source(%dma_start3A_906 : memref<1000000xf32, #tpu.memory_space<hbm>>) target(%dma_start3A_901 : memref<128xf32, #tpu.memory_space<vmem>>) offsets(%dma_start3A_904 : memref<128xi32, #tpu.memory_space<vmem>>) semaphore(%arg13 : memref<!tpu.dma_semaphore, #tpu.memory_space<semaphore_mem>>)
      %dma_start3A_907 = arith.constant 7 : i32
      %dma_start3A_908 = arith.constant 7 : i32
      %dma_start3A_909 = arith.constant 0 : i32
      %dma_start3A_910 = tpu.memref_slice %arg9[%dma_start3A_908, %dma_start3A_909] : memref<16x128xf32, #tpu.memory_space<vmem>> -> memref<1x128xf32, #tpu.memory_space<vmem>>
      %dma_start3A_911 = tpu.memref_squeeze %dma_start3A_910 : memref<1x128xf32, #tpu.memory_space<vmem>> -> memref<128xf32, #tpu.memory_space<vmem>>
      %dma_start3A_912 = arith.constant 0 : i32
      %dma_start3A_913 = tpu.memref_slice %arg7[%dma_start3A_907, %dma_start3A_912] : memref<16x128xi32, #tpu.memory_space<vmem>> -> memref<1x128xi32, #tpu.memory_space<vmem>>
      %dma_start3A_914 = tpu.memref_squeeze %dma_start3A_913 : memref<1x128xi32, #tpu.memory_space<vmem>> -> memref<128xi32, #tpu.memory_space<vmem>>
      %dma_start3A_915 = arith.constant 0 : i32
      %dma_start3A_916 = tpu.memref_slice %arg3[%dma_start3A_915] : memref<1000000xf32, #tpu.memory_space<hbm>> -> memref<1000000xf32, #tpu.memory_space<hbm>>
      tpu.enqueue_indirect_dma source(%dma_start3A_916 : memref<1000000xf32, #tpu.memory_space<hbm>>) target(%dma_start3A_911 : memref<128xf32, #tpu.memory_space<vmem>>) offsets(%dma_start3A_914 : memref<128xi32, #tpu.memory_space<vmem>>) semaphore(%arg13 : memref<!tpu.dma_semaphore, #tpu.memory_space<semaphore_mem>>)
      %dma_start3A_917 = arith.constant 7 : i32
      %dma_start3A_918 = arith.constant 7 : i32
      %dma_start3A_919 = arith.constant 0 : i32
      %dma_start3A_920 = tpu.memref_slice %arg11[%dma_start3A_918, %dma_start3A_919] : memref<16x128xf32, #tpu.memory_space<vmem>> -> memref<1x128xf32, #tpu.memory_space<vmem>>
      %dma_start3A_921 = tpu.memref_squeeze %dma_start3A_920 : memref<1x128xf32, #tpu.memory_space<vmem>> -> memref<128xf32, #tpu.memory_space<vmem>>
      %dma_start3A_922 = arith.constant 0 : i32
      %dma_start3A_923 = tpu.memref_slice %arg7[%dma_start3A_917, %dma_start3A_922] : memref<16x128xi32, #tpu.memory_space<vmem>> -> memref<1x128xi32, #tpu.memory_space<vmem>>
      %dma_start3A_924 = tpu.memref_squeeze %dma_start3A_923 : memref<1x128xi32, #tpu.memory_space<vmem>> -> memref<128xi32, #tpu.memory_space<vmem>>
      %dma_start3A_925 = arith.constant 0 : i32
      %dma_start3A_926 = tpu.memref_slice %arg4[%dma_start3A_925] : memref<1000000xf32, #tpu.memory_space<hbm>> -> memref<1000000xf32, #tpu.memory_space<hbm>>
      tpu.enqueue_indirect_dma source(%dma_start3A_926 : memref<1000000xf32, #tpu.memory_space<hbm>>) target(%dma_start3A_921 : memref<128xf32, #tpu.memory_space<vmem>>) offsets(%dma_start3A_924 : memref<128xi32, #tpu.memory_space<vmem>>) semaphore(%arg13 : memref<!tpu.dma_semaphore, #tpu.memory_space<semaphore_mem>>)
      %dma_start3A_927 = arith.constant 8 : i32
      %dma_start3A_928 = arith.constant 8 : i32
      %dma_start3A_929 = arith.constant 0 : i32
      %dma_start3A_930 = tpu.memref_slice %arg9[%dma_start3A_928, %dma_start3A_929] : memref<16x128xf32, #tpu.memory_space<vmem>> -> memref<1x128xf32, #tpu.memory_space<vmem>>
      %dma_start3A_931 = tpu.memref_squeeze %dma_start3A_930 : memref<1x128xf32, #tpu.memory_space<vmem>> -> memref<128xf32, #tpu.memory_space<vmem>>
      %dma_start3A_932 = arith.constant 0 : i32
      %dma_start3A_933 = tpu.memref_slice %arg7[%dma_start3A_927, %dma_start3A_932] : memref<16x128xi32, #tpu.memory_space<vmem>> -> memref<1x128xi32, #tpu.memory_space<vmem>>
      %dma_start3A_934 = tpu.memref_squeeze %dma_start3A_933 : memref<1x128xi32, #tpu.memory_space<vmem>> -> memref<128xi32, #tpu.memory_space<vmem>>
      %dma_start3A_935 = arith.constant 0 : i32
      %dma_start3A_936 = tpu.memref_slice %arg3[%dma_start3A_935] : memref<1000000xf32, #tpu.memory_space<hbm>> -> memref<1000000xf32, #tpu.memory_space<hbm>>
      tpu.enqueue_indirect_dma source(%dma_start3A_936 : memref<1000000xf32, #tpu.memory_space<hbm>>) target(%dma_start3A_931 : memref<128xf32, #tpu.memory_space<vmem>>) offsets(%dma_start3A_934 : memref<128xi32, #tpu.memory_space<vmem>>) semaphore(%arg13 : memref<!tpu.dma_semaphore, #tpu.memory_space<semaphore_mem>>)
      %dma_start3A_937 = arith.constant 8 : i32
      %dma_start3A_938 = arith.constant 8 : i32
      %dma_start3A_939 = arith.constant 0 : i32
      %dma_start3A_940 = tpu.memref_slice %arg11[%dma_start3A_938, %dma_start3A_939] : memref<16x128xf32, #tpu.memory_space<vmem>> -> memref<1x128xf32, #tpu.memory_space<vmem>>
      %dma_start3A_941 = tpu.memref_squeeze %dma_start3A_940 : memref<1x128xf32, #tpu.memory_space<vmem>> -> memref<128xf32, #tpu.memory_space<vmem>>
      %dma_start3A_942 = arith.constant 0 : i32
      %dma_start3A_943 = tpu.memref_slice %arg7[%dma_start3A_937, %dma_start3A_942] : memref<16x128xi32, #tpu.memory_space<vmem>> -> memref<1x128xi32, #tpu.memory_space<vmem>>
      %dma_start3A_944 = tpu.memref_squeeze %dma_start3A_943 : memref<1x128xi32, #tpu.memory_space<vmem>> -> memref<128xi32, #tpu.memory_space<vmem>>
      %dma_start3A_945 = arith.constant 0 : i32
      %dma_start3A_946 = tpu.memref_slice %arg4[%dma_start3A_945] : memref<1000000xf32, #tpu.memory_space<hbm>> -> memref<1000000xf32, #tpu.memory_space<hbm>>
      tpu.enqueue_indirect_dma source(%dma_start3A_946 : memref<1000000xf32, #tpu.memory_space<hbm>>) target(%dma_start3A_941 : memref<128xf32, #tpu.memory_space<vmem>>) offsets(%dma_start3A_944 : memref<128xi32, #tpu.memory_space<vmem>>) semaphore(%arg13 : memref<!tpu.dma_semaphore, #tpu.memory_space<semaphore_mem>>)
      %dma_start3A_947 = arith.constant 9 : i32
      %dma_start3A_948 = arith.constant 9 : i32
      %dma_start3A_949 = arith.constant 0 : i32
      %dma_start3A_950 = tpu.memref_slice %arg9[%dma_start3A_948, %dma_start3A_949] : memref<16x128xf32, #tpu.memory_space<vmem>> -> memref<1x128xf32, #tpu.memory_space<vmem>>
      %dma_start3A_951 = tpu.memref_squeeze %dma_start3A_950 : memref<1x128xf32, #tpu.memory_space<vmem>> -> memref<128xf32, #tpu.memory_space<vmem>>
      %dma_start3A_952 = arith.constant 0 : i32
      %dma_start3A_953 = tpu.memref_slice %arg7[%dma_start3A_947, %dma_start3A_952] : memref<16x128xi32, #tpu.memory_space<vmem>> -> memref<1x128xi32, #tpu.memory_space<vmem>>
      %dma_start3A_954 = tpu.memref_squeeze %dma_start3A_953 : memref<1x128xi32, #tpu.memory_space<vmem>> -> memref<128xi32, #tpu.memory_space<vmem>>
      %dma_start3A_955 = arith.constant 0 : i32
      %dma_start3A_956 = tpu.memref_slice %arg3[%dma_start3A_955] : memref<1000000xf32, #tpu.memory_space<hbm>> -> memref<1000000xf32, #tpu.memory_space<hbm>>
      tpu.enqueue_indirect_dma source(%dma_start3A_956 : memref<1000000xf32, #tpu.memory_space<hbm>>) target(%dma_start3A_951 : memref<128xf32, #tpu.memory_space<vmem>>) offsets(%dma_start3A_954 : memref<128xi32, #tpu.memory_space<vmem>>) semaphore(%arg13 : memref<!tpu.dma_semaphore, #tpu.memory_space<semaphore_mem>>)
      %dma_start3A_957 = arith.constant 9 : i32
      %dma_start3A_958 = arith.constant 9 : i32
      %dma_start3A_959 = arith.constant 0 : i32
      %dma_start3A_960 = tpu.memref_slice %arg11[%dma_start3A_958, %dma_start3A_959] : memref<16x128xf32, #tpu.memory_space<vmem>> -> memref<1x128xf32, #tpu.memory_space<vmem>>
      %dma_start3A_961 = tpu.memref_squeeze %dma_start3A_960 : memref<1x128xf32, #tpu.memory_space<vmem>> -> memref<128xf32, #tpu.memory_space<vmem>>
      %dma_start3A_962 = arith.constant 0 : i32
      %dma_start3A_963 = tpu.memref_slice %arg7[%dma_start3A_957, %dma_start3A_962] : memref<16x128xi32, #tpu.memory_space<vmem>> -> memref<1x128xi32, #tpu.memory_space<vmem>>
      %dma_start3A_964 = tpu.memref_squeeze %dma_start3A_963 : memref<1x128xi32, #tpu.memory_space<vmem>> -> memref<128xi32, #tpu.memory_space<vmem>>
      %dma_start3A_965 = arith.constant 0 : i32
      %dma_start3A_966 = tpu.memref_slice %arg4[%dma_start3A_965] : memref<1000000xf32, #tpu.memory_space<hbm>> -> memref<1000000xf32, #tpu.memory_space<hbm>>
      tpu.enqueue_indirect_dma source(%dma_start3A_966 : memref<1000000xf32, #tpu.memory_space<hbm>>) target(%dma_start3A_961 : memref<128xf32, #tpu.memory_space<vmem>>) offsets(%dma_start3A_964 : memref<128xi32, #tpu.memory_space<vmem>>) semaphore(%arg13 : memref<!tpu.dma_semaphore, #tpu.memory_space<semaphore_mem>>)
      %dma_start3A_967 = arith.constant 10 : i32
      %dma_start3A_968 = arith.constant 10 : i32
      %dma_start3A_969 = arith.constant 0 : i32
      %dma_start3A_970 = tpu.memref_slice %arg9[%dma_start3A_968, %dma_start3A_969] : memref<16x128xf32, #tpu.memory_space<vmem>> -> memref<1x128xf32, #tpu.memory_space<vmem>>
      %dma_start3A_971 = tpu.memref_squeeze %dma_start3A_970 : memref<1x128xf32, #tpu.memory_space<vmem>> -> memref<128xf32, #tpu.memory_space<vmem>>
      %dma_start3A_972 = arith.constant 0 : i32
      %dma_start3A_973 = tpu.memref_slice %arg7[%dma_start3A_967, %dma_start3A_972] : memref<16x128xi32, #tpu.memory_space<vmem>> -> memref<1x128xi32, #tpu.memory_space<vmem>>
      %dma_start3A_974 = tpu.memref_squeeze %dma_start3A_973 : memref<1x128xi32, #tpu.memory_space<vmem>> -> memref<128xi32, #tpu.memory_space<vmem>>
      %dma_start3A_975 = arith.constant 0 : i32
      %dma_start3A_976 = tpu.memref_slice %arg3[%dma_start3A_975] : memref<1000000xf32, #tpu.memory_space<hbm>> -> memref<1000000xf32, #tpu.memory_space<hbm>>
      tpu.enqueue_indirect_dma source(%dma_start3A_976 : memref<1000000xf32, #tpu.memory_space<hbm>>) target(%dma_start3A_971 : memref<128xf32, #tpu.memory_space<vmem>>) offsets(%dma_start3A_974 : memref<128xi32, #tpu.memory_space<vmem>>) semaphore(%arg13 : memref<!tpu.dma_semaphore, #tpu.memory_space<semaphore_mem>>)
      %dma_start3A_977 = arith.constant 10 : i32
      %dma_start3A_978 = arith.constant 10 : i32
      %dma_start3A_979 = arith.constant 0 : i32
      %dma_start3A_980 = tpu.memref_slice %arg11[%dma_start3A_978, %dma_start3A_979] : memref<16x128xf32, #tpu.memory_space<vmem>> -> memref<1x128xf32, #tpu.memory_space<vmem>>
      %dma_start3A_981 = tpu.memref_squeeze %dma_start3A_980 : memref<1x128xf32, #tpu.memory_space<vmem>> -> memref<128xf32, #tpu.memory_space<vmem>>
      %dma_start3A_982 = arith.constant 0 : i32
      %dma_start3A_983 = tpu.memref_slice %arg7[%dma_start3A_977, %dma_start3A_982] : memref<16x128xi32, #tpu.memory_space<vmem>> -> memref<1x128xi32, #tpu.memory_space<vmem>>
      %dma_start3A_984 = tpu.memref_squeeze %dma_start3A_983 : memref<1x128xi32, #tpu.memory_space<vmem>> -> memref<128xi32, #tpu.memory_space<vmem>>
      %dma_start3A_985 = arith.constant 0 : i32
      %dma_start3A_986 = tpu.memref_slice %arg4[%dma_start3A_985] : memref<1000000xf32, #tpu.memory_space<hbm>> -> memref<1000000xf32, #tpu.memory_space<hbm>>
      tpu.enqueue_indirect_dma source(%dma_start3A_986 : memref<1000000xf32, #tpu.memory_space<hbm>>) target(%dma_start3A_981 : memref<128xf32, #tpu.memory_space<vmem>>) offsets(%dma_start3A_984 : memref<128xi32, #tpu.memory_space<vmem>>) semaphore(%arg13 : memref<!tpu.dma_semaphore, #tpu.memory_space<semaphore_mem>>)
      %dma_start3A_987 = arith.constant 11 : i32
      %dma_start3A_988 = arith.constant 11 : i32
      %dma_start3A_989 = arith.constant 0 : i32
      %dma_start3A_990 = tpu.memref_slice %arg9[%dma_start3A_988, %dma_start3A_989] : memref<16x128xf32, #tpu.memory_space<vmem>> -> memref<1x128xf32, #tpu.memory_space<vmem>>
      %dma_start3A_991 = tpu.memref_squeeze %dma_start3A_990 : memref<1x128xf32, #tpu.memory_space<vmem>> -> memref<128xf32, #tpu.memory_space<vmem>>
      %dma_start3A_992 = arith.constant 0 : i32
      %dma_start3A_993 = tpu.memref_slice %arg7[%dma_start3A_987, %dma_start3A_992] : memref<16x128xi32, #tpu.memory_space<vmem>> -> memref<1x128xi32, #tpu.memory_space<vmem>>
      %dma_start3A_994 = tpu.memref_squeeze %dma_start3A_993 : memref<1x128xi32, #tpu.memory_space<vmem>> -> memref<128xi32, #tpu.memory_space<vmem>>
      %dma_start3A_995 = arith.constant 0 : i32
      %dma_start3A_996 = tpu.memref_slice %arg3[%dma_start3A_995] : memref<1000000xf32, #tpu.memory_space<hbm>> -> memref<1000000xf32, #tpu.memory_space<hbm>>
      tpu.enqueue_indirect_dma source(%dma_start3A_996 : memref<1000000xf32, #tpu.memory_space<hbm>>) target(%dma_start3A_991 : memref<128xf32, #tpu.memory_space<vmem>>) offsets(%dma_start3A_994 : memref<128xi32, #tpu.memory_space<vmem>>) semaphore(%arg13 : memref<!tpu.dma_semaphore, #tpu.memory_space<semaphore_mem>>)
      %dma_start3A_997 = arith.constant 11 : i32
      %dma_start3A_998 = arith.constant 11 : i32
      %dma_start3A_999 = arith.constant 0 : i32
      %dma_start3A_1000 = tpu.memref_slice %arg11[%dma_start3A_998, %dma_start3A_999] : memref<16x128xf32, #tpu.memory_space<vmem>> -> memref<1x128xf32, #tpu.memory_space<vmem>>
      %dma_start3A_1001 = tpu.memref_squeeze %dma_start3A_1000 : memref<1x128xf32, #tpu.memory_space<vmem>> -> memref<128xf32, #tpu.memory_space<vmem>>
      %dma_start3A_1002 = arith.constant 0 : i32
      %dma_start3A_1003 = tpu.memref_slice %arg7[%dma_start3A_997, %dma_start3A_1002] : memref<16x128xi32, #tpu.memory_space<vmem>> -> memref<1x128xi32, #tpu.memory_space<vmem>>
      %dma_start3A_1004 = tpu.memref_squeeze %dma_start3A_1003 : memref<1x128xi32, #tpu.memory_space<vmem>> -> memref<128xi32, #tpu.memory_space<vmem>>
      %dma_start3A_1005 = arith.constant 0 : i32
      %dma_start3A_1006 = tpu.memref_slice %arg4[%dma_start3A_1005] : memref<1000000xf32, #tpu.memory_space<hbm>> -> memref<1000000xf32, #tpu.memory_space<hbm>>
      tpu.enqueue_indirect_dma source(%dma_start3A_1006 : memref<1000000xf32, #tpu.memory_space<hbm>>) target(%dma_start3A_1001 : memref<128xf32, #tpu.memory_space<vmem>>) offsets(%dma_start3A_1004 : memref<128xi32, #tpu.memory_space<vmem>>) semaphore(%arg13 : memref<!tpu.dma_semaphore, #tpu.memory_space<semaphore_mem>>)
      %dma_start3A_1007 = arith.constant 12 : i32
      %dma_start3A_1008 = arith.constant 12 : i32
      %dma_start3A_1009 = arith.constant 0 : i32
      %dma_start3A_1010 = tpu.memref_slice %arg9[%dma_start3A_1008, %dma_start3A_1009] : memref<16x128xf32, #tpu.memory_space<vmem>> -> memref<1x128xf32, #tpu.memory_space<vmem>>
      %dma_start3A_1011 = tpu.memref_squeeze %dma_start3A_1010 : memref<1x128xf32, #tpu.memory_space<vmem>> -> memref<128xf32, #tpu.memory_space<vmem>>
      %dma_start3A_1012 = arith.constant 0 : i32
      %dma_start3A_1013 = tpu.memref_slice %arg7[%dma_start3A_1007, %dma_start3A_1012] : memref<16x128xi32, #tpu.memory_space<vmem>> -> memref<1x128xi32, #tpu.memory_space<vmem>>
      %dma_start3A_1014 = tpu.memref_squeeze %dma_start3A_1013 : memref<1x128xi32, #tpu.memory_space<vmem>> -> memref<128xi32, #tpu.memory_space<vmem>>
      %dma_start3A_1015 = arith.constant 0 : i32
      %dma_start3A_1016 = tpu.memref_slice %arg3[%dma_start3A_1015] : memref<1000000xf32, #tpu.memory_space<hbm>> -> memref<1000000xf32, #tpu.memory_space<hbm>>
      tpu.enqueue_indirect_dma source(%dma_start3A_1016 : memref<1000000xf32, #tpu.memory_space<hbm>>) target(%dma_start3A_1011 : memref<128xf32, #tpu.memory_space<vmem>>) offsets(%dma_start3A_1014 : memref<128xi32, #tpu.memory_space<vmem>>) semaphore(%arg13 : memref<!tpu.dma_semaphore, #tpu.memory_space<semaphore_mem>>)
      %dma_start3A_1017 = arith.constant 12 : i32
      %dma_start3A_1018 = arith.constant 12 : i32
      %dma_start3A_1019 = arith.constant 0 : i32
      %dma_start3A_1020 = tpu.memref_slice %arg11[%dma_start3A_1018, %dma_start3A_1019] : memref<16x128xf32, #tpu.memory_space<vmem>> -> memref<1x128xf32, #tpu.memory_space<vmem>>
      %dma_start3A_1021 = tpu.memref_squeeze %dma_start3A_1020 : memref<1x128xf32, #tpu.memory_space<vmem>> -> memref<128xf32, #tpu.memory_space<vmem>>
      %dma_start3A_1022 = arith.constant 0 : i32
      %dma_start3A_1023 = tpu.memref_slice %arg7[%dma_start3A_1017, %dma_start3A_1022] : memref<16x128xi32, #tpu.memory_space<vmem>> -> memref<1x128xi32, #tpu.memory_space<vmem>>
      %dma_start3A_1024 = tpu.memref_squeeze %dma_start3A_1023 : memref<1x128xi32, #tpu.memory_space<vmem>> -> memref<128xi32, #tpu.memory_space<vmem>>
      %dma_start3A_1025 = arith.constant 0 : i32
      %dma_start3A_1026 = tpu.memref_slice %arg4[%dma_start3A_1025] : memref<1000000xf32, #tpu.memory_space<hbm>> -> memref<1000000xf32, #tpu.memory_space<hbm>>
      tpu.enqueue_indirect_dma source(%dma_start3A_1026 : memref<1000000xf32, #tpu.memory_space<hbm>>) target(%dma_start3A_1021 : memref<128xf32, #tpu.memory_space<vmem>>) offsets(%dma_start3A_1024 : memref<128xi32, #tpu.memory_space<vmem>>) semaphore(%arg13 : memref<!tpu.dma_semaphore, #tpu.memory_space<semaphore_mem>>)
      %dma_start3A_1027 = arith.constant 13 : i32
      %dma_start3A_1028 = arith.constant 13 : i32
      %dma_start3A_1029 = arith.constant 0 : i32
      %dma_start3A_1030 = tpu.memref_slice %arg9[%dma_start3A_1028, %dma_start3A_1029] : memref<16x128xf32, #tpu.memory_space<vmem>> -> memref<1x128xf32, #tpu.memory_space<vmem>>
      %dma_start3A_1031 = tpu.memref_squeeze %dma_start3A_1030 : memref<1x128xf32, #tpu.memory_space<vmem>> -> memref<128xf32, #tpu.memory_space<vmem>>
      %dma_start3A_1032 = arith.constant 0 : i32
      %dma_start3A_1033 = tpu.memref_slice %arg7[%dma_start3A_1027, %dma_start3A_1032] : memref<16x128xi32, #tpu.memory_space<vmem>> -> memref<1x128xi32, #tpu.memory_space<vmem>>
      %dma_start3A_1034 = tpu.memref_squeeze %dma_start3A_1033 : memref<1x128xi32, #tpu.memory_space<vmem>> -> memref<128xi32, #tpu.memory_space<vmem>>
      %dma_start3A_1035 = arith.constant 0 : i32
      %dma_start3A_1036 = tpu.memref_slice %arg3[%dma_start3A_1035] : memref<1000000xf32, #tpu.memory_space<hbm>> -> memref<1000000xf32, #tpu.memory_space<hbm>>
      tpu.enqueue_indirect_dma source(%dma_start3A_1036 : memref<1000000xf32, #tpu.memory_space<hbm>>) target(%dma_start3A_1031 : memref<128xf32, #tpu.memory_space<vmem>>) offsets(%dma_start3A_1034 : memref<128xi32, #tpu.memory_space<vmem>>) semaphore(%arg13 : memref<!tpu.dma_semaphore, #tpu.memory_space<semaphore_mem>>)
      %dma_start3A_1037 = arith.constant 13 : i32
      %dma_start3A_1038 = arith.constant 13 : i32
      %dma_start3A_1039 = arith.constant 0 : i32
      %dma_start3A_1040 = tpu.memref_slice %arg11[%dma_start3A_1038, %dma_start3A_1039] : memref<16x128xf32, #tpu.memory_space<vmem>> -> memref<1x128xf32, #tpu.memory_space<vmem>>
      %dma_start3A_1041 = tpu.memref_squeeze %dma_start3A_1040 : memref<1x128xf32, #tpu.memory_space<vmem>> -> memref<128xf32, #tpu.memory_space<vmem>>
      %dma_start3A_1042 = arith.constant 0 : i32
      %dma_start3A_1043 = tpu.memref_slice %arg7[%dma_start3A_1037, %dma_start3A_1042] : memref<16x128xi32, #tpu.memory_space<vmem>> -> memref<1x128xi32, #tpu.memory_space<vmem>>
      %dma_start3A_1044 = tpu.memref_squeeze %dma_start3A_1043 : memref<1x128xi32, #tpu.memory_space<vmem>> -> memref<128xi32, #tpu.memory_space<vmem>>
      %dma_start3A_1045 = arith.constant 0 : i32
      %dma_start3A_1046 = tpu.memref_slice %arg4[%dma_start3A_1045] : memref<1000000xf32, #tpu.memory_space<hbm>> -> memref<1000000xf32, #tpu.memory_space<hbm>>
      tpu.enqueue_indirect_dma source(%dma_start3A_1046 : memref<1000000xf32, #tpu.memory_space<hbm>>) target(%dma_start3A_1041 : memref<128xf32, #tpu.memory_space<vmem>>) offsets(%dma_start3A_1044 : memref<128xi32, #tpu.memory_space<vmem>>) semaphore(%arg13 : memref<!tpu.dma_semaphore, #tpu.memory_space<semaphore_mem>>)
      %dma_start3A_1047 = arith.constant 14 : i32
      %dma_start3A_1048 = arith.constant 14 : i32
      %dma_start3A_1049 = arith.constant 0 : i32
      %dma_start3A_1050 = tpu.memref_slice %arg9[%dma_start3A_1048, %dma_start3A_1049] : memref<16x128xf32, #tpu.memory_space<vmem>> -> memref<1x128xf32, #tpu.memory_space<vmem>>
      %dma_start3A_1051 = tpu.memref_squeeze %dma_start3A_1050 : memref<1x128xf32, #tpu.memory_space<vmem>> -> memref<128xf32, #tpu.memory_space<vmem>>
      %dma_start3A_1052 = arith.constant 0 : i32
      %dma_start3A_1053 = tpu.memref_slice %arg7[%dma_start3A_1047, %dma_start3A_1052] : memref<16x128xi32, #tpu.memory_space<vmem>> -> memref<1x128xi32, #tpu.memory_space<vmem>>
      %dma_start3A_1054 = tpu.memref_squeeze %dma_start3A_1053 : memref<1x128xi32, #tpu.memory_space<vmem>> -> memref<128xi32, #tpu.memory_space<vmem>>
      %dma_start3A_1055 = arith.constant 0 : i32
      %dma_start3A_1056 = tpu.memref_slice %arg3[%dma_start3A_1055] : memref<1000000xf32, #tpu.memory_space<hbm>> -> memref<1000000xf32, #tpu.memory_space<hbm>>
      tpu.enqueue_indirect_dma source(%dma_start3A_1056 : memref<1000000xf32, #tpu.memory_space<hbm>>) target(%dma_start3A_1051 : memref<128xf32, #tpu.memory_space<vmem>>) offsets(%dma_start3A_1054 : memref<128xi32, #tpu.memory_space<vmem>>) semaphore(%arg13 : memref<!tpu.dma_semaphore, #tpu.memory_space<semaphore_mem>>)
      %dma_start3A_1057 = arith.constant 14 : i32
      %dma_start3A_1058 = arith.constant 14 : i32
      %dma_start3A_1059 = arith.constant 0 : i32
      %dma_start3A_1060 = tpu.memref_slice %arg11[%dma_start3A_1058, %dma_start3A_1059] : memref<16x128xf32, #tpu.memory_space<vmem>> -> memref<1x128xf32, #tpu.memory_space<vmem>>
      %dma_start3A_1061 = tpu.memref_squeeze %dma_start3A_1060 : memref<1x128xf32, #tpu.memory_space<vmem>> -> memref<128xf32, #tpu.memory_space<vmem>>
      %dma_start3A_1062 = arith.constant 0 : i32
      %dma_start3A_1063 = tpu.memref_slice %arg7[%dma_start3A_1057, %dma_start3A_1062] : memref<16x128xi32, #tpu.memory_space<vmem>> -> memref<1x128xi32, #tpu.memory_space<vmem>>
      %dma_start3A_1064 = tpu.memref_squeeze %dma_start3A_1063 : memref<1x128xi32, #tpu.memory_space<vmem>> -> memref<128xi32, #tpu.memory_space<vmem>>
      %dma_start3A_1065 = arith.constant 0 : i32
      %dma_start3A_1066 = tpu.memref_slice %arg4[%dma_start3A_1065] : memref<1000000xf32, #tpu.memory_space<hbm>> -> memref<1000000xf32, #tpu.memory_space<hbm>>
      tpu.enqueue_indirect_dma source(%dma_start3A_1066 : memref<1000000xf32, #tpu.memory_space<hbm>>) target(%dma_start3A_1061 : memref<128xf32, #tpu.memory_space<vmem>>) offsets(%dma_start3A_1064 : memref<128xi32, #tpu.memory_space<vmem>>) semaphore(%arg13 : memref<!tpu.dma_semaphore, #tpu.memory_space<semaphore_mem>>)
      %dma_start3A_1067 = arith.constant 15 : i32
      %dma_start3A_1068 = arith.constant 15 : i32
      %dma_start3A_1069 = arith.constant 0 : i32
      %dma_start3A_1070 = tpu.memref_slice %arg9[%dma_start3A_1068, %dma_start3A_1069] : memref<16x128xf32, #tpu.memory_space<vmem>> -> memref<1x128xf32, #tpu.memory_space<vmem>>
      %dma_start3A_1071 = tpu.memref_squeeze %dma_start3A_1070 : memref<1x128xf32, #tpu.memory_space<vmem>> -> memref<128xf32, #tpu.memory_space<vmem>>
      %dma_start3A_1072 = arith.constant 0 : i32
      %dma_start3A_1073 = tpu.memref_slice %arg7[%dma_start3A_1067, %dma_start3A_1072] : memref<16x128xi32, #tpu.memory_space<vmem>> -> memref<1x128xi32, #tpu.memory_space<vmem>>
      %dma_start3A_1074 = tpu.memref_squeeze %dma_start3A_1073 : memref<1x128xi32, #tpu.memory_space<vmem>> -> memref<128xi32, #tpu.memory_space<vmem>>
      %dma_start3A_1075 = arith.constant 0 : i32
      %dma_start3A_1076 = tpu.memref_slice %arg3[%dma_start3A_1075] : memref<1000000xf32, #tpu.memory_space<hbm>> -> memref<1000000xf32, #tpu.memory_space<hbm>>
      tpu.enqueue_indirect_dma source(%dma_start3A_1076 : memref<1000000xf32, #tpu.memory_space<hbm>>) target(%dma_start3A_1071 : memref<128xf32, #tpu.memory_space<vmem>>) offsets(%dma_start3A_1074 : memref<128xi32, #tpu.memory_space<vmem>>) semaphore(%arg13 : memref<!tpu.dma_semaphore, #tpu.memory_space<semaphore_mem>>)
      %dma_start3A_1077 = arith.constant 15 : i32
      %dma_start3A_1078 = arith.constant 15 : i32
      %dma_start3A_1079 = arith.constant 0 : i32
      %dma_start3A_1080 = tpu.memref_slice %arg11[%dma_start3A_1078, %dma_start3A_1079] : memref<16x128xf32, #tpu.memory_space<vmem>> -> memref<1x128xf32, #tpu.memory_space<vmem>>
      %dma_start3A_1081 = tpu.memref_squeeze %dma_start3A_1080 : memref<1x128xf32, #tpu.memory_space<vmem>> -> memref<128xf32, #tpu.memory_space<vmem>>
      %dma_start3A_1082 = arith.constant 0 : i32
      %dma_start3A_1083 = tpu.memref_slice %arg7[%dma_start3A_1077, %dma_start3A_1082] : memref<16x128xi32, #tpu.memory_space<vmem>> -> memref<1x128xi32, #tpu.memory_space<vmem>>
      %dma_start3A_1084 = tpu.memref_squeeze %dma_start3A_1083 : memref<1x128xi32, #tpu.memory_space<vmem>> -> memref<128xi32, #tpu.memory_space<vmem>>
      %dma_start3A_1085 = arith.constant 0 : i32
      %dma_start3A_1086 = tpu.memref_slice %arg4[%dma_start3A_1085] : memref<1000000xf32, #tpu.memory_space<hbm>> -> memref<1000000xf32, #tpu.memory_space<hbm>>
      tpu.enqueue_indirect_dma source(%dma_start3A_1086 : memref<1000000xf32, #tpu.memory_space<hbm>>) target(%dma_start3A_1081 : memref<128xf32, #tpu.memory_space<vmem>>) offsets(%dma_start3A_1084 : memref<128xi32, #tpu.memory_space<vmem>>) semaphore(%arg13 : memref<!tpu.dma_semaphore, #tpu.memory_space<semaphore_mem>>)
      %dma_wait3A_1087 = arith.constant 0 : i32
      %dma_wait3A_1088 = arith.constant 0 : i32
      %dma_wait3A_1089 = tpu.memref_slice %arg5[%dma_wait3A_1087, %dma_wait3A_1088] : memref<25600x128xf32, #tpu.memory_space<hbm>> -> memref<16x128xf32, #tpu.memory_space<hbm>>
      %dma_wait3A_1090 = arith.constant 0 : i32
      %dma_wait3A_1091 = arith.constant 0 : i32
      %dma_wait3A_1092 = tpu.memref_slice %arg5[%dma_wait3A_1090, %dma_wait3A_1091] : memref<25600x128xf32, #tpu.memory_space<hbm>> -> memref<16x128xf32, #tpu.memory_space<hbm>>
      tpu.wait_dma2 semaphore(%arg14 : memref<!tpu.dma_semaphore, #tpu.memory_space<semaphore_mem>>) src(%dma_wait3A_1092 : memref<16x128xf32, #tpu.memory_space<hbm>>) dst(%arg10 : memref<16x128xf32, #tpu.memory_space<vmem>>)
      %dma_wait3A_1093 = arith.constant 0 : i32
      %dma_wait3A_1094 = arith.constant 0 : i32
      %dma_wait3A_1095 = tpu.memref_slice %arg6[%dma_wait3A_1093, %dma_wait3A_1094] : memref<25600x128xf32, #tpu.memory_space<hbm>> -> memref<16x128xf32, #tpu.memory_space<hbm>>
      %dma_wait3A_1096 = arith.constant 0 : i32
      %dma_wait3A_1097 = arith.constant 0 : i32
      %dma_wait3A_1098 = tpu.memref_slice %arg6[%dma_wait3A_1096, %dma_wait3A_1097] : memref<25600x128xf32, #tpu.memory_space<hbm>> -> memref<16x128xf32, #tpu.memory_space<hbm>>
      tpu.wait_dma2 semaphore(%arg14 : memref<!tpu.dma_semaphore, #tpu.memory_space<semaphore_mem>>) src(%dma_wait3A_1098 : memref<16x128xf32, #tpu.memory_space<hbm>>) dst(%arg12 : memref<16x128xf32, #tpu.memory_space<vmem>>)
      %mul3A_1099 = arith.constant 16 : i32
      %mul3A_1100 = arith.muli %add3A_748, %mul3A_1099 : i32
      %add3A_1101 = arith.addi %mul3A_2, %mul3A_1100 : i32
      %dma_start3A_1102 = arith.constant 0 : i32
      %dma_start3A_1103 = tpu.memref_slice %arg5[%add3A_1101, %dma_start3A_1102] : memref<25600x128xf32, #tpu.memory_space<hbm>> -> memref<16x128xf32, #tpu.memory_space<hbm>>
      %dma_start3A_1104 = arith.constant 0 : i32
      %dma_start3A_1105 = tpu.memref_slice %arg5[%add3A_1101, %dma_start3A_1104] : memref<25600x128xf32, #tpu.memory_space<hbm>> -> memref<16x128xf32, #tpu.memory_space<hbm>>
      tpu.enqueue_dma source(%arg10 : memref<16x128xf32, #tpu.memory_space<vmem>>) target(%dma_start3A_1105 : memref<16x128xf32, #tpu.memory_space<hbm>>) target_semaphore(%arg16 : memref<!tpu.dma_semaphore, #tpu.memory_space<semaphore_mem>>)
      %dma_start3A_1106 = arith.constant 0 : i32
      %dma_start3A_1107 = tpu.memref_slice %arg6[%add3A_1101, %dma_start3A_1106] : memref<25600x128xf32, #tpu.memory_space<hbm>> -> memref<16x128xf32, #tpu.memory_space<hbm>>
      %dma_start3A_1108 = arith.constant 0 : i32
      %dma_start3A_1109 = tpu.memref_slice %arg6[%add3A_1101, %dma_start3A_1108] : memref<25600x128xf32, #tpu.memory_space<hbm>> -> memref<16x128xf32, #tpu.memory_space<hbm>>
      tpu.enqueue_dma source(%arg12 : memref<16x128xf32, #tpu.memory_space<vmem>>) target(%dma_start3A_1109 : memref<16x128xf32, #tpu.memory_space<hbm>>) target_semaphore(%arg16 : memref<!tpu.dma_semaphore, #tpu.memory_space<semaphore_mem>>)
      %add3A_1110 = arith.constant 2 : i32
      %add3A_1111 = arith.addi %add3A_748, %add3A_1110 : i32
      %lt3A = arith.constant 50 : i32
      %lt3A_1112 = arith.cmpi slt, %add3A_1111, %lt3A : i32
      %convert_element_type3A = arith.extui %lt3A_1112 : i1 to i32
      %cond3A = arith.constant 0 : i32
      %cond3A_1113 = arith.cmpi ne, %convert_element_type3A, %cond3A : i32
      scf.if %cond3A_1113 {
        %mul3A_1486 = arith.constant 16 : i32
        %mul3A_1487 = arith.muli %add3A_1111, %mul3A_1486 : i32
        %add3A_1488 = arith.addi %mul3A_2, %mul3A_1487 : i32
        %dma_start3A_1489 = arith.constant 0 : i32
        %dma_start3A_1490 = tpu.memref_slice %arg2[%add3A_1488, %dma_start3A_1489] : memref<25600x128xi32, #tpu.memory_space<hbm>> -> memref<16x128xi32, #tpu.memory_space<hbm>>
        %dma_start3A_1491 = arith.constant 0 : i32
        %dma_start3A_1492 = tpu.memref_slice %arg2[%add3A_1488, %dma_start3A_1491] : memref<25600x128xi32, #tpu.memory_space<hbm>> -> memref<16x128xi32, #tpu.memory_space<hbm>>
        tpu.enqueue_dma source(%dma_start3A_1492 : memref<16x128xi32, #tpu.memory_space<hbm>>) target(%arg8 : memref<16x128xi32, #tpu.memory_space<vmem>>) target_semaphore(%arg18 : memref<!tpu.dma_semaphore, #tpu.memory_space<semaphore_mem>>)
      } else {
      }
      %mul3A_1114 = arith.constant 2 : i32
      %mul3A_1115 = arith.muli %mul3A_1114, %scan3A_744 : i32
      %add3A_1116 = arith.constant 2 : i32
      %add3A_1117 = arith.addi %mul3A_1115, %add3A_1116 : i32
      %dma_wait3A_1118 = arith.constant 0 : i32
      %dma_wait3A_1119 = arith.constant 0 : i32
      %dma_wait3A_1120 = tpu.memref_slice %arg5[%dma_wait3A_1118, %dma_wait3A_1119] : memref<25600x128xf32, #tpu.memory_space<hbm>> -> memref<16x128xf32, #tpu.memory_space<hbm>>
      %dma_wait3A_1121 = arith.constant 0 : i32
      %dma_wait3A_1122 = arith.constant 0 : i32
      %dma_wait3A_1123 = tpu.memref_slice %arg5[%dma_wait3A_1121, %dma_wait3A_1122] : memref<25600x128xf32, #tpu.memory_space<hbm>> -> memref<16x128xf32, #tpu.memory_space<hbm>>
      tpu.wait_dma2 semaphore(%arg16 : memref<!tpu.dma_semaphore, #tpu.memory_space<semaphore_mem>>) src(%arg10 : memref<16x128xf32, #tpu.memory_space<vmem>>) dst(%dma_wait3A_1123 : memref<16x128xf32, #tpu.memory_space<hbm>>)
      %dma_wait3A_1124 = arith.constant 0 : i32
      %dma_wait3A_1125 = arith.constant 0 : i32
      %dma_wait3A_1126 = tpu.memref_slice %arg6[%dma_wait3A_1124, %dma_wait3A_1125] : memref<25600x128xf32, #tpu.memory_space<hbm>> -> memref<16x128xf32, #tpu.memory_space<hbm>>
      %dma_wait3A_1127 = arith.constant 0 : i32
      %dma_wait3A_1128 = arith.constant 0 : i32
      %dma_wait3A_1129 = tpu.memref_slice %arg6[%dma_wait3A_1127, %dma_wait3A_1128] : memref<25600x128xf32, #tpu.memory_space<hbm>> -> memref<16x128xf32, #tpu.memory_space<hbm>>
      tpu.wait_dma2 semaphore(%arg16 : memref<!tpu.dma_semaphore, #tpu.memory_space<semaphore_mem>>) src(%arg12 : memref<16x128xf32, #tpu.memory_space<vmem>>) dst(%dma_wait3A_1129 : memref<16x128xf32, #tpu.memory_space<hbm>>)
      %dma_wait3A_1130 = arith.constant 0 : i32
      %dma_wait3A_1131 = arith.constant 0 : i32
      %dma_wait3A_1132 = tpu.memref_slice %arg2[%dma_wait3A_1130, %dma_wait3A_1131] : memref<25600x128xi32, #tpu.memory_space<hbm>> -> memref<16x128xi32, #tpu.memory_space<hbm>>
      %dma_wait3A_1133 = arith.constant 0 : i32
      %dma_wait3A_1134 = arith.constant 0 : i32
      %dma_wait3A_1135 = tpu.memref_slice %arg2[%dma_wait3A_1133, %dma_wait3A_1134] : memref<25600x128xi32, #tpu.memory_space<hbm>> -> memref<16x128xi32, #tpu.memory_space<hbm>>
      tpu.wait_dma2 semaphore(%arg18 : memref<!tpu.dma_semaphore, #tpu.memory_space<semaphore_mem>>) src(%dma_wait3A_1135 : memref<16x128xi32, #tpu.memory_space<hbm>>) dst(%arg8 : memref<16x128xi32, #tpu.memory_space<vmem>>)
      %dma_start3A_1136 = arith.constant 0 : i32
      %dma_start3A_1137 = arith.constant 0 : i32
      %dma_start3A_1138 = arith.constant 0 : i32
      %dma_start3A_1139 = tpu.memref_slice %arg10[%dma_start3A_1137, %dma_start3A_1138] : memref<16x128xf32, #tpu.memory_space<vmem>> -> memref<1x128xf32, #tpu.memory_space<vmem>>
      %dma_start3A_1140 = tpu.memref_squeeze %dma_start3A_1139 : memref<1x128xf32, #tpu.memory_space<vmem>> -> memref<128xf32, #tpu.memory_space<vmem>>
      %dma_start3A_1141 = arith.constant 0 : i32
      %dma_start3A_1142 = tpu.memref_slice %arg8[%dma_start3A_1136, %dma_start3A_1141] : memref<16x128xi32, #tpu.memory_space<vmem>> -> memref<1x128xi32, #tpu.memory_space<vmem>>
      %dma_start3A_1143 = tpu.memref_squeeze %dma_start3A_1142 : memref<1x128xi32, #tpu.memory_space<vmem>> -> memref<128xi32, #tpu.memory_space<vmem>>
      %dma_start3A_1144 = arith.constant 0 : i32
      %dma_start3A_1145 = tpu.memref_slice %arg3[%dma_start3A_1144] : memref<1000000xf32, #tpu.memory_space<hbm>> -> memref<1000000xf32, #tpu.memory_space<hbm>>
      tpu.enqueue_indirect_dma source(%dma_start3A_1145 : memref<1000000xf32, #tpu.memory_space<hbm>>) target(%dma_start3A_1140 : memref<128xf32, #tpu.memory_space<vmem>>) offsets(%dma_start3A_1143 : memref<128xi32, #tpu.memory_space<vmem>>) semaphore(%arg14 : memref<!tpu.dma_semaphore, #tpu.memory_space<semaphore_mem>>)
      %dma_start3A_1146 = arith.constant 0 : i32
      %dma_start3A_1147 = arith.constant 0 : i32
      %dma_start3A_1148 = arith.constant 0 : i32
      %dma_start3A_1149 = tpu.memref_slice %arg12[%dma_start3A_1147, %dma_start3A_1148] : memref<16x128xf32, #tpu.memory_space<vmem>> -> memref<1x128xf32, #tpu.memory_space<vmem>>
      %dma_start3A_1150 = tpu.memref_squeeze %dma_start3A_1149 : memref<1x128xf32, #tpu.memory_space<vmem>> -> memref<128xf32, #tpu.memory_space<vmem>>
      %dma_start3A_1151 = arith.constant 0 : i32
      %dma_start3A_1152 = tpu.memref_slice %arg8[%dma_start3A_1146, %dma_start3A_1151] : memref<16x128xi32, #tpu.memory_space<vmem>> -> memref<1x128xi32, #tpu.memory_space<vmem>>
      %dma_start3A_1153 = tpu.memref_squeeze %dma_start3A_1152 : memref<1x128xi32, #tpu.memory_space<vmem>> -> memref<128xi32, #tpu.memory_space<vmem>>
      %dma_start3A_1154 = arith.constant 0 : i32
      %dma_start3A_1155 = tpu.memref_slice %arg4[%dma_start3A_1154] : memref<1000000xf32, #tpu.memory_space<hbm>> -> memref<1000000xf32, #tpu.memory_space<hbm>>
      tpu.enqueue_indirect_dma source(%dma_start3A_1155 : memref<1000000xf32, #tpu.memory_space<hbm>>) target(%dma_start3A_1150 : memref<128xf32, #tpu.memory_space<vmem>>) offsets(%dma_start3A_1153 : memref<128xi32, #tpu.memory_space<vmem>>) semaphore(%arg14 : memref<!tpu.dma_semaphore, #tpu.memory_space<semaphore_mem>>)
      %dma_start3A_1156 = arith.constant 1 : i32
      %dma_start3A_1157 = arith.constant 1 : i32
      %dma_start3A_1158 = arith.constant 0 : i32
      %dma_start3A_1159 = tpu.memref_slice %arg10[%dma_start3A_1157, %dma_start3A_1158] : memref<16x128xf32, #tpu.memory_space<vmem>> -> memref<1x128xf32, #tpu.memory_space<vmem>>
      %dma_start3A_1160 = tpu.memref_squeeze %dma_start3A_1159 : memref<1x128xf32, #tpu.memory_space<vmem>> -> memref<128xf32, #tpu.memory_space<vmem>>
      %dma_start3A_1161 = arith.constant 0 : i32
      %dma_start3A_1162 = tpu.memref_slice %arg8[%dma_start3A_1156, %dma_start3A_1161] : memref<16x128xi32, #tpu.memory_space<vmem>> -> memref<1x128xi32, #tpu.memory_space<vmem>>
      %dma_start3A_1163 = tpu.memref_squeeze %dma_start3A_1162 : memref<1x128xi32, #tpu.memory_space<vmem>> -> memref<128xi32, #tpu.memory_space<vmem>>
      %dma_start3A_1164 = arith.constant 0 : i32
      %dma_start3A_1165 = tpu.memref_slice %arg3[%dma_start3A_1164] : memref<1000000xf32, #tpu.memory_space<hbm>> -> memref<1000000xf32, #tpu.memory_space<hbm>>
      tpu.enqueue_indirect_dma source(%dma_start3A_1165 : memref<1000000xf32, #tpu.memory_space<hbm>>) target(%dma_start3A_1160 : memref<128xf32, #tpu.memory_space<vmem>>) offsets(%dma_start3A_1163 : memref<128xi32, #tpu.memory_space<vmem>>) semaphore(%arg14 : memref<!tpu.dma_semaphore, #tpu.memory_space<semaphore_mem>>)
      %dma_start3A_1166 = arith.constant 1 : i32
      %dma_start3A_1167 = arith.constant 1 : i32
      %dma_start3A_1168 = arith.constant 0 : i32
      %dma_start3A_1169 = tpu.memref_slice %arg12[%dma_start3A_1167, %dma_start3A_1168] : memref<16x128xf32, #tpu.memory_space<vmem>> -> memref<1x128xf32, #tpu.memory_space<vmem>>
      %dma_start3A_1170 = tpu.memref_squeeze %dma_start3A_1169 : memref<1x128xf32, #tpu.memory_space<vmem>> -> memref<128xf32, #tpu.memory_space<vmem>>
      %dma_start3A_1171 = arith.constant 0 : i32
      %dma_start3A_1172 = tpu.memref_slice %arg8[%dma_start3A_1166, %dma_start3A_1171] : memref<16x128xi32, #tpu.memory_space<vmem>> -> memref<1x128xi32, #tpu.memory_space<vmem>>
      %dma_start3A_1173 = tpu.memref_squeeze %dma_start3A_1172 : memref<1x128xi32, #tpu.memory_space<vmem>> -> memref<128xi32, #tpu.memory_space<vmem>>
      %dma_start3A_1174 = arith.constant 0 : i32
      %dma_start3A_1175 = tpu.memref_slice %arg4[%dma_start3A_1174] : memref<1000000xf32, #tpu.memory_space<hbm>> -> memref<1000000xf32, #tpu.memory_space<hbm>>
      tpu.enqueue_indirect_dma source(%dma_start3A_1175 : memref<1000000xf32, #tpu.memory_space<hbm>>) target(%dma_start3A_1170 : memref<128xf32, #tpu.memory_space<vmem>>) offsets(%dma_start3A_1173 : memref<128xi32, #tpu.memory_space<vmem>>) semaphore(%arg14 : memref<!tpu.dma_semaphore, #tpu.memory_space<semaphore_mem>>)
      %dma_start3A_1176 = arith.constant 2 : i32
      %dma_start3A_1177 = arith.constant 2 : i32
      %dma_start3A_1178 = arith.constant 0 : i32
      %dma_start3A_1179 = tpu.memref_slice %arg10[%dma_start3A_1177, %dma_start3A_1178] : memref<16x128xf32, #tpu.memory_space<vmem>> -> memref<1x128xf32, #tpu.memory_space<vmem>>
      %dma_start3A_1180 = tpu.memref_squeeze %dma_start3A_1179 : memref<1x128xf32, #tpu.memory_space<vmem>> -> memref<128xf32, #tpu.memory_space<vmem>>
      %dma_start3A_1181 = arith.constant 0 : i32
      %dma_start3A_1182 = tpu.memref_slice %arg8[%dma_start3A_1176, %dma_start3A_1181] : memref<16x128xi32, #tpu.memory_space<vmem>> -> memref<1x128xi32, #tpu.memory_space<vmem>>
      %dma_start3A_1183 = tpu.memref_squeeze %dma_start3A_1182 : memref<1x128xi32, #tpu.memory_space<vmem>> -> memref<128xi32, #tpu.memory_space<vmem>>
      %dma_start3A_1184 = arith.constant 0 : i32
      %dma_start3A_1185 = tpu.memref_slice %arg3[%dma_start3A_1184] : memref<1000000xf32, #tpu.memory_space<hbm>> -> memref<1000000xf32, #tpu.memory_space<hbm>>
      tpu.enqueue_indirect_dma source(%dma_start3A_1185 : memref<1000000xf32, #tpu.memory_space<hbm>>) target(%dma_start3A_1180 : memref<128xf32, #tpu.memory_space<vmem>>) offsets(%dma_start3A_1183 : memref<128xi32, #tpu.memory_space<vmem>>) semaphore(%arg14 : memref<!tpu.dma_semaphore, #tpu.memory_space<semaphore_mem>>)
      %dma_start3A_1186 = arith.constant 2 : i32
      %dma_start3A_1187 = arith.constant 2 : i32
      %dma_start3A_1188 = arith.constant 0 : i32
      %dma_start3A_1189 = tpu.memref_slice %arg12[%dma_start3A_1187, %dma_start3A_1188] : memref<16x128xf32, #tpu.memory_space<vmem>> -> memref<1x128xf32, #tpu.memory_space<vmem>>
      %dma_start3A_1190 = tpu.memref_squeeze %dma_start3A_1189 : memref<1x128xf32, #tpu.memory_space<vmem>> -> memref<128xf32, #tpu.memory_space<vmem>>
      %dma_start3A_1191 = arith.constant 0 : i32
      %dma_start3A_1192 = tpu.memref_slice %arg8[%dma_start3A_1186, %dma_start3A_1191] : memref<16x128xi32, #tpu.memory_space<vmem>> -> memref<1x128xi32, #tpu.memory_space<vmem>>
      %dma_start3A_1193 = tpu.memref_squeeze %dma_start3A_1192 : memref<1x128xi32, #tpu.memory_space<vmem>> -> memref<128xi32, #tpu.memory_space<vmem>>
      %dma_start3A_1194 = arith.constant 0 : i32
      %dma_start3A_1195 = tpu.memref_slice %arg4[%dma_start3A_1194] : memref<1000000xf32, #tpu.memory_space<hbm>> -> memref<1000000xf32, #tpu.memory_space<hbm>>
      tpu.enqueue_indirect_dma source(%dma_start3A_1195 : memref<1000000xf32, #tpu.memory_space<hbm>>) target(%dma_start3A_1190 : memref<128xf32, #tpu.memory_space<vmem>>) offsets(%dma_start3A_1193 : memref<128xi32, #tpu.memory_space<vmem>>) semaphore(%arg14 : memref<!tpu.dma_semaphore, #tpu.memory_space<semaphore_mem>>)
      %dma_start3A_1196 = arith.constant 3 : i32
      %dma_start3A_1197 = arith.constant 3 : i32
      %dma_start3A_1198 = arith.constant 0 : i32
      %dma_start3A_1199 = tpu.memref_slice %arg10[%dma_start3A_1197, %dma_start3A_1198] : memref<16x128xf32, #tpu.memory_space<vmem>> -> memref<1x128xf32, #tpu.memory_space<vmem>>
      %dma_start3A_1200 = tpu.memref_squeeze %dma_start3A_1199 : memref<1x128xf32, #tpu.memory_space<vmem>> -> memref<128xf32, #tpu.memory_space<vmem>>
      %dma_start3A_1201 = arith.constant 0 : i32
      %dma_start3A_1202 = tpu.memref_slice %arg8[%dma_start3A_1196, %dma_start3A_1201] : memref<16x128xi32, #tpu.memory_space<vmem>> -> memref<1x128xi32, #tpu.memory_space<vmem>>
      %dma_start3A_1203 = tpu.memref_squeeze %dma_start3A_1202 : memref<1x128xi32, #tpu.memory_space<vmem>> -> memref<128xi32, #tpu.memory_space<vmem>>
      %dma_start3A_1204 = arith.constant 0 : i32
      %dma_start3A_1205 = tpu.memref_slice %arg3[%dma_start3A_1204] : memref<1000000xf32, #tpu.memory_space<hbm>> -> memref<1000000xf32, #tpu.memory_space<hbm>>
      tpu.enqueue_indirect_dma source(%dma_start3A_1205 : memref<1000000xf32, #tpu.memory_space<hbm>>) target(%dma_start3A_1200 : memref<128xf32, #tpu.memory_space<vmem>>) offsets(%dma_start3A_1203 : memref<128xi32, #tpu.memory_space<vmem>>) semaphore(%arg14 : memref<!tpu.dma_semaphore, #tpu.memory_space<semaphore_mem>>)
      %dma_start3A_1206 = arith.constant 3 : i32
      %dma_start3A_1207 = arith.constant 3 : i32
      %dma_start3A_1208 = arith.constant 0 : i32
      %dma_start3A_1209 = tpu.memref_slice %arg12[%dma_start3A_1207, %dma_start3A_1208] : memref<16x128xf32, #tpu.memory_space<vmem>> -> memref<1x128xf32, #tpu.memory_space<vmem>>
      %dma_start3A_1210 = tpu.memref_squeeze %dma_start3A_1209 : memref<1x128xf32, #tpu.memory_space<vmem>> -> memref<128xf32, #tpu.memory_space<vmem>>
      %dma_start3A_1211 = arith.constant 0 : i32
      %dma_start3A_1212 = tpu.memref_slice %arg8[%dma_start3A_1206, %dma_start3A_1211] : memref<16x128xi32, #tpu.memory_space<vmem>> -> memref<1x128xi32, #tpu.memory_space<vmem>>
      %dma_start3A_1213 = tpu.memref_squeeze %dma_start3A_1212 : memref<1x128xi32, #tpu.memory_space<vmem>> -> memref<128xi32, #tpu.memory_space<vmem>>
      %dma_start3A_1214 = arith.constant 0 : i32
      %dma_start3A_1215 = tpu.memref_slice %arg4[%dma_start3A_1214] : memref<1000000xf32, #tpu.memory_space<hbm>> -> memref<1000000xf32, #tpu.memory_space<hbm>>
      tpu.enqueue_indirect_dma source(%dma_start3A_1215 : memref<1000000xf32, #tpu.memory_space<hbm>>) target(%dma_start3A_1210 : memref<128xf32, #tpu.memory_space<vmem>>) offsets(%dma_start3A_1213 : memref<128xi32, #tpu.memory_space<vmem>>) semaphore(%arg14 : memref<!tpu.dma_semaphore, #tpu.memory_space<semaphore_mem>>)
      %dma_start3A_1216 = arith.constant 4 : i32
      %dma_start3A_1217 = arith.constant 4 : i32
      %dma_start3A_1218 = arith.constant 0 : i32
      %dma_start3A_1219 = tpu.memref_slice %arg10[%dma_start3A_1217, %dma_start3A_1218] : memref<16x128xf32, #tpu.memory_space<vmem>> -> memref<1x128xf32, #tpu.memory_space<vmem>>
      %dma_start3A_1220 = tpu.memref_squeeze %dma_start3A_1219 : memref<1x128xf32, #tpu.memory_space<vmem>> -> memref<128xf32, #tpu.memory_space<vmem>>
      %dma_start3A_1221 = arith.constant 0 : i32
      %dma_start3A_1222 = tpu.memref_slice %arg8[%dma_start3A_1216, %dma_start3A_1221] : memref<16x128xi32, #tpu.memory_space<vmem>> -> memref<1x128xi32, #tpu.memory_space<vmem>>
      %dma_start3A_1223 = tpu.memref_squeeze %dma_start3A_1222 : memref<1x128xi32, #tpu.memory_space<vmem>> -> memref<128xi32, #tpu.memory_space<vmem>>
      %dma_start3A_1224 = arith.constant 0 : i32
      %dma_start3A_1225 = tpu.memref_slice %arg3[%dma_start3A_1224] : memref<1000000xf32, #tpu.memory_space<hbm>> -> memref<1000000xf32, #tpu.memory_space<hbm>>
      tpu.enqueue_indirect_dma source(%dma_start3A_1225 : memref<1000000xf32, #tpu.memory_space<hbm>>) target(%dma_start3A_1220 : memref<128xf32, #tpu.memory_space<vmem>>) offsets(%dma_start3A_1223 : memref<128xi32, #tpu.memory_space<vmem>>) semaphore(%arg14 : memref<!tpu.dma_semaphore, #tpu.memory_space<semaphore_mem>>)
      %dma_start3A_1226 = arith.constant 4 : i32
      %dma_start3A_1227 = arith.constant 4 : i32
      %dma_start3A_1228 = arith.constant 0 : i32
      %dma_start3A_1229 = tpu.memref_slice %arg12[%dma_start3A_1227, %dma_start3A_1228] : memref<16x128xf32, #tpu.memory_space<vmem>> -> memref<1x128xf32, #tpu.memory_space<vmem>>
      %dma_start3A_1230 = tpu.memref_squeeze %dma_start3A_1229 : memref<1x128xf32, #tpu.memory_space<vmem>> -> memref<128xf32, #tpu.memory_space<vmem>>
      %dma_start3A_1231 = arith.constant 0 : i32
      %dma_start3A_1232 = tpu.memref_slice %arg8[%dma_start3A_1226, %dma_start3A_1231] : memref<16x128xi32, #tpu.memory_space<vmem>> -> memref<1x128xi32, #tpu.memory_space<vmem>>
      %dma_start3A_1233 = tpu.memref_squeeze %dma_start3A_1232 : memref<1x128xi32, #tpu.memory_space<vmem>> -> memref<128xi32, #tpu.memory_space<vmem>>
      %dma_start3A_1234 = arith.constant 0 : i32
      %dma_start3A_1235 = tpu.memref_slice %arg4[%dma_start3A_1234] : memref<1000000xf32, #tpu.memory_space<hbm>> -> memref<1000000xf32, #tpu.memory_space<hbm>>
      tpu.enqueue_indirect_dma source(%dma_start3A_1235 : memref<1000000xf32, #tpu.memory_space<hbm>>) target(%dma_start3A_1230 : memref<128xf32, #tpu.memory_space<vmem>>) offsets(%dma_start3A_1233 : memref<128xi32, #tpu.memory_space<vmem>>) semaphore(%arg14 : memref<!tpu.dma_semaphore, #tpu.memory_space<semaphore_mem>>)
      %dma_start3A_1236 = arith.constant 5 : i32
      %dma_start3A_1237 = arith.constant 5 : i32
      %dma_start3A_1238 = arith.constant 0 : i32
      %dma_start3A_1239 = tpu.memref_slice %arg10[%dma_start3A_1237, %dma_start3A_1238] : memref<16x128xf32, #tpu.memory_space<vmem>> -> memref<1x128xf32, #tpu.memory_space<vmem>>
      %dma_start3A_1240 = tpu.memref_squeeze %dma_start3A_1239 : memref<1x128xf32, #tpu.memory_space<vmem>> -> memref<128xf32, #tpu.memory_space<vmem>>
      %dma_start3A_1241 = arith.constant 0 : i32
      %dma_start3A_1242 = tpu.memref_slice %arg8[%dma_start3A_1236, %dma_start3A_1241] : memref<16x128xi32, #tpu.memory_space<vmem>> -> memref<1x128xi32, #tpu.memory_space<vmem>>
      %dma_start3A_1243 = tpu.memref_squeeze %dma_start3A_1242 : memref<1x128xi32, #tpu.memory_space<vmem>> -> memref<128xi32, #tpu.memory_space<vmem>>
      %dma_start3A_1244 = arith.constant 0 : i32
      %dma_start3A_1245 = tpu.memref_slice %arg3[%dma_start3A_1244] : memref<1000000xf32, #tpu.memory_space<hbm>> -> memref<1000000xf32, #tpu.memory_space<hbm>>
      tpu.enqueue_indirect_dma source(%dma_start3A_1245 : memref<1000000xf32, #tpu.memory_space<hbm>>) target(%dma_start3A_1240 : memref<128xf32, #tpu.memory_space<vmem>>) offsets(%dma_start3A_1243 : memref<128xi32, #tpu.memory_space<vmem>>) semaphore(%arg14 : memref<!tpu.dma_semaphore, #tpu.memory_space<semaphore_mem>>)
      %dma_start3A_1246 = arith.constant 5 : i32
      %dma_start3A_1247 = arith.constant 5 : i32
      %dma_start3A_1248 = arith.constant 0 : i32
      %dma_start3A_1249 = tpu.memref_slice %arg12[%dma_start3A_1247, %dma_start3A_1248] : memref<16x128xf32, #tpu.memory_space<vmem>> -> memref<1x128xf32, #tpu.memory_space<vmem>>
      %dma_start3A_1250 = tpu.memref_squeeze %dma_start3A_1249 : memref<1x128xf32, #tpu.memory_space<vmem>> -> memref<128xf32, #tpu.memory_space<vmem>>
      %dma_start3A_1251 = arith.constant 0 : i32
      %dma_start3A_1252 = tpu.memref_slice %arg8[%dma_start3A_1246, %dma_start3A_1251] : memref<16x128xi32, #tpu.memory_space<vmem>> -> memref<1x128xi32, #tpu.memory_space<vmem>>
      %dma_start3A_1253 = tpu.memref_squeeze %dma_start3A_1252 : memref<1x128xi32, #tpu.memory_space<vmem>> -> memref<128xi32, #tpu.memory_space<vmem>>
      %dma_start3A_1254 = arith.constant 0 : i32
      %dma_start3A_1255 = tpu.memref_slice %arg4[%dma_start3A_1254] : memref<1000000xf32, #tpu.memory_space<hbm>> -> memref<1000000xf32, #tpu.memory_space<hbm>>
      tpu.enqueue_indirect_dma source(%dma_start3A_1255 : memref<1000000xf32, #tpu.memory_space<hbm>>) target(%dma_start3A_1250 : memref<128xf32, #tpu.memory_space<vmem>>) offsets(%dma_start3A_1253 : memref<128xi32, #tpu.memory_space<vmem>>) semaphore(%arg14 : memref<!tpu.dma_semaphore, #tpu.memory_space<semaphore_mem>>)
      %dma_start3A_1256 = arith.constant 6 : i32
      %dma_start3A_1257 = arith.constant 6 : i32
      %dma_start3A_1258 = arith.constant 0 : i32
      %dma_start3A_1259 = tpu.memref_slice %arg10[%dma_start3A_1257, %dma_start3A_1258] : memref<16x128xf32, #tpu.memory_space<vmem>> -> memref<1x128xf32, #tpu.memory_space<vmem>>
      %dma_start3A_1260 = tpu.memref_squeeze %dma_start3A_1259 : memref<1x128xf32, #tpu.memory_space<vmem>> -> memref<128xf32, #tpu.memory_space<vmem>>
      %dma_start3A_1261 = arith.constant 0 : i32
      %dma_start3A_1262 = tpu.memref_slice %arg8[%dma_start3A_1256, %dma_start3A_1261] : memref<16x128xi32, #tpu.memory_space<vmem>> -> memref<1x128xi32, #tpu.memory_space<vmem>>
      %dma_start3A_1263 = tpu.memref_squeeze %dma_start3A_1262 : memref<1x128xi32, #tpu.memory_space<vmem>> -> memref<128xi32, #tpu.memory_space<vmem>>
      %dma_start3A_1264 = arith.constant 0 : i32
      %dma_start3A_1265 = tpu.memref_slice %arg3[%dma_start3A_1264] : memref<1000000xf32, #tpu.memory_space<hbm>> -> memref<1000000xf32, #tpu.memory_space<hbm>>
      tpu.enqueue_indirect_dma source(%dma_start3A_1265 : memref<1000000xf32, #tpu.memory_space<hbm>>) target(%dma_start3A_1260 : memref<128xf32, #tpu.memory_space<vmem>>) offsets(%dma_start3A_1263 : memref<128xi32, #tpu.memory_space<vmem>>) semaphore(%arg14 : memref<!tpu.dma_semaphore, #tpu.memory_space<semaphore_mem>>)
      %dma_start3A_1266 = arith.constant 6 : i32
      %dma_start3A_1267 = arith.constant 6 : i32
      %dma_start3A_1268 = arith.constant 0 : i32
      %dma_start3A_1269 = tpu.memref_slice %arg12[%dma_start3A_1267, %dma_start3A_1268] : memref<16x128xf32, #tpu.memory_space<vmem>> -> memref<1x128xf32, #tpu.memory_space<vmem>>
      %dma_start3A_1270 = tpu.memref_squeeze %dma_start3A_1269 : memref<1x128xf32, #tpu.memory_space<vmem>> -> memref<128xf32, #tpu.memory_space<vmem>>
      %dma_start3A_1271 = arith.constant 0 : i32
      %dma_start3A_1272 = tpu.memref_slice %arg8[%dma_start3A_1266, %dma_start3A_1271] : memref<16x128xi32, #tpu.memory_space<vmem>> -> memref<1x128xi32, #tpu.memory_space<vmem>>
      %dma_start3A_1273 = tpu.memref_squeeze %dma_start3A_1272 : memref<1x128xi32, #tpu.memory_space<vmem>> -> memref<128xi32, #tpu.memory_space<vmem>>
      %dma_start3A_1274 = arith.constant 0 : i32
      %dma_start3A_1275 = tpu.memref_slice %arg4[%dma_start3A_1274] : memref<1000000xf32, #tpu.memory_space<hbm>> -> memref<1000000xf32, #tpu.memory_space<hbm>>
      tpu.enqueue_indirect_dma source(%dma_start3A_1275 : memref<1000000xf32, #tpu.memory_space<hbm>>) target(%dma_start3A_1270 : memref<128xf32, #tpu.memory_space<vmem>>) offsets(%dma_start3A_1273 : memref<128xi32, #tpu.memory_space<vmem>>) semaphore(%arg14 : memref<!tpu.dma_semaphore, #tpu.memory_space<semaphore_mem>>)
      %dma_start3A_1276 = arith.constant 7 : i32
      %dma_start3A_1277 = arith.constant 7 : i32
      %dma_start3A_1278 = arith.constant 0 : i32
      %dma_start3A_1279 = tpu.memref_slice %arg10[%dma_start3A_1277, %dma_start3A_1278] : memref<16x128xf32, #tpu.memory_space<vmem>> -> memref<1x128xf32, #tpu.memory_space<vmem>>
      %dma_start3A_1280 = tpu.memref_squeeze %dma_start3A_1279 : memref<1x128xf32, #tpu.memory_space<vmem>> -> memref<128xf32, #tpu.memory_space<vmem>>
      %dma_start3A_1281 = arith.constant 0 : i32
      %dma_start3A_1282 = tpu.memref_slice %arg8[%dma_start3A_1276, %dma_start3A_1281] : memref<16x128xi32, #tpu.memory_space<vmem>> -> memref<1x128xi32, #tpu.memory_space<vmem>>
      %dma_start3A_1283 = tpu.memref_squeeze %dma_start3A_1282 : memref<1x128xi32, #tpu.memory_space<vmem>> -> memref<128xi32, #tpu.memory_space<vmem>>
      %dma_start3A_1284 = arith.constant 0 : i32
      %dma_start3A_1285 = tpu.memref_slice %arg3[%dma_start3A_1284] : memref<1000000xf32, #tpu.memory_space<hbm>> -> memref<1000000xf32, #tpu.memory_space<hbm>>
      tpu.enqueue_indirect_dma source(%dma_start3A_1285 : memref<1000000xf32, #tpu.memory_space<hbm>>) target(%dma_start3A_1280 : memref<128xf32, #tpu.memory_space<vmem>>) offsets(%dma_start3A_1283 : memref<128xi32, #tpu.memory_space<vmem>>) semaphore(%arg14 : memref<!tpu.dma_semaphore, #tpu.memory_space<semaphore_mem>>)
      %dma_start3A_1286 = arith.constant 7 : i32
      %dma_start3A_1287 = arith.constant 7 : i32
      %dma_start3A_1288 = arith.constant 0 : i32
      %dma_start3A_1289 = tpu.memref_slice %arg12[%dma_start3A_1287, %dma_start3A_1288] : memref<16x128xf32, #tpu.memory_space<vmem>> -> memref<1x128xf32, #tpu.memory_space<vmem>>
      %dma_start3A_1290 = tpu.memref_squeeze %dma_start3A_1289 : memref<1x128xf32, #tpu.memory_space<vmem>> -> memref<128xf32, #tpu.memory_space<vmem>>
      %dma_start3A_1291 = arith.constant 0 : i32
      %dma_start3A_1292 = tpu.memref_slice %arg8[%dma_start3A_1286, %dma_start3A_1291] : memref<16x128xi32, #tpu.memory_space<vmem>> -> memref<1x128xi32, #tpu.memory_space<vmem>>
      %dma_start3A_1293 = tpu.memref_squeeze %dma_start3A_1292 : memref<1x128xi32, #tpu.memory_space<vmem>> -> memref<128xi32, #tpu.memory_space<vmem>>
      %dma_start3A_1294 = arith.constant 0 : i32
      %dma_start3A_1295 = tpu.memref_slice %arg4[%dma_start3A_1294] : memref<1000000xf32, #tpu.memory_space<hbm>> -> memref<1000000xf32, #tpu.memory_space<hbm>>
      tpu.enqueue_indirect_dma source(%dma_start3A_1295 : memref<1000000xf32, #tpu.memory_space<hbm>>) target(%dma_start3A_1290 : memref<128xf32, #tpu.memory_space<vmem>>) offsets(%dma_start3A_1293 : memref<128xi32, #tpu.memory_space<vmem>>) semaphore(%arg14 : memref<!tpu.dma_semaphore, #tpu.memory_space<semaphore_mem>>)
      %dma_start3A_1296 = arith.constant 8 : i32
      %dma_start3A_1297 = arith.constant 8 : i32
      %dma_start3A_1298 = arith.constant 0 : i32
      %dma_start3A_1299 = tpu.memref_slice %arg10[%dma_start3A_1297, %dma_start3A_1298] : memref<16x128xf32, #tpu.memory_space<vmem>> -> memref<1x128xf32, #tpu.memory_space<vmem>>
      %dma_start3A_1300 = tpu.memref_squeeze %dma_start3A_1299 : memref<1x128xf32, #tpu.memory_space<vmem>> -> memref<128xf32, #tpu.memory_space<vmem>>
      %dma_start3A_1301 = arith.constant 0 : i32
      %dma_start3A_1302 = tpu.memref_slice %arg8[%dma_start3A_1296, %dma_start3A_1301] : memref<16x128xi32, #tpu.memory_space<vmem>> -> memref<1x128xi32, #tpu.memory_space<vmem>>
      %dma_start3A_1303 = tpu.memref_squeeze %dma_start3A_1302 : memref<1x128xi32, #tpu.memory_space<vmem>> -> memref<128xi32, #tpu.memory_space<vmem>>
      %dma_start3A_1304 = arith.constant 0 : i32
      %dma_start3A_1305 = tpu.memref_slice %arg3[%dma_start3A_1304] : memref<1000000xf32, #tpu.memory_space<hbm>> -> memref<1000000xf32, #tpu.memory_space<hbm>>
      tpu.enqueue_indirect_dma source(%dma_start3A_1305 : memref<1000000xf32, #tpu.memory_space<hbm>>) target(%dma_start3A_1300 : memref<128xf32, #tpu.memory_space<vmem>>) offsets(%dma_start3A_1303 : memref<128xi32, #tpu.memory_space<vmem>>) semaphore(%arg14 : memref<!tpu.dma_semaphore, #tpu.memory_space<semaphore_mem>>)
      %dma_start3A_1306 = arith.constant 8 : i32
      %dma_start3A_1307 = arith.constant 8 : i32
      %dma_start3A_1308 = arith.constant 0 : i32
      %dma_start3A_1309 = tpu.memref_slice %arg12[%dma_start3A_1307, %dma_start3A_1308] : memref<16x128xf32, #tpu.memory_space<vmem>> -> memref<1x128xf32, #tpu.memory_space<vmem>>
      %dma_start3A_1310 = tpu.memref_squeeze %dma_start3A_1309 : memref<1x128xf32, #tpu.memory_space<vmem>> -> memref<128xf32, #tpu.memory_space<vmem>>
      %dma_start3A_1311 = arith.constant 0 : i32
      %dma_start3A_1312 = tpu.memref_slice %arg8[%dma_start3A_1306, %dma_start3A_1311] : memref<16x128xi32, #tpu.memory_space<vmem>> -> memref<1x128xi32, #tpu.memory_space<vmem>>
      %dma_start3A_1313 = tpu.memref_squeeze %dma_start3A_1312 : memref<1x128xi32, #tpu.memory_space<vmem>> -> memref<128xi32, #tpu.memory_space<vmem>>
      %dma_start3A_1314 = arith.constant 0 : i32
      %dma_start3A_1315 = tpu.memref_slice %arg4[%dma_start3A_1314] : memref<1000000xf32, #tpu.memory_space<hbm>> -> memref<1000000xf32, #tpu.memory_space<hbm>>
      tpu.enqueue_indirect_dma source(%dma_start3A_1315 : memref<1000000xf32, #tpu.memory_space<hbm>>) target(%dma_start3A_1310 : memref<128xf32, #tpu.memory_space<vmem>>) offsets(%dma_start3A_1313 : memref<128xi32, #tpu.memory_space<vmem>>) semaphore(%arg14 : memref<!tpu.dma_semaphore, #tpu.memory_space<semaphore_mem>>)
      %dma_start3A_1316 = arith.constant 9 : i32
      %dma_start3A_1317 = arith.constant 9 : i32
      %dma_start3A_1318 = arith.constant 0 : i32
      %dma_start3A_1319 = tpu.memref_slice %arg10[%dma_start3A_1317, %dma_start3A_1318] : memref<16x128xf32, #tpu.memory_space<vmem>> -> memref<1x128xf32, #tpu.memory_space<vmem>>
      %dma_start3A_1320 = tpu.memref_squeeze %dma_start3A_1319 : memref<1x128xf32, #tpu.memory_space<vmem>> -> memref<128xf32, #tpu.memory_space<vmem>>
      %dma_start3A_1321 = arith.constant 0 : i32
      %dma_start3A_1322 = tpu.memref_slice %arg8[%dma_start3A_1316, %dma_start3A_1321] : memref<16x128xi32, #tpu.memory_space<vmem>> -> memref<1x128xi32, #tpu.memory_space<vmem>>
      %dma_start3A_1323 = tpu.memref_squeeze %dma_start3A_1322 : memref<1x128xi32, #tpu.memory_space<vmem>> -> memref<128xi32, #tpu.memory_space<vmem>>
      %dma_start3A_1324 = arith.constant 0 : i32
      %dma_start3A_1325 = tpu.memref_slice %arg3[%dma_start3A_1324] : memref<1000000xf32, #tpu.memory_space<hbm>> -> memref<1000000xf32, #tpu.memory_space<hbm>>
      tpu.enqueue_indirect_dma source(%dma_start3A_1325 : memref<1000000xf32, #tpu.memory_space<hbm>>) target(%dma_start3A_1320 : memref<128xf32, #tpu.memory_space<vmem>>) offsets(%dma_start3A_1323 : memref<128xi32, #tpu.memory_space<vmem>>) semaphore(%arg14 : memref<!tpu.dma_semaphore, #tpu.memory_space<semaphore_mem>>)
      %dma_start3A_1326 = arith.constant 9 : i32
      %dma_start3A_1327 = arith.constant 9 : i32
      %dma_start3A_1328 = arith.constant 0 : i32
      %dma_start3A_1329 = tpu.memref_slice %arg12[%dma_start3A_1327, %dma_start3A_1328] : memref<16x128xf32, #tpu.memory_space<vmem>> -> memref<1x128xf32, #tpu.memory_space<vmem>>
      %dma_start3A_1330 = tpu.memref_squeeze %dma_start3A_1329 : memref<1x128xf32, #tpu.memory_space<vmem>> -> memref<128xf32, #tpu.memory_space<vmem>>
      %dma_start3A_1331 = arith.constant 0 : i32
      %dma_start3A_1332 = tpu.memref_slice %arg8[%dma_start3A_1326, %dma_start3A_1331] : memref<16x128xi32, #tpu.memory_space<vmem>> -> memref<1x128xi32, #tpu.memory_space<vmem>>
      %dma_start3A_1333 = tpu.memref_squeeze %dma_start3A_1332 : memref<1x128xi32, #tpu.memory_space<vmem>> -> memref<128xi32, #tpu.memory_space<vmem>>
      %dma_start3A_1334 = arith.constant 0 : i32
      %dma_start3A_1335 = tpu.memref_slice %arg4[%dma_start3A_1334] : memref<1000000xf32, #tpu.memory_space<hbm>> -> memref<1000000xf32, #tpu.memory_space<hbm>>
      tpu.enqueue_indirect_dma source(%dma_start3A_1335 : memref<1000000xf32, #tpu.memory_space<hbm>>) target(%dma_start3A_1330 : memref<128xf32, #tpu.memory_space<vmem>>) offsets(%dma_start3A_1333 : memref<128xi32, #tpu.memory_space<vmem>>) semaphore(%arg14 : memref<!tpu.dma_semaphore, #tpu.memory_space<semaphore_mem>>)
      %dma_start3A_1336 = arith.constant 10 : i32
      %dma_start3A_1337 = arith.constant 10 : i32
      %dma_start3A_1338 = arith.constant 0 : i32
      %dma_start3A_1339 = tpu.memref_slice %arg10[%dma_start3A_1337, %dma_start3A_1338] : memref<16x128xf32, #tpu.memory_space<vmem>> -> memref<1x128xf32, #tpu.memory_space<vmem>>
      %dma_start3A_1340 = tpu.memref_squeeze %dma_start3A_1339 : memref<1x128xf32, #tpu.memory_space<vmem>> -> memref<128xf32, #tpu.memory_space<vmem>>
      %dma_start3A_1341 = arith.constant 0 : i32
      %dma_start3A_1342 = tpu.memref_slice %arg8[%dma_start3A_1336, %dma_start3A_1341] : memref<16x128xi32, #tpu.memory_space<vmem>> -> memref<1x128xi32, #tpu.memory_space<vmem>>
      %dma_start3A_1343 = tpu.memref_squeeze %dma_start3A_1342 : memref<1x128xi32, #tpu.memory_space<vmem>> -> memref<128xi32, #tpu.memory_space<vmem>>
      %dma_start3A_1344 = arith.constant 0 : i32
      %dma_start3A_1345 = tpu.memref_slice %arg3[%dma_start3A_1344] : memref<1000000xf32, #tpu.memory_space<hbm>> -> memref<1000000xf32, #tpu.memory_space<hbm>>
      tpu.enqueue_indirect_dma source(%dma_start3A_1345 : memref<1000000xf32, #tpu.memory_space<hbm>>) target(%dma_start3A_1340 : memref<128xf32, #tpu.memory_space<vmem>>) offsets(%dma_start3A_1343 : memref<128xi32, #tpu.memory_space<vmem>>) semaphore(%arg14 : memref<!tpu.dma_semaphore, #tpu.memory_space<semaphore_mem>>)
      %dma_start3A_1346 = arith.constant 10 : i32
      %dma_start3A_1347 = arith.constant 10 : i32
      %dma_start3A_1348 = arith.constant 0 : i32
      %dma_start3A_1349 = tpu.memref_slice %arg12[%dma_start3A_1347, %dma_start3A_1348] : memref<16x128xf32, #tpu.memory_space<vmem>> -> memref<1x128xf32, #tpu.memory_space<vmem>>
      %dma_start3A_1350 = tpu.memref_squeeze %dma_start3A_1349 : memref<1x128xf32, #tpu.memory_space<vmem>> -> memref<128xf32, #tpu.memory_space<vmem>>
      %dma_start3A_1351 = arith.constant 0 : i32
      %dma_start3A_1352 = tpu.memref_slice %arg8[%dma_start3A_1346, %dma_start3A_1351] : memref<16x128xi32, #tpu.memory_space<vmem>> -> memref<1x128xi32, #tpu.memory_space<vmem>>
      %dma_start3A_1353 = tpu.memref_squeeze %dma_start3A_1352 : memref<1x128xi32, #tpu.memory_space<vmem>> -> memref<128xi32, #tpu.memory_space<vmem>>
      %dma_start3A_1354 = arith.constant 0 : i32
      %dma_start3A_1355 = tpu.memref_slice %arg4[%dma_start3A_1354] : memref<1000000xf32, #tpu.memory_space<hbm>> -> memref<1000000xf32, #tpu.memory_space<hbm>>
      tpu.enqueue_indirect_dma source(%dma_start3A_1355 : memref<1000000xf32, #tpu.memory_space<hbm>>) target(%dma_start3A_1350 : memref<128xf32, #tpu.memory_space<vmem>>) offsets(%dma_start3A_1353 : memref<128xi32, #tpu.memory_space<vmem>>) semaphore(%arg14 : memref<!tpu.dma_semaphore, #tpu.memory_space<semaphore_mem>>)
      %dma_start3A_1356 = arith.constant 11 : i32
      %dma_start3A_1357 = arith.constant 11 : i32
      %dma_start3A_1358 = arith.constant 0 : i32
      %dma_start3A_1359 = tpu.memref_slice %arg10[%dma_start3A_1357, %dma_start3A_1358] : memref<16x128xf32, #tpu.memory_space<vmem>> -> memref<1x128xf32, #tpu.memory_space<vmem>>
      %dma_start3A_1360 = tpu.memref_squeeze %dma_start3A_1359 : memref<1x128xf32, #tpu.memory_space<vmem>> -> memref<128xf32, #tpu.memory_space<vmem>>
      %dma_start3A_1361 = arith.constant 0 : i32
      %dma_start3A_1362 = tpu.memref_slice %arg8[%dma_start3A_1356, %dma_start3A_1361] : memref<16x128xi32, #tpu.memory_space<vmem>> -> memref<1x128xi32, #tpu.memory_space<vmem>>
      %dma_start3A_1363 = tpu.memref_squeeze %dma_start3A_1362 : memref<1x128xi32, #tpu.memory_space<vmem>> -> memref<128xi32, #tpu.memory_space<vmem>>
      %dma_start3A_1364 = arith.constant 0 : i32
      %dma_start3A_1365 = tpu.memref_slice %arg3[%dma_start3A_1364] : memref<1000000xf32, #tpu.memory_space<hbm>> -> memref<1000000xf32, #tpu.memory_space<hbm>>
      tpu.enqueue_indirect_dma source(%dma_start3A_1365 : memref<1000000xf32, #tpu.memory_space<hbm>>) target(%dma_start3A_1360 : memref<128xf32, #tpu.memory_space<vmem>>) offsets(%dma_start3A_1363 : memref<128xi32, #tpu.memory_space<vmem>>) semaphore(%arg14 : memref<!tpu.dma_semaphore, #tpu.memory_space<semaphore_mem>>)
      %dma_start3A_1366 = arith.constant 11 : i32
      %dma_start3A_1367 = arith.constant 11 : i32
      %dma_start3A_1368 = arith.constant 0 : i32
      %dma_start3A_1369 = tpu.memref_slice %arg12[%dma_start3A_1367, %dma_start3A_1368] : memref<16x128xf32, #tpu.memory_space<vmem>> -> memref<1x128xf32, #tpu.memory_space<vmem>>
      %dma_start3A_1370 = tpu.memref_squeeze %dma_start3A_1369 : memref<1x128xf32, #tpu.memory_space<vmem>> -> memref<128xf32, #tpu.memory_space<vmem>>
      %dma_start3A_1371 = arith.constant 0 : i32
      %dma_start3A_1372 = tpu.memref_slice %arg8[%dma_start3A_1366, %dma_start3A_1371] : memref<16x128xi32, #tpu.memory_space<vmem>> -> memref<1x128xi32, #tpu.memory_space<vmem>>
      %dma_start3A_1373 = tpu.memref_squeeze %dma_start3A_1372 : memref<1x128xi32, #tpu.memory_space<vmem>> -> memref<128xi32, #tpu.memory_space<vmem>>
      %dma_start3A_1374 = arith.constant 0 : i32
      %dma_start3A_1375 = tpu.memref_slice %arg4[%dma_start3A_1374] : memref<1000000xf32, #tpu.memory_space<hbm>> -> memref<1000000xf32, #tpu.memory_space<hbm>>
      tpu.enqueue_indirect_dma source(%dma_start3A_1375 : memref<1000000xf32, #tpu.memory_space<hbm>>) target(%dma_start3A_1370 : memref<128xf32, #tpu.memory_space<vmem>>) offsets(%dma_start3A_1373 : memref<128xi32, #tpu.memory_space<vmem>>) semaphore(%arg14 : memref<!tpu.dma_semaphore, #tpu.memory_space<semaphore_mem>>)
      %dma_start3A_1376 = arith.constant 12 : i32
      %dma_start3A_1377 = arith.constant 12 : i32
      %dma_start3A_1378 = arith.constant 0 : i32
      %dma_start3A_1379 = tpu.memref_slice %arg10[%dma_start3A_1377, %dma_start3A_1378] : memref<16x128xf32, #tpu.memory_space<vmem>> -> memref<1x128xf32, #tpu.memory_space<vmem>>
      %dma_start3A_1380 = tpu.memref_squeeze %dma_start3A_1379 : memref<1x128xf32, #tpu.memory_space<vmem>> -> memref<128xf32, #tpu.memory_space<vmem>>
      %dma_start3A_1381 = arith.constant 0 : i32
      %dma_start3A_1382 = tpu.memref_slice %arg8[%dma_start3A_1376, %dma_start3A_1381] : memref<16x128xi32, #tpu.memory_space<vmem>> -> memref<1x128xi32, #tpu.memory_space<vmem>>
      %dma_start3A_1383 = tpu.memref_squeeze %dma_start3A_1382 : memref<1x128xi32, #tpu.memory_space<vmem>> -> memref<128xi32, #tpu.memory_space<vmem>>
      %dma_start3A_1384 = arith.constant 0 : i32
      %dma_start3A_1385 = tpu.memref_slice %arg3[%dma_start3A_1384] : memref<1000000xf32, #tpu.memory_space<hbm>> -> memref<1000000xf32, #tpu.memory_space<hbm>>
      tpu.enqueue_indirect_dma source(%dma_start3A_1385 : memref<1000000xf32, #tpu.memory_space<hbm>>) target(%dma_start3A_1380 : memref<128xf32, #tpu.memory_space<vmem>>) offsets(%dma_start3A_1383 : memref<128xi32, #tpu.memory_space<vmem>>) semaphore(%arg14 : memref<!tpu.dma_semaphore, #tpu.memory_space<semaphore_mem>>)
      %dma_start3A_1386 = arith.constant 12 : i32
      %dma_start3A_1387 = arith.constant 12 : i32
      %dma_start3A_1388 = arith.constant 0 : i32
      %dma_start3A_1389 = tpu.memref_slice %arg12[%dma_start3A_1387, %dma_start3A_1388] : memref<16x128xf32, #tpu.memory_space<vmem>> -> memref<1x128xf32, #tpu.memory_space<vmem>>
      %dma_start3A_1390 = tpu.memref_squeeze %dma_start3A_1389 : memref<1x128xf32, #tpu.memory_space<vmem>> -> memref<128xf32, #tpu.memory_space<vmem>>
      %dma_start3A_1391 = arith.constant 0 : i32
      %dma_start3A_1392 = tpu.memref_slice %arg8[%dma_start3A_1386, %dma_start3A_1391] : memref<16x128xi32, #tpu.memory_space<vmem>> -> memref<1x128xi32, #tpu.memory_space<vmem>>
      %dma_start3A_1393 = tpu.memref_squeeze %dma_start3A_1392 : memref<1x128xi32, #tpu.memory_space<vmem>> -> memref<128xi32, #tpu.memory_space<vmem>>
      %dma_start3A_1394 = arith.constant 0 : i32
      %dma_start3A_1395 = tpu.memref_slice %arg4[%dma_start3A_1394] : memref<1000000xf32, #tpu.memory_space<hbm>> -> memref<1000000xf32, #tpu.memory_space<hbm>>
      tpu.enqueue_indirect_dma source(%dma_start3A_1395 : memref<1000000xf32, #tpu.memory_space<hbm>>) target(%dma_start3A_1390 : memref<128xf32, #tpu.memory_space<vmem>>) offsets(%dma_start3A_1393 : memref<128xi32, #tpu.memory_space<vmem>>) semaphore(%arg14 : memref<!tpu.dma_semaphore, #tpu.memory_space<semaphore_mem>>)
      %dma_start3A_1396 = arith.constant 13 : i32
      %dma_start3A_1397 = arith.constant 13 : i32
      %dma_start3A_1398 = arith.constant 0 : i32
      %dma_start3A_1399 = tpu.memref_slice %arg10[%dma_start3A_1397, %dma_start3A_1398] : memref<16x128xf32, #tpu.memory_space<vmem>> -> memref<1x128xf32, #tpu.memory_space<vmem>>
      %dma_start3A_1400 = tpu.memref_squeeze %dma_start3A_1399 : memref<1x128xf32, #tpu.memory_space<vmem>> -> memref<128xf32, #tpu.memory_space<vmem>>
      %dma_start3A_1401 = arith.constant 0 : i32
      %dma_start3A_1402 = tpu.memref_slice %arg8[%dma_start3A_1396, %dma_start3A_1401] : memref<16x128xi32, #tpu.memory_space<vmem>> -> memref<1x128xi32, #tpu.memory_space<vmem>>
      %dma_start3A_1403 = tpu.memref_squeeze %dma_start3A_1402 : memref<1x128xi32, #tpu.memory_space<vmem>> -> memref<128xi32, #tpu.memory_space<vmem>>
      %dma_start3A_1404 = arith.constant 0 : i32
      %dma_start3A_1405 = tpu.memref_slice %arg3[%dma_start3A_1404] : memref<1000000xf32, #tpu.memory_space<hbm>> -> memref<1000000xf32, #tpu.memory_space<hbm>>
      tpu.enqueue_indirect_dma source(%dma_start3A_1405 : memref<1000000xf32, #tpu.memory_space<hbm>>) target(%dma_start3A_1400 : memref<128xf32, #tpu.memory_space<vmem>>) offsets(%dma_start3A_1403 : memref<128xi32, #tpu.memory_space<vmem>>) semaphore(%arg14 : memref<!tpu.dma_semaphore, #tpu.memory_space<semaphore_mem>>)
      %dma_start3A_1406 = arith.constant 13 : i32
      %dma_start3A_1407 = arith.constant 13 : i32
      %dma_start3A_1408 = arith.constant 0 : i32
      %dma_start3A_1409 = tpu.memref_slice %arg12[%dma_start3A_1407, %dma_start3A_1408] : memref<16x128xf32, #tpu.memory_space<vmem>> -> memref<1x128xf32, #tpu.memory_space<vmem>>
      %dma_start3A_1410 = tpu.memref_squeeze %dma_start3A_1409 : memref<1x128xf32, #tpu.memory_space<vmem>> -> memref<128xf32, #tpu.memory_space<vmem>>
      %dma_start3A_1411 = arith.constant 0 : i32
      %dma_start3A_1412 = tpu.memref_slice %arg8[%dma_start3A_1406, %dma_start3A_1411] : memref<16x128xi32, #tpu.memory_space<vmem>> -> memref<1x128xi32, #tpu.memory_space<vmem>>
      %dma_start3A_1413 = tpu.memref_squeeze %dma_start3A_1412 : memref<1x128xi32, #tpu.memory_space<vmem>> -> memref<128xi32, #tpu.memory_space<vmem>>
      %dma_start3A_1414 = arith.constant 0 : i32
      %dma_start3A_1415 = tpu.memref_slice %arg4[%dma_start3A_1414] : memref<1000000xf32, #tpu.memory_space<hbm>> -> memref<1000000xf32, #tpu.memory_space<hbm>>
      tpu.enqueue_indirect_dma source(%dma_start3A_1415 : memref<1000000xf32, #tpu.memory_space<hbm>>) target(%dma_start3A_1410 : memref<128xf32, #tpu.memory_space<vmem>>) offsets(%dma_start3A_1413 : memref<128xi32, #tpu.memory_space<vmem>>) semaphore(%arg14 : memref<!tpu.dma_semaphore, #tpu.memory_space<semaphore_mem>>)
      %dma_start3A_1416 = arith.constant 14 : i32
      %dma_start3A_1417 = arith.constant 14 : i32
      %dma_start3A_1418 = arith.constant 0 : i32
      %dma_start3A_1419 = tpu.memref_slice %arg10[%dma_start3A_1417, %dma_start3A_1418] : memref<16x128xf32, #tpu.memory_space<vmem>> -> memref<1x128xf32, #tpu.memory_space<vmem>>
      %dma_start3A_1420 = tpu.memref_squeeze %dma_start3A_1419 : memref<1x128xf32, #tpu.memory_space<vmem>> -> memref<128xf32, #tpu.memory_space<vmem>>
      %dma_start3A_1421 = arith.constant 0 : i32
      %dma_start3A_1422 = tpu.memref_slice %arg8[%dma_start3A_1416, %dma_start3A_1421] : memref<16x128xi32, #tpu.memory_space<vmem>> -> memref<1x128xi32, #tpu.memory_space<vmem>>
      %dma_start3A_1423 = tpu.memref_squeeze %dma_start3A_1422 : memref<1x128xi32, #tpu.memory_space<vmem>> -> memref<128xi32, #tpu.memory_space<vmem>>
      %dma_start3A_1424 = arith.constant 0 : i32
      %dma_start3A_1425 = tpu.memref_slice %arg3[%dma_start3A_1424] : memref<1000000xf32, #tpu.memory_space<hbm>> -> memref<1000000xf32, #tpu.memory_space<hbm>>
      tpu.enqueue_indirect_dma source(%dma_start3A_1425 : memref<1000000xf32, #tpu.memory_space<hbm>>) target(%dma_start3A_1420 : memref<128xf32, #tpu.memory_space<vmem>>) offsets(%dma_start3A_1423 : memref<128xi32, #tpu.memory_space<vmem>>) semaphore(%arg14 : memref<!tpu.dma_semaphore, #tpu.memory_space<semaphore_mem>>)
      %dma_start3A_1426 = arith.constant 14 : i32
      %dma_start3A_1427 = arith.constant 14 : i32
      %dma_start3A_1428 = arith.constant 0 : i32
      %dma_start3A_1429 = tpu.memref_slice %arg12[%dma_start3A_1427, %dma_start3A_1428] : memref<16x128xf32, #tpu.memory_space<vmem>> -> memref<1x128xf32, #tpu.memory_space<vmem>>
      %dma_start3A_1430 = tpu.memref_squeeze %dma_start3A_1429 : memref<1x128xf32, #tpu.memory_space<vmem>> -> memref<128xf32, #tpu.memory_space<vmem>>
      %dma_start3A_1431 = arith.constant 0 : i32
      %dma_start3A_1432 = tpu.memref_slice %arg8[%dma_start3A_1426, %dma_start3A_1431] : memref<16x128xi32, #tpu.memory_space<vmem>> -> memref<1x128xi32, #tpu.memory_space<vmem>>
      %dma_start3A_1433 = tpu.memref_squeeze %dma_start3A_1432 : memref<1x128xi32, #tpu.memory_space<vmem>> -> memref<128xi32, #tpu.memory_space<vmem>>
      %dma_start3A_1434 = arith.constant 0 : i32
      %dma_start3A_1435 = tpu.memref_slice %arg4[%dma_start3A_1434] : memref<1000000xf32, #tpu.memory_space<hbm>> -> memref<1000000xf32, #tpu.memory_space<hbm>>
      tpu.enqueue_indirect_dma source(%dma_start3A_1435 : memref<1000000xf32, #tpu.memory_space<hbm>>) target(%dma_start3A_1430 : memref<128xf32, #tpu.memory_space<vmem>>) offsets(%dma_start3A_1433 : memref<128xi32, #tpu.memory_space<vmem>>) semaphore(%arg14 : memref<!tpu.dma_semaphore, #tpu.memory_space<semaphore_mem>>)
      %dma_start3A_1436 = arith.constant 15 : i32
      %dma_start3A_1437 = arith.constant 15 : i32
      %dma_start3A_1438 = arith.constant 0 : i32
      %dma_start3A_1439 = tpu.memref_slice %arg10[%dma_start3A_1437, %dma_start3A_1438] : memref<16x128xf32, #tpu.memory_space<vmem>> -> memref<1x128xf32, #tpu.memory_space<vmem>>
      %dma_start3A_1440 = tpu.memref_squeeze %dma_start3A_1439 : memref<1x128xf32, #tpu.memory_space<vmem>> -> memref<128xf32, #tpu.memory_space<vmem>>
      %dma_start3A_1441 = arith.constant 0 : i32
      %dma_start3A_1442 = tpu.memref_slice %arg8[%dma_start3A_1436, %dma_start3A_1441] : memref<16x128xi32, #tpu.memory_space<vmem>> -> memref<1x128xi32, #tpu.memory_space<vmem>>
      %dma_start3A_1443 = tpu.memref_squeeze %dma_start3A_1442 : memref<1x128xi32, #tpu.memory_space<vmem>> -> memref<128xi32, #tpu.memory_space<vmem>>
      %dma_start3A_1444 = arith.constant 0 : i32
      %dma_start3A_1445 = tpu.memref_slice %arg3[%dma_start3A_1444] : memref<1000000xf32, #tpu.memory_space<hbm>> -> memref<1000000xf32, #tpu.memory_space<hbm>>
      tpu.enqueue_indirect_dma source(%dma_start3A_1445 : memref<1000000xf32, #tpu.memory_space<hbm>>) target(%dma_start3A_1440 : memref<128xf32, #tpu.memory_space<vmem>>) offsets(%dma_start3A_1443 : memref<128xi32, #tpu.memory_space<vmem>>) semaphore(%arg14 : memref<!tpu.dma_semaphore, #tpu.memory_space<semaphore_mem>>)
      %dma_start3A_1446 = arith.constant 15 : i32
      %dma_start3A_1447 = arith.constant 15 : i32
      %dma_start3A_1448 = arith.constant 0 : i32
      %dma_start3A_1449 = tpu.memref_slice %arg12[%dma_start3A_1447, %dma_start3A_1448] : memref<16x128xf32, #tpu.memory_space<vmem>> -> memref<1x128xf32, #tpu.memory_space<vmem>>
      %dma_start3A_1450 = tpu.memref_squeeze %dma_start3A_1449 : memref<1x128xf32, #tpu.memory_space<vmem>> -> memref<128xf32, #tpu.memory_space<vmem>>
      %dma_start3A_1451 = arith.constant 0 : i32
      %dma_start3A_1452 = tpu.memref_slice %arg8[%dma_start3A_1446, %dma_start3A_1451] : memref<16x128xi32, #tpu.memory_space<vmem>> -> memref<1x128xi32, #tpu.memory_space<vmem>>
      %dma_start3A_1453 = tpu.memref_squeeze %dma_start3A_1452 : memref<1x128xi32, #tpu.memory_space<vmem>> -> memref<128xi32, #tpu.memory_space<vmem>>
      %dma_start3A_1454 = arith.constant 0 : i32
      %dma_start3A_1455 = tpu.memref_slice %arg4[%dma_start3A_1454] : memref<1000000xf32, #tpu.memory_space<hbm>> -> memref<1000000xf32, #tpu.memory_space<hbm>>
      tpu.enqueue_indirect_dma source(%dma_start3A_1455 : memref<1000000xf32, #tpu.memory_space<hbm>>) target(%dma_start3A_1450 : memref<128xf32, #tpu.memory_space<vmem>>) offsets(%dma_start3A_1453 : memref<128xi32, #tpu.memory_space<vmem>>) semaphore(%arg14 : memref<!tpu.dma_semaphore, #tpu.memory_space<semaphore_mem>>)
      %dma_wait3A_1456 = arith.constant 0 : i32
      %dma_wait3A_1457 = arith.constant 0 : i32
      %dma_wait3A_1458 = tpu.memref_slice %arg5[%dma_wait3A_1456, %dma_wait3A_1457] : memref<25600x128xf32, #tpu.memory_space<hbm>> -> memref<16x128xf32, #tpu.memory_space<hbm>>
      %dma_wait3A_1459 = arith.constant 0 : i32
      %dma_wait3A_1460 = arith.constant 0 : i32
      %dma_wait3A_1461 = tpu.memref_slice %arg5[%dma_wait3A_1459, %dma_wait3A_1460] : memref<25600x128xf32, #tpu.memory_space<hbm>> -> memref<16x128xf32, #tpu.memory_space<hbm>>
      tpu.wait_dma2 semaphore(%arg13 : memref<!tpu.dma_semaphore, #tpu.memory_space<semaphore_mem>>) src(%dma_wait3A_1461 : memref<16x128xf32, #tpu.memory_space<hbm>>) dst(%arg9 : memref<16x128xf32, #tpu.memory_space<vmem>>)
      %dma_wait3A_1462 = arith.constant 0 : i32
      %dma_wait3A_1463 = arith.constant 0 : i32
      %dma_wait3A_1464 = tpu.memref_slice %arg6[%dma_wait3A_1462, %dma_wait3A_1463] : memref<25600x128xf32, #tpu.memory_space<hbm>> -> memref<16x128xf32, #tpu.memory_space<hbm>>
      %dma_wait3A_1465 = arith.constant 0 : i32
      %dma_wait3A_1466 = arith.constant 0 : i32
      %dma_wait3A_1467 = tpu.memref_slice %arg6[%dma_wait3A_1465, %dma_wait3A_1466] : memref<25600x128xf32, #tpu.memory_space<hbm>> -> memref<16x128xf32, #tpu.memory_space<hbm>>
      tpu.wait_dma2 semaphore(%arg13 : memref<!tpu.dma_semaphore, #tpu.memory_space<semaphore_mem>>) src(%dma_wait3A_1467 : memref<16x128xf32, #tpu.memory_space<hbm>>) dst(%arg11 : memref<16x128xf32, #tpu.memory_space<vmem>>)
      %mul3A_1468 = arith.constant 16 : i32
      %mul3A_1469 = arith.muli %add3A_1117, %mul3A_1468 : i32
      %add3A_1470 = arith.addi %mul3A_2, %mul3A_1469 : i32
      %dma_start3A_1471 = arith.constant 0 : i32
      %dma_start3A_1472 = tpu.memref_slice %arg5[%add3A_1470, %dma_start3A_1471] : memref<25600x128xf32, #tpu.memory_space<hbm>> -> memref<16x128xf32, #tpu.memory_space<hbm>>
      %dma_start3A_1473 = arith.constant 0 : i32
      %dma_start3A_1474 = tpu.memref_slice %arg5[%add3A_1470, %dma_start3A_1473] : memref<25600x128xf32, #tpu.memory_space<hbm>> -> memref<16x128xf32, #tpu.memory_space<hbm>>
      tpu.enqueue_dma source(%arg9 : memref<16x128xf32, #tpu.memory_space<vmem>>) target(%dma_start3A_1474 : memref<16x128xf32, #tpu.memory_space<hbm>>) target_semaphore(%arg15 : memref<!tpu.dma_semaphore, #tpu.memory_space<semaphore_mem>>)
      %dma_start3A_1475 = arith.constant 0 : i32
      %dma_start3A_1476 = tpu.memref_slice %arg6[%add3A_1470, %dma_start3A_1475] : memref<25600x128xf32, #tpu.memory_space<hbm>> -> memref<16x128xf32, #tpu.memory_space<hbm>>
      %dma_start3A_1477 = arith.constant 0 : i32
      %dma_start3A_1478 = tpu.memref_slice %arg6[%add3A_1470, %dma_start3A_1477] : memref<25600x128xf32, #tpu.memory_space<hbm>> -> memref<16x128xf32, #tpu.memory_space<hbm>>
      tpu.enqueue_dma source(%arg11 : memref<16x128xf32, #tpu.memory_space<vmem>>) target(%dma_start3A_1478 : memref<16x128xf32, #tpu.memory_space<hbm>>) target_semaphore(%arg15 : memref<!tpu.dma_semaphore, #tpu.memory_space<semaphore_mem>>)
      %add3A_1479 = arith.constant 2 : i32
      %add3A_1480 = arith.addi %add3A_1117, %add3A_1479 : i32
      %lt3A_1481 = arith.constant 50 : i32
      %lt3A_1482 = arith.cmpi slt, %add3A_1480, %lt3A_1481 : i32
      %convert_element_type3A_1483 = arith.extui %lt3A_1482 : i1 to i32
      %cond3A_1484 = arith.constant 0 : i32
      %cond3A_1485 = arith.cmpi ne, %convert_element_type3A_1483, %cond3A_1484 : i32
      scf.if %cond3A_1485 {
        %mul3A_1486 = arith.constant 16 : i32
        %mul3A_1487 = arith.muli %add3A_1480, %mul3A_1486 : i32
        %add3A_1488 = arith.addi %mul3A_2, %mul3A_1487 : i32
        %dma_start3A_1489 = arith.constant 0 : i32
        %dma_start3A_1490 = tpu.memref_slice %arg2[%add3A_1488, %dma_start3A_1489] : memref<25600x128xi32, #tpu.memory_space<hbm>> -> memref<16x128xi32, #tpu.memory_space<hbm>>
        %dma_start3A_1491 = arith.constant 0 : i32
        %dma_start3A_1492 = tpu.memref_slice %arg2[%add3A_1488, %dma_start3A_1491] : memref<25600x128xi32, #tpu.memory_space<hbm>> -> memref<16x128xi32, #tpu.memory_space<hbm>>
        tpu.enqueue_dma source(%dma_start3A_1492 : memref<16x128xi32, #tpu.memory_space<hbm>>) target(%arg7 : memref<16x128xi32, #tpu.memory_space<vmem>>) target_semaphore(%arg17 : memref<!tpu.dma_semaphore, #tpu.memory_space<semaphore_mem>>)
      } else {
      }
    }
    %scan3A_697 = arith.constant 24 : i32
    %dma_wait3A_698 = arith.constant 0 : i32
    %dma_wait3A_699 = arith.constant 0 : i32
    %dma_wait3A_700 = tpu.memref_slice %arg5[%dma_wait3A_698, %dma_wait3A_699] : memref<25600x128xf32, #tpu.memory_space<hbm>> -> memref<16x128xf32, #tpu.memory_space<hbm>>
    %dma_wait3A_701 = arith.constant 0 : i32
    %dma_wait3A_702 = arith.constant 0 : i32
    %dma_wait3A_703 = tpu.memref_slice %arg5[%dma_wait3A_701, %dma_wait3A_702] : memref<25600x128xf32, #tpu.memory_space<hbm>> -> memref<16x128xf32, #tpu.memory_space<hbm>>
    tpu.wait_dma2 semaphore(%arg14 : memref<!tpu.dma_semaphore, #tpu.memory_space<semaphore_mem>>) src(%dma_wait3A_703 : memref<16x128xf32, #tpu.memory_space<hbm>>) dst(%arg10 : memref<16x128xf32, #tpu.memory_space<vmem>>)
    %dma_wait3A_704 = arith.constant 0 : i32
    %dma_wait3A_705 = arith.constant 0 : i32
    %dma_wait3A_706 = tpu.memref_slice %arg6[%dma_wait3A_704, %dma_wait3A_705] : memref<25600x128xf32, #tpu.memory_space<hbm>> -> memref<16x128xf32, #tpu.memory_space<hbm>>
    %dma_wait3A_707 = arith.constant 0 : i32
    %dma_wait3A_708 = arith.constant 0 : i32
    %dma_wait3A_709 = tpu.memref_slice %arg6[%dma_wait3A_707, %dma_wait3A_708] : memref<25600x128xf32, #tpu.memory_space<hbm>> -> memref<16x128xf32, #tpu.memory_space<hbm>>
    tpu.wait_dma2 semaphore(%arg14 : memref<!tpu.dma_semaphore, #tpu.memory_space<semaphore_mem>>) src(%dma_wait3A_709 : memref<16x128xf32, #tpu.memory_space<hbm>>) dst(%arg12 : memref<16x128xf32, #tpu.memory_space<vmem>>)
    %add3A_710 = arith.constant 784 : i32
    %add3A_711 = arith.addi %mul3A_2, %add3A_710 : i32
    %dma_start3A_712 = arith.constant 0 : i32
    %dma_start3A_713 = tpu.memref_slice %arg5[%add3A_711, %dma_start3A_712] : memref<25600x128xf32, #tpu.memory_space<hbm>> -> memref<16x128xf32, #tpu.memory_space<hbm>>
    %dma_start3A_714 = arith.constant 0 : i32
    %dma_start3A_715 = tpu.memref_slice %arg5[%add3A_711, %dma_start3A_714] : memref<25600x128xf32, #tpu.memory_space<hbm>> -> memref<16x128xf32, #tpu.memory_space<hbm>>
    tpu.enqueue_dma source(%arg10 : memref<16x128xf32, #tpu.memory_space<vmem>>) target(%dma_start3A_715 : memref<16x128xf32, #tpu.memory_space<hbm>>) target_semaphore(%arg16 : memref<!tpu.dma_semaphore, #tpu.memory_space<semaphore_mem>>)
    %dma_start3A_716 = arith.constant 0 : i32
    %dma_start3A_717 = tpu.memref_slice %arg6[%add3A_711, %dma_start3A_716] : memref<25600x128xf32, #tpu.memory_space<hbm>> -> memref<16x128xf32, #tpu.memory_space<hbm>>
    %dma_start3A_718 = arith.constant 0 : i32
    %dma_start3A_719 = tpu.memref_slice %arg6[%add3A_711, %dma_start3A_718] : memref<25600x128xf32, #tpu.memory_space<hbm>> -> memref<16x128xf32, #tpu.memory_space<hbm>>
    tpu.enqueue_dma source(%arg12 : memref<16x128xf32, #tpu.memory_space<vmem>>) target(%dma_start3A_719 : memref<16x128xf32, #tpu.memory_space<hbm>>) target_semaphore(%arg16 : memref<!tpu.dma_semaphore, #tpu.memory_space<semaphore_mem>>)
    %dma_wait3A_720 = arith.constant 0 : i32
    %dma_wait3A_721 = arith.constant 0 : i32
    %dma_wait3A_722 = tpu.memref_slice %arg5[%dma_wait3A_720, %dma_wait3A_721] : memref<25600x128xf32, #tpu.memory_space<hbm>> -> memref<16x128xf32, #tpu.memory_space<hbm>>
    %dma_wait3A_723 = arith.constant 0 : i32
    %dma_wait3A_724 = arith.constant 0 : i32
    %dma_wait3A_725 = tpu.memref_slice %arg5[%dma_wait3A_723, %dma_wait3A_724] : memref<25600x128xf32, #tpu.memory_space<hbm>> -> memref<16x128xf32, #tpu.memory_space<hbm>>
    tpu.wait_dma2 semaphore(%arg15 : memref<!tpu.dma_semaphore, #tpu.memory_space<semaphore_mem>>) src(%arg9 : memref<16x128xf32, #tpu.memory_space<vmem>>) dst(%dma_wait3A_725 : memref<16x128xf32, #tpu.memory_space<hbm>>)
    %dma_wait3A_726 = arith.constant 0 : i32
    %dma_wait3A_727 = arith.constant 0 : i32
    %dma_wait3A_728 = tpu.memref_slice %arg6[%dma_wait3A_726, %dma_wait3A_727] : memref<25600x128xf32, #tpu.memory_space<hbm>> -> memref<16x128xf32, #tpu.memory_space<hbm>>
    %dma_wait3A_729 = arith.constant 0 : i32
    %dma_wait3A_730 = arith.constant 0 : i32
    %dma_wait3A_731 = tpu.memref_slice %arg6[%dma_wait3A_729, %dma_wait3A_730] : memref<25600x128xf32, #tpu.memory_space<hbm>> -> memref<16x128xf32, #tpu.memory_space<hbm>>
    tpu.wait_dma2 semaphore(%arg15 : memref<!tpu.dma_semaphore, #tpu.memory_space<semaphore_mem>>) src(%arg11 : memref<16x128xf32, #tpu.memory_space<vmem>>) dst(%dma_wait3A_731 : memref<16x128xf32, #tpu.memory_space<hbm>>)
    %dma_wait3A_732 = arith.constant 0 : i32
    %dma_wait3A_733 = arith.constant 0 : i32
    %dma_wait3A_734 = tpu.memref_slice %arg5[%dma_wait3A_732, %dma_wait3A_733] : memref<25600x128xf32, #tpu.memory_space<hbm>> -> memref<16x128xf32, #tpu.memory_space<hbm>>
    %dma_wait3A_735 = arith.constant 0 : i32
    %dma_wait3A_736 = arith.constant 0 : i32
    %dma_wait3A_737 = tpu.memref_slice %arg5[%dma_wait3A_735, %dma_wait3A_736] : memref<25600x128xf32, #tpu.memory_space<hbm>> -> memref<16x128xf32, #tpu.memory_space<hbm>>
    tpu.wait_dma2 semaphore(%arg16 : memref<!tpu.dma_semaphore, #tpu.memory_space<semaphore_mem>>) src(%arg10 : memref<16x128xf32, #tpu.memory_space<vmem>>) dst(%dma_wait3A_737 : memref<16x128xf32, #tpu.memory_space<hbm>>)
    %dma_wait3A_738 = arith.constant 0 : i32
    %dma_wait3A_739 = arith.constant 0 : i32
    %dma_wait3A_740 = tpu.memref_slice %arg6[%dma_wait3A_738, %dma_wait3A_739] : memref<25600x128xf32, #tpu.memory_space<hbm>> -> memref<16x128xf32, #tpu.memory_space<hbm>>
    %dma_wait3A_741 = arith.constant 0 : i32
    %dma_wait3A_742 = arith.constant 0 : i32
    %dma_wait3A_743 = tpu.memref_slice %arg6[%dma_wait3A_741, %dma_wait3A_742] : memref<25600x128xf32, #tpu.memory_space<hbm>> -> memref<16x128xf32, #tpu.memory_space<hbm>>
    tpu.wait_dma2 semaphore(%arg16 : memref<!tpu.dma_semaphore, #tpu.memory_space<semaphore_mem>>) src(%arg12 : memref<16x128xf32, #tpu.memory_space<vmem>>) dst(%dma_wait3A_743 : memref<16x128xf32, #tpu.memory_space<hbm>>)
    return
  }
}

</mosaic_0001>

<sc_bundles>
// kernel: kernel.3.cloned.1.call-start
scs
__scs_entry_jumppad:
0x0: {  	(pc) =	sbr.rel $0x88, $3  }
0x1: {  	(tag) =	ssettag $0x0;
	lr =	simm.s32 $0x1  }
0x2: {  	[smem:$0x3F9F] =	sst lr;
	_ =	strace $0xD0000000  }
0x3: {  	_ = 	snop  }
0x4: {  	_ = 	snop  }
0x5: {  	_ = 	snop  }
0x6: {  	_ = 	snop  }
0x7: {  	_ = 	snop  }
__scs_overlays_trampoline_lowered:
0x8: {  	[smem:$0x3FAE] =	sst s0  }
0x9: {  	[smem:$0x3FAF] =	sst s1  }
0xa: {  	[smem:$0x3FB0] =	sst s2  }
0xb: {  	[smem:$0x3FB1] =	sst s3  }
0xc: {  	[smem:$0x3FB2] =	sst s4  }
0xd: {  	[smem:$0x3FB3] =	sst s5  }
0xe: {  	[smem:$0x3FB4] =	sst s6  }
0xf: {  	[smem:$0x3FB5] =	sst s7  }
0x10: {  	[smem:$0x3FB6] =	sst s8  }
0x11: {  	[smem:$0x3FB7] =	sst s9;
	s0 =	simm.s32 @!p0 $0x0  }
0x12: {  	s1 =	sld [smem:$0x3F9D];
	s0 =	simm.s32 @p0 $0x1  }
0x13: {  	[smem:$0x3FB8] =	sst s0;
	s0 =	simm.s32 @!p1 $0x0  }
0x14: {  	s2 =	sld [smem:$0x3F9C];
	s0 =	simm.s32 @p1 $0x1  }
0x15: {  	[smem:$0x3FB9] =	sst s0;
	s0 =	simm.s32 @!p2 $0x0  }
0x16: {  	s3 =	sld [smem:$0x3FDB];
	s0 =	simm.s32 @p2 $0x1  }
0x17: {  	s4 =	simm.s32 $0x1BF5;
	[smem:$0x3FBB] =	sst s0  }
0x18: {  	s0 =	sld [smem:$0x3F9E];
	_ =	swait.ge [sflag:s4], $0x0  }
0x19: {  	s7 =	sld [smem:$0x3F9F]  }
0x1a: {  	s8 =	sadd.s32 $0xFFFFE003, lr  }
0x1b: {  	s9 =	sadd.s32 $0xFFFFFEF7, lr;
	s5 =	simm.s32 $0xFFFFFFFF;
	p2 =	slt.u32 s8, $0xFFFFF086  }
0x1c: {  	p1 =	slt.u32 s9, $0xF7A;
	s5 =	simm.s32 @!p2 $0x0  }
0x1d: {  	s5 =	simm.s32 @p1 $0x1;
	p0 =	seq.s32 s7, s2  }
0x1e: {  	s7 =	smul.u32 @!p0 $0xF7A, s2;
	p2 =	seq.s32 @!p0 s5, $0x0  }
0x1f: {  	s9 =	smul.u32 $0xF7A, s1;
	s8 =	simm.s32 @!p0 $0x1BF5;
	p2 =	por !p2, p0  }
0x20: {  	[sflag:s8] =	ssyncset.s32 @!p0 $0xFFFFF086;
	s6 =	sadd.s32 @!p0 s3, s7;
	s7 =	simm.s32 @!p0 $0x108  }
0x21: {  	s3 =	sadd.s32 s3, s9;
	s6 =	sadd.s32 @!p0 $0x88, s6;
	s7 =	simm.s32 @p2 $0x1082  }
0x22: {  	[simem:s7], [sflag:s8] =	dma.local @!p0 [hbm:s6], $0xF7A  }
0x23: {  	s9 =	sor.u32 $0xD0000000, s2;
	s6 =	simm.s32 $0x108;
	_ =	swait.ge @!p0 [sflag:s8], $0x0  }
0x24: {  	s3 =	sadd.s32 $0x88, s3;
	s6 =	simm.s32 @!p1 $0x1082;
	[sflag:s4] =	ssyncset.s32 $0xFFFFF086  }
0x25: {  	[simem:s6], [sflag:s4] =	dma.local [hbm:s3], $0xF7A  }
0x26: {  	[smem:$0x3F9F] =	sst s1;
	(tag) =	ssettag s2;
	_ =	strace s9  }
0x27: {  	s1 =	sld [smem:$0x3FAF]  }
0x28: {  	s2 =	sld [smem:$0x3FB0]  }
0x29: {  	s4 =	sld [smem:$0x3FB2]  }
0x2a: {  	p0 =	seq.s32 s5, $0x0;
	s5 =	sld [smem:$0x3FB3]  }
0x2b: {  	s6 =	sld [smem:$0x3FB4]  }
0x2c: {  	s7 =	sld [smem:$0x3FB5]  }
0x2d: {  	s3 =	simm.s32 $0x108;
	s8 =	sld [smem:$0x3FB6]  }
0x2e: {  	s3 =	simm.s32 @!p0 $0x1082;
	s9 =	sld [smem:$0x3FB7]  }
0x2f: {  	lr =	sadd.s32 s0, s3;
	s0 =	sld [smem:$0x3FAE]  }
0x30: {  	s3 =	sld [smem:$0x3FB1]  }
0x31: {  	[smem:$0x3FBA] =	sst s10  }
0x32: {  	s10 =	sld [smem:$0x3FB8];
	_ =	sdelay $0x3  }
0x33: {  	p0 =	seq.s32 s10, $0x1;
	s10 =	sld [smem:$0x3FBA];
	_ =	sdelay $0x3  }
0x34: {  	[smem:$0x3FBA] =	sst s10  }
0x35: {  	s10 =	sld [smem:$0x3FB9];
	_ =	sdelay $0x3  }
0x36: {  	p1 =	seq.s32 s10, $0x1;
	s10 =	sld [smem:$0x3FBA];
	_ =	sdelay $0x3  }
0x37: {  	[smem:$0x3FBA] =	sst s10  }
0x38: {  	s10 =	sld [smem:$0x3FBB]  }
0x39: {  	_ = 	snop;
	(pc) =	sbr.ind lr, $3  }
0x3a: {  	_ = 	snop  }
0x3b: {  	_ = 	snop  }
0x3c: {  	p2 =	seq.s32 s10, $0x1;
	s10 =	sld [smem:$0x3FBA]  }
0x3d: {  	_ =	shalt  }
0x3e: {  	_ =	shalt  }
0x3f: {  	_ =	shalt  }
0x40: {  	_ =	shalt  }
0x41: {  	_ =	shalt  }
0x42: {  	_ =	shalt  }
0x43: {  	_ =	shalt  }
0x44: {  	_ =	shalt  }
0x45: {  	_ =	shalt  }
0x46: {  	_ =	shalt  }
0x47: {  	_ =	shalt  }
0x48: {  	_ =	shalt  }
0x49: {  	_ =	shalt  }
0x4a: {  	_ =	shalt  }
0x4b: {  	_ =	shalt  }
0x4c: {  	_ =	shalt  }
0x4d: {  	_ =	shalt  }
0x4e: {  	_ =	shalt  }
0x4f: {  	_ =	shalt  }
0x50: {  	_ =	shalt  }
0x51: {  	_ =	shalt  }
0x52: {  	_ =	shalt  }
0x53: {  	_ =	shalt  }
0x54: {  	_ =	shalt  }
0x55: {  	_ =	shalt  }
0x56: {  	_ =	shalt  }
0x57: {  	_ =	shalt  }
0x58: {  	_ =	shalt  }
0x59: {  	_ =	shalt  }
0x5a: {  	_ =	shalt  }
0x5b: {  	_ =	shalt  }
0x5c: {  	_ =	shalt  }
0x5d: {  	_ =	shalt  }
0x5e: {  	_ =	shalt  }
0x5f: {  	_ =	shalt  }
0x60: {  	_ =	shalt  }
0x61: {  	_ =	shalt  }
0x62: {  	_ =	shalt  }
0x63: {  	_ =	shalt  }
0x64: {  	_ =	shalt  }
0x65: {  	_ =	shalt  }
0x66: {  	_ =	shalt  }
0x67: {  	_ =	shalt  }
0x68: {  	_ =	shalt  }
0x69: {  	_ =	shalt  }
0x6a: {  	_ =	shalt  }
0x6b: {  	_ =	shalt  }
0x6c: {  	_ =	shalt  }
0x6d: {  	_ =	shalt  }
0x6e: {  	_ =	shalt  }
0x6f: {  	_ =	shalt  }
0x70: {  	_ =	shalt  }
0x71: {  	_ =	shalt  }
0x72: {  	_ =	shalt  }
0x73: {  	_ =	shalt  }
0x74: {  	_ =	shalt  }
0x75: {  	_ =	shalt  }
0x76: {  	_ =	shalt  }
0x77: {  	_ =	shalt  }
0x78: {  	_ =	shalt  }
0x79: {  	_ =	shalt  }
0x7a: {  	_ =	shalt  }
0x7b: {  	_ =	shalt  }
0x7c: {  	_ =	shalt  }
0x7d: {  	_ =	shalt  }
0x7e: {  	_ =	shalt  }
0x7f: {  	_ =	shalt  }
0x80: {  	_ =	shalt  }
0x81: {  	_ =	shalt  }
0x82: {  	_ =	shalt  }
0x83: {  	_ =	shalt  }
0x84: {  	_ =	shalt  }
0x85: {  	_ =	shalt  }
0x86: {  	_ =	shalt  }
0x87: {  	_ =	shalt  }
.Lfunc_end0:
.L_simem_size_0:
called_computation_lowered:
.L_overlay_start_0:
0x88: {  	s2 =	sld [smem:$0x3FD9]  }
0x89: {  	s3 =	sld [smem:$0x3FFE];
	_ =	sdelay $0x1  }
0x8a: {  	s1 =	srdreg.scid  }
0x8b: {  	s0 =	sand.u32 $0x1, s1  }
0x8c: {  	s17 =	sshll.u32 s0, $0xA;
	s2 =	sadd.s32 s3, s2  }
0x8d: {  	s2 =	sadd.s32 s2, s17  }
0x8e: {  	[smem:$0x3FC6] =	sst s2  }
0x8f: {  	_ = 	snop  }
0x90: {  	s2 =	sld [smem:$0x3FD0];
	(tm) =	ssettm $0x1  }
0x91: {  	s18 =	sld [smem:$0x3FFB];
	_ =	sdelay $0x3  }
0x92: {  	_ =	strace s18  }
0x93: {  	s3 =	sld [smem:$0x3FFC];
	_ =	sdelay $0x3  }
0x94: {  	_ =	strace s3  }
0x95: {  	s3 =	sld [smem:$0x3FFD];
	_ =	sdelay $0x3  }
0x96: {  	_ =	strace s3  }
0x97: {  	_ =	strace $0x8FFFFFFF  }
0x98: {  	s19 =	sld [smem:$0x3FDB];
	_ =	sdelay $0x1  }
0x99: {  	s4 =	simm.s32 $_scs_section_size  }
0x9a: {  	s5 =	simm.s32 $_size__tile_overlayer_lowered;
	s6 =	simm.s32 $_tile_overlayer_lowered  }
0x9b: {  	s22 =	simm.s32 $0x1BFF;
	s21 =	sshll.u32 s6, $0x1;
	s3 =	sadd.s32 s4, s19  }
0x9c: {  	s7 =	simm.s32 $0x0;
	s20 =	sshll.u32 s5, $0x1;
	s5 =	sadd.s32 s21, s3  }
0x9d: {  	[timem:s7], [sflag:s22] =	dma.local [hbm:s5], s20  }
0x9e: {  	_ =	swait.ge [sflag:s22], s20  }
0x9f: {  	s4 =	ssub.s32 $0x0, s20;
	[sflag:s22] =	ssyncset.done $0x0  }
0xa0: {  	[sflag:s22] =	ssyncadd.s32 s4;
	_ =	sdelay $0x1  }
0xa1: {  	s23 =	simm.s32 $0x1B8B  }
0xa2: {  	_ =	swait.ge [sflag:s23], $0x1  }
0xa3: {  	[sflag:s23] =	ssyncset.done $0x0  }
0xa4: {  	s25 =	simm.s32 $0x1B8E;
	s24 =	sld [smem:$0x3FFE];
	[sflag:s23] =	ssyncadd.s32 $0xFFFFFFFF  }
0xa5: {  	s26 =	simm.s32 $execute0_lowered;
	[smem:$0x3FD2] =	sst s25  }
0xa6: {  	s5 =	sshll.u32 s26, $0x1;
	_ =	strace $0x80000046;
	[dreg:$0x1] =	wrdreg $0xFFFFFFFF  }
0xa7: {  	s28 =	simm.s32 $_size_execute0_lowered;
	s3 =	sadd.s32 s3, s5;
	[dreg:$0x0] =	wrdreg $0x0  }
0xa8: {  	s5 =	sshll.u32 s28, $0x1;
	[dreg:$0x2] =	wrdreg s3  }
0xa9: {  	[dreg:$0x3] =	wrdreg s5  }
0xaa: {  	[dreg:$0x4] =	wrdreg $0xC0  }
0xab: {  	_ =	task [dreg:s7], $0x5FFFF  }
0xac: {  	[dreg:$0x1] =	wrdreg $0xFFFFFFFF  }
0xad: {  	[dreg:$0x0] =	wrdreg $0x60  }
0xae: {  	[dreg:$0x2] =	wrdreg s2  }
0xaf: {  	[dreg:$0x3] =	wrdreg s24  }
0xb0: {  	[dreg:$0x4] =	wrdreg $0x9  }
0xb1: {  	_ =	task.clear_ibuf [dreg:s7], $0x5FFFF;
	_ =	strace $0x90000046  }
0xb2: {  	s29 =	simm.s32 $0x9;
	_ =	strace $0x80000048  }
0xb3: {  	_ =	swait.ge [sflag:s29], $0x1  }
0xb4: {  	[sflag:s29] =	ssyncadd.s32 $0xFFFFFFFF  }
0xb5: {  	_ =	strace $0x90000048  }
0xb6: {  	_ =	sfence  }
0xb7: {  	s30 =	sld [smem:$0x0];
	_ =	sdelay $0x2  }
0xb8: {  	s31 =	sshll.u32 s1, $0xD;
	s1 =	sshrl.u32 s1, $0x2  }
0xb9: {  	s3 =	sand.u32 $0x4000, s31;
	s1 =	sadd.s32 s1, s30  }
0xba: {  	s0 =	sor.u32 s3, s0;
	s1 =	sshll.u32 s1, $0x11  }
0xbb: {  	s0 =	sor.u32 s1, s0  }
0xbc: {  	s0 =	sadd.s32 $0x8F2B, s0  }
0xbd: {  	[sflag:s0] =	ssyncadd.remote.s32 $0x1  }
0xbe: {  	_ =	sfence.sel $0xFFFF  }
0xbf: {  	[dreg:$0x0] =	wrdreg $0xFFFFFFFF;
	(pc) =	sbr.abs _section_cstart, $3  }
0xc0: {  	[dreg:$0x1] =	wrdreg $0xFFFFFFFF  }
0xc1: {  	_ =	task.clear_ibuf [dreg:s7], $0x2FFFF;
	_ =	strace $0x9FFFFFFF  }
0xc2: {  	(tm) =	ssettm $0x7FFFFFFF  }
0xc3: {  	_ =	shalt  }
tec
execute0_lowered:
.L_overlay_start_1:
0x0: {  	(tag) =	ssettag $0x1  }
0x1: {  	s0 =	rddreg [dreg:$0x0]  }
0x2: {  	s1 =	rddreg [dreg:$0x1];
	s3 =	srdreg.scid  }
0x3: {  	s11 =	stileid.u32;
	s2 =	simm.s32 $0x0;
	s28 =	simm.s32 $0x800  }
0x4: {  	s29 =	simm.s32 $0x6;
	s13 =	simm.s32 $0xA00;
	s14 =	simm.s32 $0xA80  }
0x5: {  	s30 =	simm.s32 $0xD80;
	s31 =	simm.s32 $0x3;
	s5 =	sand.u32 $0x1, s3  }
0x6: {  	s16 =	sshll.u32 s11, $0x1;
	[smem:$0x7FF] =	sst s2;
	s19 =	smul.u32 $0x6400, s11  }
0x7: {  	s3 =	sadd.s32 $0x1EE00, s1;
	s4 =	sadd.s32 $0x400, s1;
	s11 =	smul.u32 $0x32000, s11  }
0x8: {  	s8 =	sadd.s32 $0x3D800, s1;
	s1 =	sadd.s32 $0xA1800, s1;
	s21 =	smul.u32 $0x19000, s5  }
0x9: {  	s6 =	sor.u32 s5, s16;
	s9 =	ssub.s32 $0x2, s5;
	s5 =	smul.u32 $0x3200, s5  }
0xa: {  	_ =	strace $0x80000047;
	s16 =	simm.s32 $0xB00;
	s7 =	smul.u32 $0x3200, s6  }
0xb: {  	s10 =	sshrl.u32 s9, $0x1;
	s6 =	smul.u32 $0x19000, s6;
	s24 =	sadd.s32 s19, s8  }
0xc: {  	s9 =	ssub.s32 s9, s10;
	s10 =	simm.s32 $0xF00;
	s12 =	sadd.s32 s0, s7  }
0xd: {  	s18 =	sadd.s32 s8, s7;
	s6 =	sshrl.u32 s6, $0x3;
	[dreg:$0x3] =	wrdreg s12  }
0xe: {  	s7 =	sadd.s32 s1, s7;
	s23 =	smax.u32 s9, $0x1;
	[dreg:$0x5] =	wrdreg s18  }
0xf: {  	s17 =	sadd.s32 $0x100, s12;
	[dreg:$0x6] =	wrdreg s7;
	s20 =	sadd.s32 s0, s6  }
0x10: {  	s6 =	sadd.s32 $0x3100, s6;
	[dreg:$0xa] =	wrdreg s23;
	s18 =	simm.s32 $0x80  }
0x11: {  	s12 =	simm.s32 $0x1800;
	s23 =	simm.s32 $0xC80;
	[dreg:$0x4] =	wrdreg s17  }
0x12: {  	s7 =	sadd.s32 $0x200, s20;
	s22 =	sadd.s32 s8, s6;
	s6 =	sadd.s32 s1, s6  }
0x13: {  	s1 =	sadd.s32 s19, s1;
	s17 =	simm.s32 $0x5;
	[dreg:$0x7] =	wrdreg s7  }
0x14: {  	s19 =	simm.s32 $0xB80;
	s20 =	simm.s32 $0xC00;
	[dreg:$0x8] =	wrdreg s22  }
0x15: {  	s8 =	simm.s32 $0xE80;
	[dreg:$0x9] =	wrdreg s6;
	s7 =	sadd.s32 s21, s11  }
0x16: {  	s6 =	sadd.s32 s5, s24;
	s1 =	sadd.s32 s5, s1;
	s22 =	simm.s32 $0x2800  }
0x17: {  	s21 =	simm.s32 $0xF80;
	s11 =	simm.s32 $0x4;
	s5 =	simm.s32 $0x0  }
.Ltmp0:
0x18: {  	[dreg:$0xb] =	wrdreg s6;
	s25 =	sadd.s32 $0x2000, s7;
	(pc) =	sbr.rel .LBB2_1-.Ltmp0, $4  }
0x19: {  	s7 =	sadd.s32 $0x1800, s7;
	[dreg:$0xc] =	wrdreg s1;
	s6 =	sshrl.u32 s25, $0x3  }
0x1a: {  	s1 =	simm.s32 $0xE00;
	s7 =	sshrl.u32 s7, $0x3;
	s26 =	sadd.s32 s6, s0  }
0x1b: {  	s25 =	simm.s32 $0x1;
	s0 =	sadd.s32 s7, s0;
	[dreg:$0xd] =	wrdreg s26  }
0x1c: {  	s7 =	simm.s32 $0x2;
	[dreg:$0xe] =	wrdreg s0;
	s26 =	simm.s32 $0xD00  }
.LBB2_4:
0x1d: {  	_ =	swait.ge [sflag:s7], $0x800  }
0x1e: {  	[sflag:s7] =	ssyncset.done $0x0  }
0x1f: {  	[sflag:s7] =	ssyncadd.s32 $0xFFFFF800  }
0x20: {  	_ =	swait.ge [sflag:s7], $0x800  }
0x21: {  	[sflag:s7] =	ssyncset.done $0x0  }
0x22: {  	s12 =	simm.s32 $0x1800;
	s0 =	rddreg [dreg:$0x8];
	[sflag:s7] =	ssyncadd.s32 $0xFFFFF800  }
0x23: {  	[hbm4b:s0+s2] =	stream.linear.scatter [tilespmem:s12], [sflag:$0x4], $0x800, $0x38;
	[tilespmem:$0x3000] =	vst v63  }
0x24: {  	s22 =	simm.s32 $0x2800;
	s15 =	rddreg [dreg:$0x9]  }
0x25: {  	[hbm4b:s15+s2] =	stream.linear.scatter [tilespmem:s22], [sflag:$0x4], $0x800, $0x38;
	[tilespmem:$0x3000] =	vst v63  }
0x26: {  	_ =	swait.ge [sflag:s31], $0x800  }
0x27: {  	[sflag:s31] =	ssyncset.done $0x0  }
0x28: {  	[sflag:s31] =	ssyncadd.s32 $0xFFFFF800  }
0x29: {  	_ =	swait.ge [sflag:s31], $0x800  }
0x2a: {  	[sflag:s31] =	ssyncset.done $0x0  }
0x2b: {  	[sflag:s31] =	ssyncadd.s32 $0xFFFFF800  }
0x2c: {  	_ =	swait.ge [sflag:s11], $0x800  }
0x2d: {  	[sflag:s11] =	ssyncset.done $0x0  }
0x2e: {  	[sflag:s11] =	ssyncadd.s32 $0xFFFFF800  }
0x2f: {  	_ =	swait.ge [sflag:s11], $0x800  }
0x30: {  	s5 =	rddreg [dreg:$0xf]  }
0x31: {  	s24 =	rddreg [dreg:$0xa];
	s5 =	sadd.s32 $0x1, s5  }
0x32: {  	p0 =	sne.s32 s5, s24  }
.Ltmp1:
0x33: {  	_ = 	snop;
	(pc) =	sbr.rel @!p0 .LBB2_5-.Ltmp1, $3  }
0x34: {  	_ =	sdelay $0x1  }
0x35: {  	[sflag:s11] =	ssyncset.done $0x0  }
0x36: {  	[sflag:s11] =	ssyncadd.s32 $0xFFFFF800  }
.LBB2_1:
0x37: {  	[dreg:$0xf] =	wrdreg s5  }
0x38: {  	s0 =	rddreg [dreg:$0x3]  }
0x39: {  	[tilespmem:s2], [sflag:$0x5] =	stream.linear.gather [hbm4b:s0+s2], $0x800, $0x38;
	[tilespmem:$0x3000] =	vst v63  }
0x3a: {  	_ =	swait.ge [sflag:s17], $0x800  }
0x3b: {  	[sflag:s17] =	ssyncset.done $0x0  }
0x3c: {  	s5 =	simm.s32 $0x1000;
	[sflag:s17] =	ssyncadd.s32 $0xFFFFF800  }
0x3d: {  	[tilespmem:s5], [sflag:$0x1] =	stream.indirect.gather [hbm4b:s3+s18], $0x1, s2, s18, $0xb8;
	[tilespmem:$0x3000] =	vst v63  }
0x3e: {  	s6 =	simm.s32 $0x2000  }
0x3f: {  	[tilespmem:s6], [sflag:$0x1] =	stream.indirect.gather [hbm4b:s4+s18], $0x1, s2, s18, $0xb8;
	[tilespmem:$0x3000] =	vst v63  }
0x40: {  	s24 =	simm.s32 $0x1080  }
0x41: {  	[tilespmem:s24], [sflag:$0x1] =	stream.indirect.gather [hbm4b:s3+s18], $0x1, s18, s18, $0xb8;
	[tilespmem:$0x3000] =	vst v63  }
0x42: {  	s9 =	simm.s32 $0x2080  }
0x43: {  	[tilespmem:s9], [sflag:$0x1] =	stream.indirect.gather [hbm4b:s4+s18], $0x1, s18, s18, $0xb8;
	[tilespmem:$0x3000] =	vst v63  }
0x44: {  	s15 =	simm.s32 $0x100;
	s9 =	simm.s32 $0x1100  }
0x45: {  	[tilespmem:s9], [sflag:$0x1] =	stream.indirect.gather [hbm4b:s3+s18], $0x1, s15, s18, $0xb8;
	[tilespmem:$0x3000] =	vst v63  }
0x46: {  	s24 =	simm.s32 $0x2100  }
0x47: {  	[tilespmem:s24], [sflag:$0x1] =	stream.indirect.gather [hbm4b:s4+s18], $0x1, s15, s18, $0xb8;
	[tilespmem:$0x3000] =	vst v63  }
0x48: {  	s0 =	simm.s32 $0x180;
	s15 =	simm.s32 $0x1180  }
0x49: {  	[tilespmem:s15], [sflag:$0x1] =	stream.indirect.gather [hbm4b:s3+s18], $0x1, s0, s18, $0xb8;
	[tilespmem:$0x3000] =	vst v63  }
0x4a: {  	s24 =	simm.s32 $0x2180  }
0x4b: {  	[tilespmem:s24], [sflag:$0x1] =	stream.indirect.gather [hbm4b:s4+s18], $0x1, s0, s18, $0xb8;
	[tilespmem:$0x3000] =	vst v63  }
0x4c: {  	s15 =	simm.s32 $0x1200;
	s0 =	simm.s32 $0x200  }
0x4d: {  	[tilespmem:s15], [sflag:$0x1] =	stream.indirect.gather [hbm4b:s3+s18], $0x1, s0, s18, $0xb8;
	[tilespmem:$0x3000] =	vst v63  }
0x4e: {  	s24 =	simm.s32 $0x2200  }
0x4f: {  	[tilespmem:s24], [sflag:$0x1] =	stream.indirect.gather [hbm4b:s4+s18], $0x1, s0, s18, $0xb8;
	[tilespmem:$0x3000] =	vst v63  }
0x50: {  	s15 =	simm.s32 $0x1280;
	s0 =	simm.s32 $0x280  }
0x51: {  	[tilespmem:s15], [sflag:$0x1] =	stream.indirect.gather [hbm4b:s3+s18], $0x1, s0, s18, $0xb8;
	[tilespmem:$0x3000] =	vst v63  }
0x52: {  	s24 =	simm.s32 $0x2280  }
0x53: {  	[tilespmem:s24], [sflag:$0x1] =	stream.indirect.gather [hbm4b:s4+s18], $0x1, s0, s18, $0xb8;
	[tilespmem:$0x3000] =	vst v63  }
0x54: {  	s15 =	simm.s32 $0x1300;
	s0 =	simm.s32 $0x300  }
0x55: {  	[tilespmem:s15], [sflag:$0x1] =	stream.indirect.gather [hbm4b:s3+s18], $0x1, s0, s18, $0xb8;
	[tilespmem:$0x3000] =	vst v63  }
0x56: {  	s24 =	simm.s32 $0x2300  }
0x57: {  	[tilespmem:s24], [sflag:$0x1] =	stream.indirect.gather [hbm4b:s4+s18], $0x1, s0, s18, $0xb8;
	[tilespmem:$0x3000] =	vst v63  }
0x58: {  	s15 =	simm.s32 $0x1380;
	s0 =	simm.s32 $0x380  }
0x59: {  	[tilespmem:s15], [sflag:$0x1] =	stream.indirect.gather [hbm4b:s3+s18], $0x1, s0, s18, $0xb8;
	[tilespmem:$0x3000] =	vst v63  }
0x5a: {  	s24 =	simm.s32 $0x2380  }
0x5b: {  	[tilespmem:s24], [sflag:$0x1] =	stream.indirect.gather [hbm4b:s4+s18], $0x1, s0, s18, $0xb8;
	[tilespmem:$0x3000] =	vst v63  }
0x5c: {  	s15 =	simm.s32 $0x1400;
	s0 =	simm.s32 $0x400  }
0x5d: {  	[tilespmem:s15], [sflag:$0x1] =	stream.indirect.gather [hbm4b:s3+s18], $0x1, s0, s18, $0xb8;
	[tilespmem:$0x3000] =	vst v63  }
0x5e: {  	s24 =	simm.s32 $0x2400  }
0x5f: {  	[tilespmem:s24], [sflag:$0x1] =	stream.indirect.gather [hbm4b:s4+s18], $0x1, s0, s18, $0xb8;
	[tilespmem:$0x3000] =	vst v63  }
0x60: {  	s15 =	simm.s32 $0x1480;
	s0 =	simm.s32 $0x480  }
0x61: {  	[tilespmem:s15], [sflag:$0x1] =	stream.indirect.gather [hbm4b:s3+s18], $0x1, s0, s18, $0xb8;
	[tilespmem:$0x3000] =	vst v63  }
0x62: {  	s24 =	simm.s32 $0x2480  }
0x63: {  	[tilespmem:s24], [sflag:$0x1] =	stream.indirect.gather [hbm4b:s4+s18], $0x1, s0, s18, $0xb8;
	[tilespmem:$0x3000] =	vst v63  }
0x64: {  	s15 =	simm.s32 $0x1500;
	s0 =	simm.s32 $0x500  }
0x65: {  	[tilespmem:s15], [sflag:$0x1] =	stream.indirect.gather [hbm4b:s3+s18], $0x1, s0, s18, $0xb8;
	[tilespmem:$0x3000] =	vst v63  }
0x66: {  	s24 =	simm.s32 $0x2500  }
0x67: {  	[tilespmem:s24], [sflag:$0x1] =	stream.indirect.gather [hbm4b:s4+s18], $0x1, s0, s18, $0xb8;
	[tilespmem:$0x3000] =	vst v63  }
0x68: {  	s15 =	simm.s32 $0x1580;
	s0 =	simm.s32 $0x580  }
0x69: {  	[tilespmem:s15], [sflag:$0x1] =	stream.indirect.gather [hbm4b:s3+s18], $0x1, s0, s18, $0xb8;
	[tilespmem:$0x3000] =	vst v63  }
0x6a: {  	s24 =	simm.s32 $0x2580  }
0x6b: {  	[tilespmem:s24], [sflag:$0x1] =	stream.indirect.gather [hbm4b:s4+s18], $0x1, s0, s18, $0xb8;
	[tilespmem:$0x3000] =	vst v63  }
0x6c: {  	s15 =	simm.s32 $0x1600;
	s0 =	simm.s32 $0x600  }
0x6d: {  	[tilespmem:s15], [sflag:$0x1] =	stream.indirect.gather [hbm4b:s3+s18], $0x1, s0, s18, $0xb8;
	[tilespmem:$0x3000] =	vst v63  }
0x6e: {  	s24 =	simm.s32 $0x2600  }
0x6f: {  	[tilespmem:s24], [sflag:$0x1] =	stream.indirect.gather [hbm4b:s4+s18], $0x1, s0, s18, $0xb8;
	[tilespmem:$0x3000] =	vst v63  }
0x70: {  	s15 =	simm.s32 $0x1680;
	s0 =	simm.s32 $0x680  }
0x71: {  	[tilespmem:s15], [sflag:$0x1] =	stream.indirect.gather [hbm4b:s3+s18], $0x1, s0, s18, $0xb8;
	[tilespmem:$0x3000] =	vst v63  }
0x72: {  	s24 =	simm.s32 $0x2680  }
0x73: {  	[tilespmem:s24], [sflag:$0x1] =	stream.indirect.gather [hbm4b:s4+s18], $0x1, s0, s18, $0xb8;
	[tilespmem:$0x3000] =	vst v63  }
0x74: {  	s15 =	simm.s32 $0x1700;
	s0 =	simm.s32 $0x700  }
0x75: {  	[tilespmem:s15], [sflag:$0x1] =	stream.indirect.gather [hbm4b:s3+s18], $0x1, s0, s18, $0xb8;
	[tilespmem:$0x3000] =	vst v63  }
0x76: {  	s24 =	simm.s32 $0x2700  }
0x77: {  	[tilespmem:s24], [sflag:$0x1] =	stream.indirect.gather [hbm4b:s4+s18], $0x1, s0, s18, $0xb8;
	[tilespmem:$0x3000] =	vst v63  }
0x78: {  	s15 =	simm.s32 $0x1780;
	s0 =	simm.s32 $0x780  }
0x79: {  	[tilespmem:s15], [sflag:$0x1] =	stream.indirect.gather [hbm4b:s3+s18], $0x1, s0, s18, $0xb8;
	[tilespmem:$0x3000] =	vst v63  }
0x7a: {  	s24 =	simm.s32 $0x2780  }
0x7b: {  	[tilespmem:s24], [sflag:$0x1] =	stream.indirect.gather [hbm4b:s4+s18], $0x1, s0, s18, $0xb8;
	[tilespmem:$0x3000] =	vst v63  }
0x7c: {  	s9 =	rddreg [dreg:$0x4]  }
0x7d: {  	[tilespmem:s28], [sflag:$0x6] =	stream.linear.gather [hbm4b:s9+s2], $0x800, $0x38;
	[tilespmem:$0x3000] =	vst v63  }
0x7e: {  	_ =	swait.ge [sflag:s29], $0x800  }
0x7f: {  	[sflag:s29] =	ssyncset.done $0x0  }
0x80: {  	[sflag:s29] =	ssyncadd.s32 $0xFFFFF800  }
0x81: {  	[tilespmem:s12], [sflag:$0x2] =	stream.indirect.gather [hbm4b:s3+s18], $0x1, s28, s18, $0xb8;
	[tilespmem:$0x3000] =	vst v63  }
0x82: {  	_ = 	snop  }
0x83: {  	[tilespmem:s22], [sflag:$0x2] =	stream.indirect.gather [hbm4b:s4+s18], $0x1, s28, s18, $0xb8;
	[tilespmem:$0x3000] =	vst v63  }
0x84: {  	s15 =	simm.s32 $0x880;
	s22 =	simm.s32 $0x1880  }
0x85: {  	[tilespmem:s22], [sflag:$0x2] =	stream.indirect.gather [hbm4b:s3+s18], $0x1, s15, s18, $0xb8;
	[tilespmem:$0x3000] =	vst v63  }
0x86: {  	s24 =	simm.s32 $0x2880  }
0x87: {  	[tilespmem:s24], [sflag:$0x2] =	stream.indirect.gather [hbm4b:s4+s18], $0x1, s15, s18, $0xb8;
	[tilespmem:$0x3000] =	vst v63  }
0x88: {  	s12 =	simm.s32 $0x900;
	s15 =	simm.s32 $0x1900  }
0x89: {  	[tilespmem:s15], [sflag:$0x2] =	stream.indirect.gather [hbm4b:s3+s18], $0x1, s12, s18, $0xb8;
	[tilespmem:$0x3000] =	vst v63  }
0x8a: {  	s22 =	simm.s32 $0x2900  }
0x8b: {  	[tilespmem:s22], [sflag:$0x2] =	stream.indirect.gather [hbm4b:s4+s18], $0x1, s12, s18, $0xb8;
	[tilespmem:$0x3000] =	vst v63  }
0x8c: {  	s24 =	simm.s32 $0x980;
	s12 =	simm.s32 $0x1980  }
0x8d: {  	[tilespmem:s12], [sflag:$0x2] =	stream.indirect.gather [hbm4b:s3+s18], $0x1, s24, s18, $0xb8;
	[tilespmem:$0x3000] =	vst v63  }
0x8e: {  	s15 =	simm.s32 $0x2980  }
0x8f: {  	[tilespmem:s15], [sflag:$0x2] =	stream.indirect.gather [hbm4b:s4+s18], $0x1, s24, s18, $0xb8;
	[tilespmem:$0x3000] =	vst v63  }
0x90: {  	s22 =	simm.s32 $0x1A00  }
0x91: {  	[tilespmem:s22], [sflag:$0x2] =	stream.indirect.gather [hbm4b:s3+s18], $0x1, s13, s18, $0xb8;
	[tilespmem:$0x3000] =	vst v63  }
0x92: {  	s24 =	simm.s32 $0x2A00  }
0x93: {  	[tilespmem:s24], [sflag:$0x2] =	stream.indirect.gather [hbm4b:s4+s18], $0x1, s13, s18, $0xb8;
	[tilespmem:$0x3000] =	vst v63  }
0x94: {  	s9 =	simm.s32 $0x1A80  }
0x95: {  	[tilespmem:s9], [sflag:$0x2] =	stream.indirect.gather [hbm4b:s3+s18], $0x1, s14, s18, $0xb8;
	[tilespmem:$0x3000] =	vst v63  }
0x96: {  	s12 =	simm.s32 $0x2A80  }
0x97: {  	[tilespmem:s12], [sflag:$0x2] =	stream.indirect.gather [hbm4b:s4+s18], $0x1, s14, s18, $0xb8;
	[tilespmem:$0x3000] =	vst v63  }
0x98: {  	s15 =	simm.s32 $0x1B00  }
0x99: {  	[tilespmem:s15], [sflag:$0x2] =	stream.indirect.gather [hbm4b:s3+s18], $0x1, s16, s18, $0xb8;
	[tilespmem:$0x3000] =	vst v63  }
0x9a: {  	s22 =	simm.s32 $0x2B00  }
0x9b: {  	[tilespmem:s22], [sflag:$0x2] =	stream.indirect.gather [hbm4b:s4+s18], $0x1, s16, s18, $0xb8;
	[tilespmem:$0x3000] =	vst v63  }
0x9c: {  	s24 =	simm.s32 $0x1B80  }
0x9d: {  	[tilespmem:s24], [sflag:$0x2] =	stream.indirect.gather [hbm4b:s3+s18], $0x1, s19, s18, $0xb8;
	[tilespmem:$0x3000] =	vst v63  }
0x9e: {  	s9 =	simm.s32 $0x2B80  }
0x9f: {  	[tilespmem:s9], [sflag:$0x2] =	stream.indirect.gather [hbm4b:s4+s18], $0x1, s19, s18, $0xb8;
	[tilespmem:$0x3000] =	vst v63  }
0xa0: {  	s12 =	simm.s32 $0x1C00  }
0xa1: {  	[tilespmem:s12], [sflag:$0x2] =	stream.indirect.gather [hbm4b:s3+s18], $0x1, s20, s18, $0xb8;
	[tilespmem:$0x3000] =	vst v63  }
0xa2: {  	s15 =	simm.s32 $0x2C00  }
0xa3: {  	[tilespmem:s15], [sflag:$0x2] =	stream.indirect.gather [hbm4b:s4+s18], $0x1, s20, s18, $0xb8;
	[tilespmem:$0x3000] =	vst v63  }
0xa4: {  	s22 =	simm.s32 $0x1C80  }
0xa5: {  	[tilespmem:s22], [sflag:$0x2] =	stream.indirect.gather [hbm4b:s3+s18], $0x1, s23, s18, $0xb8;
	[tilespmem:$0x3000] =	vst v63  }
0xa6: {  	s24 =	simm.s32 $0x2C80  }
0xa7: {  	[tilespmem:s24], [sflag:$0x2] =	stream.indirect.gather [hbm4b:s4+s18], $0x1, s23, s18, $0xb8;
	[tilespmem:$0x3000] =	vst v63  }
0xa8: {  	s9 =	simm.s32 $0x1D00  }
0xa9: {  	[tilespmem:s9], [sflag:$0x2] =	stream.indirect.gather [hbm4b:s3+s18], $0x1, s26, s18, $0xb8;
	[tilespmem:$0x3000] =	vst v63  }
0xaa: {  	s12 =	simm.s32 $0x2D00  }
0xab: {  	[tilespmem:s12], [sflag:$0x2] =	stream.indirect.gather [hbm4b:s4+s18], $0x1, s26, s18, $0xb8;
	[tilespmem:$0x3000] =	vst v63  }
0xac: {  	s15 =	simm.s32 $0x1D80  }
0xad: {  	[tilespmem:s15], [sflag:$0x2] =	stream.indirect.gather [hbm4b:s3+s18], $0x1, s30, s18, $0xb8;
	[tilespmem:$0x3000] =	vst v63  }
0xae: {  	s22 =	simm.s32 $0x2D80  }
0xaf: {  	[tilespmem:s22], [sflag:$0x2] =	stream.indirect.gather [hbm4b:s4+s18], $0x1, s30, s18, $0xb8;
	[tilespmem:$0x3000] =	vst v63  }
0xb0: {  	s24 =	simm.s32 $0x1E00  }
0xb1: {  	[tilespmem:s24], [sflag:$0x2] =	stream.indirect.gather [hbm4b:s3+s18], $0x1, s1, s18, $0xb8;
	[tilespmem:$0x3000] =	vst v63  }
0xb2: {  	s9 =	simm.s32 $0x2E00  }
0xb3: {  	[tilespmem:s9], [sflag:$0x2] =	stream.indirect.gather [hbm4b:s4+s18], $0x1, s1, s18, $0xb8;
	[tilespmem:$0x3000] =	vst v63  }
0xb4: {  	s12 =	simm.s32 $0x1E80  }
0xb5: {  	[tilespmem:s12], [sflag:$0x2] =	stream.indirect.gather [hbm4b:s3+s18], $0x1, s8, s18, $0xb8;
	[tilespmem:$0x3000] =	vst v63  }
0xb6: {  	s15 =	simm.s32 $0x2E80  }
0xb7: {  	[tilespmem:s15], [sflag:$0x2] =	stream.indirect.gather [hbm4b:s4+s18], $0x1, s8, s18, $0xb8;
	[tilespmem:$0x3000] =	vst v63  }
0xb8: {  	s22 =	simm.s32 $0x1F00  }
0xb9: {  	[tilespmem:s22], [sflag:$0x2] =	stream.indirect.gather [hbm4b:s3+s18], $0x1, s10, s18, $0xb8;
	[tilespmem:$0x3000] =	vst v63  }
0xba: {  	s24 =	simm.s32 $0x2F00  }
0xbb: {  	[tilespmem:s24], [sflag:$0x2] =	stream.indirect.gather [hbm4b:s4+s18], $0x1, s10, s18, $0xb8;
	[tilespmem:$0x3000] =	vst v63  }
0xbc: {  	s9 =	simm.s32 $0x1F80  }
0xbd: {  	[tilespmem:s9], [sflag:$0x2] =	stream.indirect.gather [hbm4b:s3+s18], $0x1, s21, s18, $0xb8;
	[tilespmem:$0x3000] =	vst v63  }
0xbe: {  	s12 =	simm.s32 $0x2F80  }
0xbf: {  	[tilespmem:s12], [sflag:$0x2] =	stream.indirect.gather [hbm4b:s4+s18], $0x1, s21, s18, $0xb8;
	[tilespmem:$0x3000] =	vst v63  }
0xc0: {  	_ =	swait.ge [sflag:s25], $0x800  }
0xc1: {  	[sflag:s25] =	ssyncset.done $0x0  }
0xc2: {  	[sflag:s25] =	ssyncadd.s32 $0xFFFFF800  }
0xc3: {  	_ =	swait.ge [sflag:s25], $0x800  }
0xc4: {  	[sflag:s25] =	ssyncset.done $0x0  }
0xc5: {  	s15 =	rddreg [dreg:$0x5];
	[sflag:s25] =	ssyncadd.s32 $0xFFFFF800  }
0xc6: {  	[hbm4b:s15+s2] =	stream.linear.scatter [tilespmem:s5], [sflag:$0x3], $0x800, $0x38;
	[tilespmem:$0x3000] =	vst v63  }
0xc7: {  	s22 =	rddreg [dreg:$0x6]  }
0xc8: {  	[hbm4b:s22+s2] =	stream.linear.scatter [tilespmem:s6], [sflag:$0x3], $0x800, $0x38;
	[tilespmem:$0x3000] =	vst v63  }
0xc9: {  	s24 =	rddreg [dreg:$0x7]  }
0xca: {  	[tilespmem:s2], [sflag:$0x5] =	stream.linear.gather [hbm4b:s24+s2], $0x800, $0x38;
	[tilespmem:$0x3000] =	vst v63  }
0xcb: {  	s24 =	simm.s32 $0x0  }
.LBB2_2:
0xcc: {  	_ =	swait.ge [sflag:s31], $0x800  }
0xcd: {  	[sflag:s31] =	ssyncset.done $0x0  }
0xce: {  	[sflag:s31] =	ssyncadd.s32 $0xFFFFF800  }
0xcf: {  	_ =	swait.ge [sflag:s31], $0x800  }
0xd0: {  	[sflag:s31] =	ssyncset.done $0x0  }
0xd1: {  	[sflag:s31] =	ssyncadd.s32 $0xFFFFF800  }
0xd2: {  	_ =	swait.ge [sflag:s17], $0x800  }
0xd3: {  	[sflag:s17] =	ssyncset.done $0x0  }
0xd4: {  	s9 =	simm.s32 $0x1000;
	[sflag:s17] =	ssyncadd.s32 $0xFFFFF800  }
0xd5: {  	[tilespmem:s9], [sflag:$0x1] =	stream.indirect.gather [hbm4b:s3+s18], $0x1, s2, s18, $0xb8;
	[tilespmem:$0x3000] =	vst v63  }
0xd6: {  	s12 =	simm.s32 $0x2000  }
0xd7: {  	[tilespmem:s12], [sflag:$0x1] =	stream.indirect.gather [hbm4b:s4+s18], $0x1, s2, s18, $0xb8;
	[tilespmem:$0x3000] =	vst v63  }
0xd8: {  	s0 =	simm.s32 $0x1080  }
0xd9: {  	[tilespmem:s0], [sflag:$0x1] =	stream.indirect.gather [hbm4b:s3+s18], $0x1, s18, s18, $0xb8;
	[tilespmem:$0x3000] =	vst v63  }
0xda: {  	s6 =	simm.s32 $0x2080  }
0xdb: {  	[tilespmem:s6], [sflag:$0x1] =	stream.indirect.gather [hbm4b:s4+s18], $0x1, s18, s18, $0xb8;
	[tilespmem:$0x3000] =	vst v63  }
0xdc: {  	s15 =	simm.s32 $0x100;
	s5 =	simm.s32 $0x1100  }
0xdd: {  	[tilespmem:s5], [sflag:$0x1] =	stream.indirect.gather [hbm4b:s3+s18], $0x1, s15, s18, $0xb8;
	[tilespmem:$0x3000] =	vst v63  }
0xde: {  	s22 =	simm.s32 $0x2100  }
0xdf: {  	[tilespmem:s22], [sflag:$0x1] =	stream.indirect.gather [hbm4b:s4+s18], $0x1, s15, s18, $0xb8;
	[tilespmem:$0x3000] =	vst v63  }
0xe0: {  	s6 =	simm.s32 $0x180;
	s15 =	simm.s32 $0x1180  }
0xe1: {  	[tilespmem:s15], [sflag:$0x1] =	stream.indirect.gather [hbm4b:s3+s18], $0x1, s6, s18, $0xb8;
	[tilespmem:$0x3000] =	vst v63  }
0xe2: {  	s22 =	simm.s32 $0x2180  }
0xe3: {  	[tilespmem:s22], [sflag:$0x1] =	stream.indirect.gather [hbm4b:s4+s18], $0x1, s6, s18, $0xb8;
	[tilespmem:$0x3000] =	vst v63  }
0xe4: {  	s15 =	simm.s32 $0x1200;
	s6 =	simm.s32 $0x200  }
0xe5: {  	[tilespmem:s15], [sflag:$0x1] =	stream.indirect.gather [hbm4b:s3+s18], $0x1, s6, s18, $0xb8;
	[tilespmem:$0x3000] =	vst v63  }
0xe6: {  	s22 =	simm.s32 $0x2200  }
0xe7: {  	[tilespmem:s22], [sflag:$0x1] =	stream.indirect.gather [hbm4b:s4+s18], $0x1, s6, s18, $0xb8;
	[tilespmem:$0x3000] =	vst v63  }
0xe8: {  	s15 =	simm.s32 $0x1280;
	s6 =	simm.s32 $0x280  }
0xe9: {  	[tilespmem:s15], [sflag:$0x1] =	stream.indirect.gather [hbm4b:s3+s18], $0x1, s6, s18, $0xb8;
	[tilespmem:$0x3000] =	vst v63  }
0xea: {  	s22 =	simm.s32 $0x2280  }
0xeb: {  	[tilespmem:s22], [sflag:$0x1] =	stream.indirect.gather [hbm4b:s4+s18], $0x1, s6, s18, $0xb8;
	[tilespmem:$0x3000] =	vst v63  }
0xec: {  	s15 =	simm.s32 $0x1300;
	s6 =	simm.s32 $0x300  }
0xed: {  	[tilespmem:s15], [sflag:$0x1] =	stream.indirect.gather [hbm4b:s3+s18], $0x1, s6, s18, $0xb8;
	[tilespmem:$0x3000] =	vst v63  }
0xee: {  	s22 =	simm.s32 $0x2300  }
0xef: {  	[tilespmem:s22], [sflag:$0x1] =	stream.indirect.gather [hbm4b:s4+s18], $0x1, s6, s18, $0xb8;
	[tilespmem:$0x3000] =	vst v63  }
0xf0: {  	s15 =	simm.s32 $0x1380;
	s6 =	simm.s32 $0x380  }
0xf1: {  	[tilespmem:s15], [sflag:$0x1] =	stream.indirect.gather [hbm4b:s3+s18], $0x1, s6, s18, $0xb8;
	[tilespmem:$0x3000] =	vst v63  }
0xf2: {  	s22 =	simm.s32 $0x2380  }
0xf3: {  	[tilespmem:s22], [sflag:$0x1] =	stream.indirect.gather [hbm4b:s4+s18], $0x1, s6, s18, $0xb8;
	[tilespmem:$0x3000] =	vst v63  }
0xf4: {  	s15 =	simm.s32 $0x1400;
	s6 =	simm.s32 $0x400  }
0xf5: {  	[tilespmem:s15], [sflag:$0x1] =	stream.indirect.gather [hbm4b:s3+s18], $0x1, s6, s18, $0xb8;
	[tilespmem:$0x3000] =	vst v63  }
0xf6: {  	s22 =	simm.s32 $0x2400  }
0xf7: {  	[tilespmem:s22], [sflag:$0x1] =	stream.indirect.gather [hbm4b:s4+s18], $0x1, s6, s18, $0xb8;
	[tilespmem:$0x3000] =	vst v63  }
0xf8: {  	s15 =	simm.s32 $0x1480;
	s6 =	simm.s32 $0x480  }
0xf9: {  	[tilespmem:s15], [sflag:$0x1] =	stream.indirect.gather [hbm4b:s3+s18], $0x1, s6, s18, $0xb8;
	[tilespmem:$0x3000] =	vst v63  }
0xfa: {  	s22 =	simm.s32 $0x2480  }
0xfb: {  	[tilespmem:s22], [sflag:$0x1] =	stream.indirect.gather [hbm4b:s4+s18], $0x1, s6, s18, $0xb8;
	[tilespmem:$0x3000] =	vst v63  }
0xfc: {  	s15 =	simm.s32 $0x1500;
	s6 =	simm.s32 $0x500  }
0xfd: {  	[tilespmem:s15], [sflag:$0x1] =	stream.indirect.gather [hbm4b:s3+s18], $0x1, s6, s18, $0xb8;
	[tilespmem:$0x3000] =	vst v63  }
0xfe: {  	s22 =	simm.s32 $0x2500  }
0xff: {  	[tilespmem:s22], [sflag:$0x1] =	stream.indirect.gather [hbm4b:s4+s18], $0x1, s6, s18, $0xb8;
	[tilespmem:$0x3000] =	vst v63  }
0x100: {  	s15 =	simm.s32 $0x1580;
	s6 =	simm.s32 $0x580  }
0x101: {  	[tilespmem:s15], [sflag:$0x1] =	stream.indirect.gather [hbm4b:s3+s18], $0x1, s6, s18, $0xb8;
	[tilespmem:$0x3000] =	vst v63  }
0x102: {  	s22 =	simm.s32 $0x2580  }
0x103: {  	[tilespmem:s22], [sflag:$0x1] =	stream.indirect.gather [hbm4b:s4+s18], $0x1, s6, s18, $0xb8;
	[tilespmem:$0x3000] =	vst v63  }
0x104: {  	s15 =	simm.s32 $0x1600;
	s6 =	simm.s32 $0x600  }
0x105: {  	[tilespmem:s15], [sflag:$0x1] =	stream.indirect.gather [hbm4b:s3+s18], $0x1, s6, s18, $0xb8;
	[tilespmem:$0x3000] =	vst v63  }
0x106: {  	s22 =	simm.s32 $0x2600  }
0x107: {  	[tilespmem:s22], [sflag:$0x1] =	stream.indirect.gather [hbm4b:s4+s18], $0x1, s6, s18, $0xb8;
	[tilespmem:$0x3000] =	vst v63  }
0x108: {  	s15 =	simm.s32 $0x1680;
	s6 =	simm.s32 $0x680  }
0x109: {  	[tilespmem:s15], [sflag:$0x1] =	stream.indirect.gather [hbm4b:s3+s18], $0x1, s6, s18, $0xb8;
	[tilespmem:$0x3000] =	vst v63  }
0x10a: {  	s22 =	simm.s32 $0x2680  }
0x10b: {  	[tilespmem:s22], [sflag:$0x1] =	stream.indirect.gather [hbm4b:s4+s18], $0x1, s6, s18, $0xb8;
	[tilespmem:$0x3000] =	vst v63  }
0x10c: {  	s15 =	simm.s32 $0x1700;
	s6 =	simm.s32 $0x700  }
0x10d: {  	[tilespmem:s15], [sflag:$0x1] =	stream.indirect.gather [hbm4b:s3+s18], $0x1, s6, s18, $0xb8;
	[tilespmem:$0x3000] =	vst v63  }
0x10e: {  	s22 =	simm.s32 $0x2700  }
0x10f: {  	[tilespmem:s22], [sflag:$0x1] =	stream.indirect.gather [hbm4b:s4+s18], $0x1, s6, s18, $0xb8;
	[tilespmem:$0x3000] =	vst v63  }
0x110: {  	s15 =	simm.s32 $0x1780;
	s6 =	simm.s32 $0x780  }
0x111: {  	[tilespmem:s15], [sflag:$0x1] =	stream.indirect.gather [hbm4b:s3+s18], $0x1, s6, s18, $0xb8;
	[tilespmem:$0x3000] =	vst v63  }
0x112: {  	s22 =	simm.s32 $0x2780  }
0x113: {  	[tilespmem:s22], [sflag:$0x1] =	stream.indirect.gather [hbm4b:s4+s18], $0x1, s6, s18, $0xb8;
	[tilespmem:$0x3000] =	vst v63  }
0x114: {  	_ =	swait.ge [sflag:s7], $0x800  }
0x115: {  	[sflag:s7] =	ssyncset.done $0x0  }
0x116: {  	[sflag:s7] =	ssyncadd.s32 $0xFFFFF800  }
0x117: {  	_ =	swait.ge [sflag:s7], $0x800  }
0x118: {  	s22 =	simm.s32 $0x1800;
	s5 =	rddreg [dreg:$0xb]  }
0x119: {  	[sflag:s7] =	ssyncset.done $0x0;
	s15 =	rddreg [dreg:$0xc];
	s0 =	sadd.s32 s24, s5  }
0x11a: {  	[sflag:s7] =	ssyncadd.s32 $0xFFFFF800;
	s5 =	sadd.s32 s24, s15;
	s6 =	sadd.s32 $0x100, s0  }
0x11b: {  	[hbm4b:s6+s2] =	stream.linear.scatter [tilespmem:s22], [sflag:$0x4], $0x800, $0x38;
	[tilespmem:$0x3000] =	vst v63  }
0x11c: {  	s15 =	simm.s32 $0x2800;
	s6 =	sadd.s32 $0x100, s5  }
0x11d: {  	[hbm4b:s6+s2] =	stream.linear.scatter [tilespmem:s15], [sflag:$0x4], $0x800, $0x38;
	[tilespmem:$0x3000] =	vst v63  }
0x11e: {  	s6 =	rddreg [dreg:$0xe]  }
0x11f: {  	s6 =	sadd.s32 s24, s6  }
0x120: {  	[tilespmem:s28], [sflag:$0x6] =	stream.linear.gather [hbm4b:s6+s2], $0x800, $0x38;
	[tilespmem:$0x3000] =	vst v63  }
0x121: {  	_ =	swait.ge [sflag:s11], $0x800  }
0x122: {  	[sflag:s11] =	ssyncset.done $0x0  }
0x123: {  	[sflag:s11] =	ssyncadd.s32 $0xFFFFF800  }
0x124: {  	_ =	swait.ge [sflag:s11], $0x800  }
0x125: {  	[sflag:s11] =	ssyncset.done $0x0  }
0x126: {  	[sflag:s11] =	ssyncadd.s32 $0xFFFFF800  }
0x127: {  	_ =	swait.ge [sflag:s29], $0x800  }
0x128: {  	[sflag:s29] =	ssyncset.done $0x0  }
0x129: {  	[sflag:s29] =	ssyncadd.s32 $0xFFFFF800  }
0x12a: {  	[tilespmem:s22], [sflag:$0x2] =	stream.indirect.gather [hbm4b:s3+s18], $0x1, s28, s18, $0xb8;
	[tilespmem:$0x3000] =	vst v63  }
0x12b: {  	_ = 	snop  }
0x12c: {  	[tilespmem:s15], [sflag:$0x2] =	stream.indirect.gather [hbm4b:s4+s18], $0x1, s28, s18, $0xb8;
	[tilespmem:$0x3000] =	vst v63  }
0x12d: {  	s6 =	simm.s32 $0x880;
	s22 =	simm.s32 $0x1880  }
0x12e: {  	[tilespmem:s22], [sflag:$0x2] =	stream.indirect.gather [hbm4b:s3+s18], $0x1, s6, s18, $0xb8;
	[tilespmem:$0x3000] =	vst v63  }
0x12f: {  	s22 =	simm.s32 $0x2880  }
0x130: {  	[tilespmem:s22], [sflag:$0x2] =	stream.indirect.gather [hbm4b:s4+s18], $0x1, s6, s18, $0xb8;
	[tilespmem:$0x3000] =	vst v63  }
0x131: {  	s6 =	simm.s32 $0x900;
	s22 =	simm.s32 $0x1900  }
0x132: {  	[tilespmem:s22], [sflag:$0x2] =	stream.indirect.gather [hbm4b:s3+s18], $0x1, s6, s18, $0xb8;
	[tilespmem:$0x3000] =	vst v63  }
0x133: {  	s22 =	simm.s32 $0x2900  }
0x134: {  	[tilespmem:s22], [sflag:$0x2] =	stream.indirect.gather [hbm4b:s4+s18], $0x1, s6, s18, $0xb8;
	[tilespmem:$0x3000] =	vst v63  }
0x135: {  	s6 =	simm.s32 $0x980;
	s22 =	simm.s32 $0x1980  }
0x136: {  	[tilespmem:s22], [sflag:$0x2] =	stream.indirect.gather [hbm4b:s3+s18], $0x1, s6, s18, $0xb8;
	[tilespmem:$0x3000] =	vst v63  }
0x137: {  	s22 =	simm.s32 $0x2980  }
0x138: {  	[tilespmem:s22], [sflag:$0x2] =	stream.indirect.gather [hbm4b:s4+s18], $0x1, s6, s18, $0xb8;
	[tilespmem:$0x3000] =	vst v63  }
0x139: {  	s22 =	simm.s32 $0x1A00  }
0x13a: {  	[tilespmem:s22], [sflag:$0x2] =	stream.indirect.gather [hbm4b:s3+s18], $0x1, s13, s18, $0xb8;
	[tilespmem:$0x3000] =	vst v63  }
0x13b: {  	s15 =	simm.s32 $0x2A00  }
0x13c: {  	[tilespmem:s15], [sflag:$0x2] =	stream.indirect.gather [hbm4b:s4+s18], $0x1, s13, s18, $0xb8;
	[tilespmem:$0x3000] =	vst v63  }
0x13d: {  	s22 =	simm.s32 $0x1A80  }
0x13e: {  	[tilespmem:s22], [sflag:$0x2] =	stream.indirect.gather [hbm4b:s3+s18], $0x1, s14, s18, $0xb8;
	[tilespmem:$0x3000] =	vst v63  }
0x13f: {  	s15 =	simm.s32 $0x2A80  }
0x140: {  	[tilespmem:s15], [sflag:$0x2] =	stream.indirect.gather [hbm4b:s4+s18], $0x1, s14, s18, $0xb8;
	[tilespmem:$0x3000] =	vst v63  }
0x141: {  	s22 =	simm.s32 $0x1B00  }
0x142: {  	[tilespmem:s22], [sflag:$0x2] =	stream.indirect.gather [hbm4b:s3+s18], $0x1, s16, s18, $0xb8;
	[tilespmem:$0x3000] =	vst v63  }
0x143: {  	s15 =	simm.s32 $0x2B00  }
0x144: {  	[tilespmem:s15], [sflag:$0x2] =	stream.indirect.gather [hbm4b:s4+s18], $0x1, s16, s18, $0xb8;
	[tilespmem:$0x3000] =	vst v63  }
0x145: {  	s22 =	simm.s32 $0x1B80  }
0x146: {  	[tilespmem:s22], [sflag:$0x2] =	stream.indirect.gather [hbm4b:s3+s18], $0x1, s19, s18, $0xb8;
	[tilespmem:$0x3000] =	vst v63  }
0x147: {  	s15 =	simm.s32 $0x2B80  }
0x148: {  	[tilespmem:s15], [sflag:$0x2] =	stream.indirect.gather [hbm4b:s4+s18], $0x1, s19, s18, $0xb8;
	[tilespmem:$0x3000] =	vst v63  }
0x149: {  	s22 =	simm.s32 $0x1C00  }
0x14a: {  	[tilespmem:s22], [sflag:$0x2] =	stream.indirect.gather [hbm4b:s3+s18], $0x1, s20, s18, $0xb8;
	[tilespmem:$0x3000] =	vst v63  }
0x14b: {  	s15 =	simm.s32 $0x2C00  }
0x14c: {  	[tilespmem:s15], [sflag:$0x2] =	stream.indirect.gather [hbm4b:s4+s18], $0x1, s20, s18, $0xb8;
	[tilespmem:$0x3000] =	vst v63  }
0x14d: {  	s22 =	simm.s32 $0x1C80  }
0x14e: {  	[tilespmem:s22], [sflag:$0x2] =	stream.indirect.gather [hbm4b:s3+s18], $0x1, s23, s18, $0xb8;
	[tilespmem:$0x3000] =	vst v63  }
0x14f: {  	s15 =	simm.s32 $0x2C80  }
0x150: {  	[tilespmem:s15], [sflag:$0x2] =	stream.indirect.gather [hbm4b:s4+s18], $0x1, s23, s18, $0xb8;
	[tilespmem:$0x3000] =	vst v63  }
0x151: {  	s22 =	simm.s32 $0x1D00  }
0x152: {  	[tilespmem:s22], [sflag:$0x2] =	stream.indirect.gather [hbm4b:s3+s18], $0x1, s26, s18, $0xb8;
	[tilespmem:$0x3000] =	vst v63  }
0x153: {  	s15 =	simm.s32 $0x2D00  }
0x154: {  	[tilespmem:s15], [sflag:$0x2] =	stream.indirect.gather [hbm4b:s4+s18], $0x1, s26, s18, $0xb8;
	[tilespmem:$0x3000] =	vst v63  }
0x155: {  	s22 =	simm.s32 $0x1D80  }
0x156: {  	[tilespmem:s22], [sflag:$0x2] =	stream.indirect.gather [hbm4b:s3+s18], $0x1, s30, s18, $0xb8;
	[tilespmem:$0x3000] =	vst v63  }
0x157: {  	s15 =	simm.s32 $0x2D80  }
0x158: {  	[tilespmem:s15], [sflag:$0x2] =	stream.indirect.gather [hbm4b:s4+s18], $0x1, s30, s18, $0xb8;
	[tilespmem:$0x3000] =	vst v63  }
0x159: {  	s22 =	simm.s32 $0x1E00  }
0x15a: {  	[tilespmem:s22], [sflag:$0x2] =	stream.indirect.gather [hbm4b:s3+s18], $0x1, s1, s18, $0xb8;
	[tilespmem:$0x3000] =	vst v63  }
0x15b: {  	s15 =	simm.s32 $0x2E00  }
0x15c: {  	[tilespmem:s15], [sflag:$0x2] =	stream.indirect.gather [hbm4b:s4+s18], $0x1, s1, s18, $0xb8;
	[tilespmem:$0x3000] =	vst v63  }
0x15d: {  	s22 =	simm.s32 $0x1E80  }
0x15e: {  	[tilespmem:s22], [sflag:$0x2] =	stream.indirect.gather [hbm4b:s3+s18], $0x1, s8, s18, $0xb8;
	[tilespmem:$0x3000] =	vst v63  }
0x15f: {  	s15 =	simm.s32 $0x2E80  }
0x160: {  	[tilespmem:s15], [sflag:$0x2] =	stream.indirect.gather [hbm4b:s4+s18], $0x1, s8, s18, $0xb8;
	[tilespmem:$0x3000] =	vst v63  }
0x161: {  	s22 =	simm.s32 $0x1F00  }
0x162: {  	[tilespmem:s22], [sflag:$0x2] =	stream.indirect.gather [hbm4b:s3+s18], $0x1, s10, s18, $0xb8;
	[tilespmem:$0x3000] =	vst v63  }
0x163: {  	s15 =	simm.s32 $0x2F00  }
0x164: {  	[tilespmem:s15], [sflag:$0x2] =	stream.indirect.gather [hbm4b:s4+s18], $0x1, s10, s18, $0xb8;
	[tilespmem:$0x3000] =	vst v63  }
0x165: {  	s22 =	simm.s32 $0x1F80  }
0x166: {  	[tilespmem:s22], [sflag:$0x2] =	stream.indirect.gather [hbm4b:s3+s18], $0x1, s21, s18, $0xb8;
	[tilespmem:$0x3000] =	vst v63  }
0x167: {  	s15 =	simm.s32 $0x2F80  }
0x168: {  	[tilespmem:s15], [sflag:$0x2] =	stream.indirect.gather [hbm4b:s4+s18], $0x1, s21, s18, $0xb8;
	[tilespmem:$0x3000] =	vst v63  }
0x169: {  	_ =	swait.ge [sflag:s25], $0x800  }
0x16a: {  	[sflag:s25] =	ssyncset.done $0x0  }
0x16b: {  	[sflag:s25] =	ssyncadd.s32 $0xFFFFF800  }
0x16c: {  	p0 =	seq.s32 s24, $0x2E00;
	_ =	swait.ge [sflag:s25], $0x800  }
.Ltmp2:
0x16d: {  	[sflag:s25] =	ssyncset.done $0x0;
	(pc) =	sbr.rel @p0 .LBB2_4-.Ltmp2, $4  }
0x16e: {  	s0 =	sadd.s32 $0x200, s0;
	[sflag:s25] =	ssyncadd.s32 $0xFFFFF800  }
0x16f: {  	[hbm4b:s0+s2] =	stream.linear.scatter [tilespmem:s9], [sflag:$0x3], $0x800, $0x38;
	[tilespmem:$0x3000] =	vst v63  }
0x170: {  	s22 =	sadd.s32 $0x200, s5  }
0x171: {  	[hbm4b:s22+s2] =	stream.linear.scatter [tilespmem:s12], [sflag:$0x3], $0x800, $0x38;
	[tilespmem:$0x3000] =	vst v63  }
.Ltmp3:
0x172: {  	(pc) =	sbr.rel .LBB2_2-.Ltmp3, $4  }
0x173: {  	_ = 	snop  }
0x174: {  	s0 =	rddreg [dreg:$0xd]  }
0x175: {  	s0 =	sadd.s32 s24, s0;
	s24 =	sadd.s32 $0x200, s24  }
0x176: {  	[tilespmem:s2], [sflag:$0x5] =	stream.linear.gather [hbm4b:s0+s2], $0x800, $0x38;
	[tilespmem:$0x3000] =	vst v63  }
.LBB2_5:
0x177: {  	_ =	sfence.sel $0x180000  }
0x178: {  	[bflag:$0x0] =	sbarrier.arrive $0xFFFF  }
0x179: {  	_ =	strace $0x90000047  }
0x17a: {  	s0 =	stileid.u32;
	[bflag:$0x2] =	sbarrier.arrive $0xFFFF  }
0x17b: {  	p0 =	sne.s32 s0, $0x0;
	s0 =	rddreg [dreg:$0x2]  }
0x17c: {  	s0 =	sadd.s32 @!p0 $0x100000, s0  }
0x17d: {  	[sflag:s0] =	ssyncadd.tile.s32 @!p0 $0x1;
	_ =	shalt  }
.Lfunc_end2:
_tile_overlayer_lowered:
.L_overlay_start_2:
0x17e: {  	(tag) =	ssettag $0x2  }
0x17f: {  	s0 =	rddreg [dreg:$0x0];
	s2 =	stileid.u32  }
0x180: {  	s1 =	rddreg [dreg:$0x1];
	p0 =	sne.s32 s2, $0x0  }
0x181: {  	s3 =	rddreg [dreg:$0x2];
	[bflag:$0x3] =	sbarrier.arrive $0xFFFF;
	s2 =	simm.s32 @!p0 $0x1C07  }
0x182: {  	[timem:s3], [sflag:s2] =	dma.local @!p0 [hbm:s0], s1  }
0x183: {  	s0 =	simm.s32 @!p0 $0x7  }
0x184: {  	_ =	swait.ge @!p0 [sflag:s0], s1  }
0x185: {  	s1 =	ssub.s32 @!p0 $0x0, s1;
	[sflag:s0] =	ssyncset.done @!p0 $0x0  }
0x186: {  	[sflag:s0] =	ssyncadd.s32 @!p0 s1  }
0x187: {  	[bflag:$0x3] =	sbarrier.arrive $0xFFFF  }
0x188: {  	_ =	shalt  }

</sc_bundles>
